<compile_context>
chip_gen: v7x
topology: tpu7x:2x2x1
jax: 0.10.2.dev20260603
libtpu: 0.0.44.dev20260713+nightly
codegen_flags: <defaults>
</compile_context>

<pallas_src>
import functools

import jax
import jax.numpy as jnp
from jax import lax
from jax.experimental import pallas as pl
from jax.experimental.pallas import tpu as pltpu
from jax.experimental.pallas import tpu_sc as plsc

NC = 2
NS = 16
NW = NC * NS
LANES = 16


def _make_transpose_kernel(V, D):
    TCOL = 128
    n_full = V // TCOL
    rem = V - n_full * TCOL
    per = n_full // NW
    extra = n_full - per * NW
    n_j = D // LANES

    mesh = plsc.VectorSubcoreMesh(
        core_axis_name="c", subcore_axis_name="s", num_cores=NC,
        num_subcores=NS)

    DW = D // 2

    @functools.partial(
        pl.kernel,
        mesh=mesh,
        compiler_params=pltpu.CompilerParams(
            use_tc_tiling_on_sc=True, needs_layout_passes=False),
        out_type=jax.ShapeDtypeStruct((V * DW,), jnp.int32),
        scratch_types=[
            pltpu.VMEM((D, TCOL), jnp.float32),
            pltpu.VMEM((D, TCOL), jnp.float32),
            pltpu.VMEM((DW * 136,), jnp.int32),
            pltpu.VMEM((TCOL * DW,), jnp.int32),
            pltpu.VMEM((TCOL * DW,), jnp.int32),
            pltpu.SemaphoreType.DMA,
            pltpu.SemaphoreType.DMA,
            pltpu.SemaphoreType.DMA,
        ],
    )
    def transpose_k(tT_hbm, tail_hbm, out_hbm, stage0, stage1, skew, outb0,
                    outb1, semi0, semi1, semo):
        wid = lax.axis_index("s") * NC + lax.axis_index("c")
        cnt = per + jnp.where(wid < extra, 1, 0)
        start = per * wid + jnp.minimum(wid, extra)

        iota = lax.iota(jnp.int32, 16)
        skew_base = [(iota + LANES * j) * 136 for j in range(DW // LANES)]

        def fire(k, stage, sem):
            col0 = (start + k) * TCOL
            pltpu.async_copy(
                tT_hbm.at[:, pl.ds(col0, TCOL)], stage, sem)

        def drain(k, stage, sem):
            col0 = (start + k) * TCOL
            pltpu.make_async_copy(
                tT_hbm.at[:, pl.ds(col0, TCOL)], stage, sem).wait()

        def transpose_block(stage, outb):
            @plsc.parallel_loop(0, DW, unroll=8)
            def dbody(dw):
                for g in range(TCOL // LANES):
                    a = stage[2 * dw, pl.ds(LANES * g, LANES)]
                    b = stage[2 * dw + 1, pl.ds(LANES * g, LANES)]
                    p = plsc.pack(a, b, format=plsc.PackFormat.INTERLEAVED)
                    skew[pl.ds(dw * 136 + LANES * g, LANES)] = (
                        plsc.bitcast(p, jnp.int32))

            @plsc.parallel_loop(0, TCOL, unroll=16)
            def cbody(c):
                base = c * DW
                for j in range(DW // LANES):
                    v = plsc.load_gather(skew, [skew_base[j] + c])
                    outb[pl.ds(base + LANES * j, LANES)] = v

        fire(0, stage0, semi0)

        def body2(i, _):
            k = i * 2

            @pl.when(k < cnt)
            def _():
                drain(k, stage0, semi0)

                @pl.when(k + 1 < cnt)
                def _():
                    fire(k + 1, stage1, semi1)

                transpose_block(stage0, outb0)
                col0 = (start + k) * TCOL
                pltpu.sync_copy(outb0, out_hbm.at[pl.ds(col0 * DW, TCOL * DW)])

            @pl.when(k + 1 < cnt)
            def _():
                drain(k + 1, stage1, semi1)

                @pl.when(k + 2 < cnt)
                def _():
                    fire(k + 2, stage0, semi0)

                transpose_block(stage1, outb1)
                col1 = (start + k + 1) * TCOL
                pltpu.sync_copy(outb1, out_hbm.at[pl.ds(col1 * DW, TCOL * DW)])
            return 0

        lax.fori_loop(0, (per + 2) // 2, body2, 0)

        if rem:
            @pl.when(wid == NW - 1)
            def _():
                n = rem * DW
                pltpu.sync_copy(tail_hbm, outb0.at[pl.ds(0, n)])
                pltpu.sync_copy(outb0.at[pl.ds(0, n)],
                                out_hbm.at[pl.ds(n_full * TCOL * DW, n)])

    return transpose_k


def _make_pool_kernel(B, L, V, D):
    assert B % NW == 0
    b_per_w = B // NW
    chunks = []
    off = 0
    while off < L:
        n = min(128, L - off)
        chunks.append((off, n))
        off += n
    n_j = D // LANES
    DW = D // 2
    n_jw = DW // LANES
    inv_l = 1.0 / float(L)

    mesh = plsc.VectorSubcoreMesh(
        core_axis_name="c", subcore_axis_name="s", num_cores=NC,
        num_subcores=NS)

    @functools.partial(
        pl.kernel,
        mesh=mesh,
        compiler_params=pltpu.CompilerParams(
            use_tc_tiling_on_sc=False, needs_layout_passes=False),
        out_type=jax.ShapeDtypeStruct((B, D), jnp.float32),
        scratch_types=[
            pltpu.VMEM((b_per_w, L), jnp.int32),
            pltpu.VMEM((L, DW), jnp.int32),
            pltpu.VMEM((L, DW), jnp.int32),
            pltpu.VMEM((b_per_w, D), jnp.float32),
            pltpu.SemaphoreType.DMA,
            pltpu.SemaphoreType.DMA,
        ],
    )
    def pool(x_hbm, table_hbm, out_hbm, idx_v, buf0, buf1, pooled_v,
             sem0, sem1):
        wid = lax.axis_index("s") * NC + lax.axis_index("c")
        base = wid * b_per_w

        pltpu.sync_copy(x_hbm.at[pl.ds(base, b_per_w)], idx_v)

        def fire(r, buf, sem):
            for (o, n) in chunks:
                pltpu.async_copy(
                    table_hbm.at[idx_v.at[r, pl.ds(o, n)]],
                    buf.at[pl.ds(o, n)], sem)

        def drain(r, buf, sem):
            for (o, n) in chunks:
                pltpu.make_async_copy(
                    table_hbm.at[idx_v.at[r, pl.ds(o, n)]],
                    buf.at[pl.ds(o, n)], sem).wait()

        def accum(r, buf):
            zero = tuple(jnp.zeros((LANES,), jnp.float32)
                         for _ in range(2 * n_jw))

            def body(s, accs):
                out = list(accs)
                for j in range(n_jw):
                    w = buf[s, pl.ds(j * LANES, LANES)]
                    a, b = plsc.unpack(
                        plsc.bitcast(w, jnp.bfloat16),
                        format=plsc.PackFormat.INTERLEAVED)
                    out[2 * j] = out[2 * j] + a
                    out[2 * j + 1] = out[2 * j + 1] + b
                return tuple(out)
            accs = plsc.parallel_loop(0, L, unroll=4, carry=zero)(body)
            for j in range(2 * n_jw):
                pooled_v[r, pl.ds(j * LANES, LANES)] = accs[j] * inv_l

        fire(0, buf0, sem0)

        def body2(i, _):
            r = i * 2
            drain(r, buf0, sem0)
            fire(r + 1, buf1, sem1)
            accum(r, buf0)
            drain(r + 1, buf1, sem1)

            @pl.when(r + 2 < b_per_w)
            def _():
                fire(r + 2, buf0, sem0)

            accum(r + 1, buf1)
            return 0

        lax.fori_loop(0, b_per_w // 2, body2, 0)

        pltpu.sync_copy(pooled_v, out_hbm.at[pl.ds(base, b_per_w)])

    return pool


def _mm_body(p_ref, w_ref, b_ref, o_ref):
    o_ref[...] = lax.dot_general(
        p_ref[...], w_ref[...],
        dimension_numbers=(((1,), (1,)), ((), ())),
        preferred_element_type=jnp.float32) + b_ref[...]


def kernel(x, table, W, b):
    B, L = x.shape
    V, D = table.shape
    C = W.shape[0]

    rem = V % 128
    DW = D // 2
    tb = table[V - rem:, :].astype(jnp.bfloat16)
    au = lax.bitcast_convert_type(tb[:, 0::2], jnp.uint16).astype(jnp.uint32)
    bu = lax.bitcast_convert_type(tb[:, 1::2], jnp.uint16).astype(jnp.uint32)
    tail = lax.bitcast_convert_type(
        au | (bu << 16), jnp.int32).reshape(rem * DW)

    table_lin = _make_transpose_kernel(V, D)(table.T, tail)
    pooled = _make_pool_kernel(B, L, V, D)(
        x.astype(jnp.int32), table_lin.reshape(V, DW))

    perm = []
    for j in range(D // 32):
        perm += [32 * j + 2 * k for k in range(16)]
        perm += [32 * j + 2 * k + 1 for k in range(16)]
    Wp = W[:, jnp.array(perm, dtype=jnp.int32)]

    logit = pl.pallas_call(
        _mm_body,
        out_shape=jax.ShapeDtypeStruct((B, C), jnp.float32),
    )(pooled, Wp, b.reshape(1, C))
    return logit

# --- scband reference (transcript-rebuilt; emitter-appended) ---
"""Pipeline reference for scband-fast-text-8993661518262 (READ-ONLY COPY).

The authoritative reference and input builder live on the scoring server;
editing this copy changes nothing except your own understanding.
"""

import jax, jax.numpy as jnp
import numpy as np

VOCAB = 1000000
EMBED_DIM = 64
TARGET_CLASS = 16
BATCH = 4096
SEQ_LEN = 200

def setup_inputs(seed: int = 0) -> dict:
    key = jax.random.key(seed)
    k1, k2, k3 = jax.random.split(key, 3)
    x = jax.random.randint(k1, (BATCH, SEQ_LEN), 0, VOCAB, dtype=jnp.int64 if jax.config.jax_enable_x64 else jnp.int32)
    # embedding table initialized uniform(-0.25, 0.25) as in the torch 'rand' mode
    table = jax.random.uniform(k2, (VOCAB, EMBED_DIM), minval=-0.25, maxval=0.25, dtype=jnp.float32)
    # fc1: Linear(words_dim, target_class)
    k3a, k3b = jax.random.split(k3)
    bound = 1.0 / np.sqrt(EMBED_DIM)
    W = jax.random.uniform(k3a, (TARGET_CLASS, EMBED_DIM), minval=-bound, maxval=bound, dtype=jnp.float32)
    b = jax.random.uniform(k3b, (TARGET_CLASS,), minval=-bound, maxval=bound, dtype=jnp.float32)
    return {"x": x, "table": table, "W": W, "b": b}

def reference(x, table, W, b):
    # embedding lookup (gather)
    emb = jnp.take(table, x, axis=0)            # [B, L, D]
    # F.avg_pool2d(x, (L, 1)).squeeze(1) == mean over the sequence axis
    pooled = jnp.mean(emb, axis=1)              # [B, D]
    # fc1 (dropout is defined in the torch module but never applied in forward)
    logit = pooled @ W.T + b                    # [B, C]
    return logit

if __name__ == "__main__":
    import jax
    _d = setup_inputs()
    print(jax.jit(kernel)(*tuple(_d.values())))

</pallas_src>

<mosaic_0001>
#map = affine_map<(d0, d1) -> (0, 0)>
module attributes {stable_mosaic.version = 14 : i64} {
  func.func @pool(%arg0: i32, %arg1: i32, %arg2: memref<4096x200xi32, #tpu.memory_space<hbm>>, %arg3: memref<1000000x32xi32, #tpu.memory_space<hbm>>, %arg4: memref<4096x64xf32, #tpu.memory_space<hbm>>, %arg5: memref<128x200xi32, #tpu.memory_space<vmem>>, %arg6: memref<200x32xi32, #tpu.memory_space<vmem>>, %arg7: memref<200x32xi32, #tpu.memory_space<vmem>>, %arg8: memref<128x64xf32, #tpu.memory_space<vmem>>, %arg9: memref<!tpu.dma_semaphore, #tpu.memory_space<semaphore_mem>>, %arg10: memref<!tpu.dma_semaphore, #tpu.memory_space<semaphore_mem>>) attributes {dimension_semantics = [#tpu.dimension_semantics<core_parallel>, #tpu.dimension_semantics<subcore_parallel>], iteration_bounds = array<i64: 2, 16>, scalar_prefetch = 0 : i64, scratch_operands = 6 : i64, tpu.core_type = #tpu.core_type<sc_vector_subcore>, window_params = [{transform_indices = #map}, {transform_indices = #map}, {transform_indices = #map}]} {
    %mul3A = arith.constant 2 : i32
    %mul3A_0 = arith.muli %arg1, %mul3A : i32
    %add3A = arith.addi %mul3A_0, %arg0 : i32
    %mul3A_1 = arith.constant 128 : i32
    %mul3A_2 = arith.muli %add3A, %mul3A_1 : i32
    "tpu.region"() ({
      %run_scoped3A = tpu.sem_alloc : memref<!tpu.dma_semaphore, #tpu.memory_space<semaphore_mem>>
      %dma_start3A_28 = arith.constant 0 : i32
      %dma_start3A_29 = tpu.memref_slice %arg2[%mul3A_2, %dma_start3A_28] : memref<4096x200xi32, #tpu.memory_space<hbm>> -> memref<128x200xi32, #tpu.memory_space<hbm>>
      %dma_start3A_30 = arith.constant 0 : i32
      %dma_start3A_31 = tpu.memref_slice %arg2[%mul3A_2, %dma_start3A_30] : memref<4096x200xi32, #tpu.memory_space<hbm>> -> memref<128x200xi32, #tpu.memory_space<hbm>>
      tpu.enqueue_dma source(%dma_start3A_31 : memref<128x200xi32, #tpu.memory_space<hbm>>) target(%arg5 : memref<128x200xi32, #tpu.memory_space<vmem>>) target_semaphore(%run_scoped3A : memref<!tpu.dma_semaphore, #tpu.memory_space<semaphore_mem>>)
      %dma_wait3A = arith.constant 0 : i32
      %dma_wait3A_32 = tpu.memref_slice %arg2[%mul3A_2, %dma_wait3A] : memref<4096x200xi32, #tpu.memory_space<hbm>> -> memref<128x200xi32, #tpu.memory_space<hbm>>
      %dma_wait3A_33 = arith.constant 0 : i32
      %dma_wait3A_34 = tpu.memref_slice %arg2[%mul3A_2, %dma_wait3A_33] : memref<4096x200xi32, #tpu.memory_space<hbm>> -> memref<128x200xi32, #tpu.memory_space<hbm>>
      tpu.wait_dma2 semaphore(%run_scoped3A : memref<!tpu.dma_semaphore, #tpu.memory_space<semaphore_mem>>) src(%dma_wait3A_34 : memref<128x200xi32, #tpu.memory_space<hbm>>) dst(%arg5 : memref<128x200xi32, #tpu.memory_space<vmem>>)
      tpu.yield
    }) : () -> ()
    %dma_start3A = arith.constant 0 : i32
    %dma_start3A_3 = arith.constant 0 : i32
    %dma_start3A_4 = arith.constant 0 : i32
    %dma_start3A_5 = tpu.memref_slice %arg6[%dma_start3A_3, %dma_start3A_4] : memref<200x32xi32, #tpu.memory_space<vmem>> -> memref<128x32xi32, #tpu.memory_space<vmem>>
    %dma_start3A_6 = arith.constant 0 : i32
    %dma_start3A_7 = tpu.memref_slice %arg5[%dma_start3A, %dma_start3A_6] : memref<128x200xi32, #tpu.memory_space<vmem>> -> memref<1x128xi32, #tpu.memory_space<vmem>>
    %dma_start3A_8 = tpu.memref_squeeze %dma_start3A_7 : memref<1x128xi32, #tpu.memory_space<vmem>> -> memref<128xi32, #tpu.memory_space<vmem>>
    %dma_start3A_9 = arith.constant 0 : i32
    %dma_start3A_10 = arith.constant 0 : i32
    %dma_start3A_11 = tpu.memref_slice %arg3[%dma_start3A_9, %dma_start3A_10] : memref<1000000x32xi32, #tpu.memory_space<hbm>> -> memref<1000000x32xi32, #tpu.memory_space<hbm>>
    tpu.enqueue_indirect_dma source(%dma_start3A_11 : memref<1000000x32xi32, #tpu.memory_space<hbm>>) target(%dma_start3A_5 : memref<128x32xi32, #tpu.memory_space<vmem>>) offsets(%dma_start3A_8 : memref<128xi32, #tpu.memory_space<vmem>>) semaphore(%arg9 : memref<!tpu.dma_semaphore, #tpu.memory_space<semaphore_mem>>)
    %dma_start3A_12 = arith.constant 0 : i32
    %dma_start3A_13 = arith.constant 128 : i32
    %dma_start3A_14 = arith.constant 0 : i32
    %dma_start3A_15 = tpu.memref_slice %arg6[%dma_start3A_13, %dma_start3A_14] : memref<200x32xi32, #tpu.memory_space<vmem>> -> memref<72x32xi32, #tpu.memory_space<vmem>>
    %dma_start3A_16 = arith.constant 128 : i32
    %dma_start3A_17 = tpu.memref_slice %arg5[%dma_start3A_12, %dma_start3A_16] : memref<128x200xi32, #tpu.memory_space<vmem>> -> memref<1x72xi32, #tpu.memory_space<vmem>>
    %dma_start3A_18 = tpu.memref_squeeze %dma_start3A_17 : memref<1x72xi32, #tpu.memory_space<vmem>> -> memref<72xi32, #tpu.memory_space<vmem>>
    %dma_start3A_19 = arith.constant 0 : i32
    %dma_start3A_20 = arith.constant 0 : i32
    %dma_start3A_21 = tpu.memref_slice %arg3[%dma_start3A_19, %dma_start3A_20] : memref<1000000x32xi32, #tpu.memory_space<hbm>> -> memref<1000000x32xi32, #tpu.memory_space<hbm>>
    tpu.enqueue_indirect_dma source(%dma_start3A_21 : memref<1000000x32xi32, #tpu.memory_space<hbm>>) target(%dma_start3A_15 : memref<72x32xi32, #tpu.memory_space<vmem>>) offsets(%dma_start3A_18 : memref<72xi32, #tpu.memory_space<vmem>>) semaphore(%arg9 : memref<!tpu.dma_semaphore, #tpu.memory_space<semaphore_mem>>)
    %scan3A = arith.constant 0 : i32
    %scan3A_22 = arith.constant 0 : i32
    %scan3A_23 = arith.constant 64 : i32
    %scan3A_24 = arith.addi %scan3A_22, %scan3A_23 : i32
    %scan3A_25 = arith.constant 1 : i32
    %scan3A_26 = scf.for %scan3A_28 = %scan3A_22 to %scan3A_24 step %scan3A_25 iter_args(%scan3A_29 = %scan3A) -> (i32)  : i32 {
      %mul3A_30 = arith.constant 2 : i32
      %mul3A_31 = arith.muli %scan3A_28, %mul3A_30 : i32
      %dma_wait3A = arith.constant 0 : i32
      %dma_wait3A_32 = arith.constant 0 : i32
      %dma_wait3A_33 = tpu.memref_slice %arg6[%dma_wait3A, %dma_wait3A_32] : memref<200x32xi32, #tpu.memory_space<vmem>> -> memref<128x32xi32, #tpu.memory_space<vmem>>
      %dma_wait3A_34 = arith.constant 0 : i32
      %dma_wait3A_35 = tpu.memref_slice %arg5[%mul3A_31, %dma_wait3A_34] : memref<128x200xi32, #tpu.memory_space<vmem>> -> memref<1x128xi32, #tpu.memory_space<vmem>>
      %dma_wait3A_36 = tpu.memref_squeeze %dma_wait3A_35 : memref<1x128xi32, #tpu.memory_space<vmem>> -> memref<128xi32, #tpu.memory_space<vmem>>
      %dma_wait3A_37 = arith.constant 0 : i32
      %dma_wait3A_38 = arith.constant 0 : i32
      %dma_wait3A_39 = tpu.memref_slice %arg3[%dma_wait3A_37, %dma_wait3A_38] : memref<1000000x32xi32, #tpu.memory_space<hbm>> -> memref<1000000x32xi32, #tpu.memory_space<hbm>>
      tpu.wait_indirect_dma semaphore(%arg9 : memref<!tpu.dma_semaphore, #tpu.memory_space<semaphore_mem>>) src(%dma_wait3A_39 : memref<1000000x32xi32, #tpu.memory_space<hbm>>) dst(%dma_wait3A_33 : memref<128x32xi32, #tpu.memory_space<vmem>>)
      %dma_wait3A_40 = arith.constant 128 : i32
      %dma_wait3A_41 = arith.constant 0 : i32
      %dma_wait3A_42 = tpu.memref_slice %arg6[%dma_wait3A_40, %dma_wait3A_41] : memref<200x32xi32, #tpu.memory_space<vmem>> -> memref<72x32xi32, #tpu.memory_space<vmem>>
      %dma_wait3A_43 = arith.constant 128 : i32
      %dma_wait3A_44 = tpu.memref_slice %arg5[%mul3A_31, %dma_wait3A_43] : memref<128x200xi32, #tpu.memory_space<vmem>> -> memref<1x72xi32, #tpu.memory_space<vmem>>
      %dma_wait3A_45 = tpu.memref_squeeze %dma_wait3A_44 : memref<1x72xi32, #tpu.memory_space<vmem>> -> memref<72xi32, #tpu.memory_space<vmem>>
      %dma_wait3A_46 = arith.constant 0 : i32
      %dma_wait3A_47 = arith.constant 0 : i32
      %dma_wait3A_48 = tpu.memref_slice %arg3[%dma_wait3A_46, %dma_wait3A_47] : memref<1000000x32xi32, #tpu.memory_space<hbm>> -> memref<1000000x32xi32, #tpu.memory_space<hbm>>
      tpu.wait_indirect_dma semaphore(%arg9 : memref<!tpu.dma_semaphore, #tpu.memory_space<semaphore_mem>>) src(%dma_wait3A_48 : memref<1000000x32xi32, #tpu.memory_space<hbm>>) dst(%dma_wait3A_42 : memref<72x32xi32, #tpu.memory_space<vmem>>)
      %add3A_49 = arith.constant 1 : i32
      %add3A_50 = arith.addi %mul3A_31, %add3A_49 : i32
      %dma_start3A_51 = arith.constant 0 : i32
      %dma_start3A_52 = arith.constant 0 : i32
      %dma_start3A_53 = tpu.memref_slice %arg7[%dma_start3A_51, %dma_start3A_52] : memref<200x32xi32, #tpu.memory_space<vmem>> -> memref<128x32xi32, #tpu.memory_space<vmem>>
      %dma_start3A_54 = arith.constant 0 : i32
      %dma_start3A_55 = tpu.memref_slice %arg5[%add3A_50, %dma_start3A_54] : memref<128x200xi32, #tpu.memory_space<vmem>> -> memref<1x128xi32, #tpu.memory_space<vmem>>
      %dma_start3A_56 = tpu.memref_squeeze %dma_start3A_55 : memref<1x128xi32, #tpu.memory_space<vmem>> -> memref<128xi32, #tpu.memory_space<vmem>>
      %dma_start3A_57 = arith.constant 0 : i32
      %dma_start3A_58 = arith.constant 0 : i32
      %dma_start3A_59 = tpu.memref_slice %arg3[%dma_start3A_57, %dma_start3A_58] : memref<1000000x32xi32, #tpu.memory_space<hbm>> -> memref<1000000x32xi32, #tpu.memory_space<hbm>>
      tpu.enqueue_indirect_dma source(%dma_start3A_59 : memref<1000000x32xi32, #tpu.memory_space<hbm>>) target(%dma_start3A_53 : memref<128x32xi32, #tpu.memory_space<vmem>>) offsets(%dma_start3A_56 : memref<128xi32, #tpu.memory_space<vmem>>) semaphore(%arg10 : memref<!tpu.dma_semaphore, #tpu.memory_space<semaphore_mem>>)
      %dma_start3A_60 = arith.constant 128 : i32
      %dma_start3A_61 = arith.constant 0 : i32
      %dma_start3A_62 = tpu.memref_slice %arg7[%dma_start3A_60, %dma_start3A_61] : memref<200x32xi32, #tpu.memory_space<vmem>> -> memref<72x32xi32, #tpu.memory_space<vmem>>
      %dma_start3A_63 = arith.constant 128 : i32
      %dma_start3A_64 = tpu.memref_slice %arg5[%add3A_50, %dma_start3A_63] : memref<128x200xi32, #tpu.memory_space<vmem>> -> memref<1x72xi32, #tpu.memory_space<vmem>>
      %dma_start3A_65 = tpu.memref_squeeze %dma_start3A_64 : memref<1x72xi32, #tpu.memory_space<vmem>> -> memref<72xi32, #tpu.memory_space<vmem>>
      %dma_start3A_66 = arith.constant 0 : i32
      %dma_start3A_67 = arith.constant 0 : i32
      %dma_start3A_68 = tpu.memref_slice %arg3[%dma_start3A_66, %dma_start3A_67] : memref<1000000x32xi32, #tpu.memory_space<hbm>> -> memref<1000000x32xi32, #tpu.memory_space<hbm>>
      tpu.enqueue_indirect_dma source(%dma_start3A_68 : memref<1000000x32xi32, #tpu.memory_space<hbm>>) target(%dma_start3A_62 : memref<72x32xi32, #tpu.memory_space<vmem>>) offsets(%dma_start3A_65 : memref<72xi32, #tpu.memory_space<vmem>>) semaphore(%arg10 : memref<!tpu.dma_semaphore, #tpu.memory_space<semaphore_mem>>)
      %broadcast_in_dim3A = arith.constant 0.000000e+00 : f32
      %broadcast_in_dim3A_69 = vector.broadcast %broadcast_in_dim3A : f32 to vector<16xf32>
      %broadcast_in_dim3A_70 = arith.constant 0.000000e+00 : f32
      %broadcast_in_dim3A_71 = vector.broadcast %broadcast_in_dim3A_70 : f32 to vector<16xf32>
      %broadcast_in_dim3A_72 = arith.constant 0.000000e+00 : f32
      %broadcast_in_dim3A_73 = vector.broadcast %broadcast_in_dim3A_72 : f32 to vector<16xf32>
      %broadcast_in_dim3A_74 = arith.constant 0.000000e+00 : f32
      %broadcast_in_dim3A_75 = vector.broadcast %broadcast_in_dim3A_74 : f32 to vector<16xf32>
      %parallel_loop3A = arith.constant 0 : i32
      %parallel_loop3A_76 = arith.constant 200 : i32
      %parallel_loop3A_77 = arith.constant 1 : i32
      %parallel_loop3A_78:4 = scf.for %parallel_loop3A_165 = %parallel_loop3A to %parallel_loop3A_76 step %parallel_loop3A_77 iter_args(%parallel_loop3A_166 = %broadcast_in_dim3A_69, %parallel_loop3A_167 = %broadcast_in_dim3A_71, %parallel_loop3A_168 = %broadcast_in_dim3A_73, %parallel_loop3A_169 = %broadcast_in_dim3A_75) -> (vector<16xf32>, vector<16xf32>, vector<16xf32>, vector<16xf32>)  : i32 {
        %parallel_loop3A_170 = arith.index_cast %parallel_loop3A_165 : i32 to index
        %parallel_loop3A_171 = arith.constant 0 : index
        %parallel_loop3A_172 = tpu.vector_load %arg6[%parallel_loop3A_170, %parallel_loop3A_171] {strides = array<i32>} : memref<200x32xi32, #tpu.memory_space<vmem>>, vector<16xi32>,
        %parallel_loop3A_173 = vector.bitcast %parallel_loop3A_172 : vector<16xi32> to vector<32xbf16>
        %parallel_loop3A_174 = tpu.unpack_subelements %parallel_loop3A_173, 0 {pack_format = #tpu.pack_format<interleaved>} : vector<32xbf16> -> vector<16xf32>
        %parallel_loop3A_175 = tpu.unpack_subelements %parallel_loop3A_173, 1 {pack_format = #tpu.pack_format<interleaved>} : vector<32xbf16> -> vector<16xf32>
        %parallel_loop3A_176 = arith.addf %parallel_loop3A_166, %parallel_loop3A_174 : vector<16xf32>
        %parallel_loop3A_177 = arith.addf %parallel_loop3A_167, %parallel_loop3A_175 : vector<16xf32>
        %parallel_loop3A_178 = arith.index_cast %parallel_loop3A_165 : i32 to index
        %parallel_loop3A_179 = arith.constant 16 : index
        %parallel_loop3A_180 = tpu.vector_load %arg6[%parallel_loop3A_178, %parallel_loop3A_179] {strides = array<i32>} : memref<200x32xi32, #tpu.memory_space<vmem>>, vector<16xi32>,
        %parallel_loop3A_181 = vector.bitcast %parallel_loop3A_180 : vector<16xi32> to vector<32xbf16>
        %parallel_loop3A_182 = tpu.unpack_subelements %parallel_loop3A_181, 0 {pack_format = #tpu.pack_format<interleaved>} : vector<32xbf16> -> vector<16xf32>
        %parallel_loop3A_183 = tpu.unpack_subelements %parallel_loop3A_181, 1 {pack_format = #tpu.pack_format<interleaved>} : vector<32xbf16> -> vector<16xf32>
        %parallel_loop3A_184 = arith.addf %parallel_loop3A_168, %parallel_loop3A_182 : vector<16xf32>
        %parallel_loop3A_185 = arith.addf %parallel_loop3A_169, %parallel_loop3A_183 : vector<16xf32>
        scf.yield %parallel_loop3A_176, %parallel_loop3A_177, %parallel_loop3A_184, %parallel_loop3A_185 : vector<16xf32>, vector<16xf32>, vector<16xf32>, vector<16xf32>
      } {sc.loop_unroll_factor = 4 : i64, sc.parallel_access}
      %mul3A_79 = arith.constant 5.000000e-03 : f32
      %mul3A_80 = vector.broadcast %mul3A_79 : f32 to vector<16xf32>
      %mul3A_81 = arith.mulf %parallel_loop3A_78#0, %mul3A_80 : vector<16xf32>
      %swap3A = arith.index_cast %mul3A_31 : i32 to index
      %swap3A_82 = arith.constant 0 : index
      %swap3A_83 = tpu.vector_load %arg8[%swap3A, %swap3A_82] {strides = array<i32>} : memref<128x64xf32, #tpu.memory_space<vmem>>, vector<16xf32>,
      tpu.vector_store %arg8[%swap3A, %swap3A_82], %mul3A_81 {strides = array<i32>} : memref<128x64xf32, #tpu.memory_space<vmem>>, vector<16xf32>,
      %mul3A_84 = arith.constant 5.000000e-03 : f32
      %mul3A_85 = vector.broadcast %mul3A_84 : f32 to vector<16xf32>
      %mul3A_86 = arith.mulf %parallel_loop3A_78#1, %mul3A_85 : vector<16xf32>
      %swap3A_87 = arith.index_cast %mul3A_31 : i32 to index
      %swap3A_88 = arith.constant 16 : index
      %swap3A_89 = tpu.vector_load %arg8[%swap3A_87, %swap3A_88] {strides = array<i32>} : memref<128x64xf32, #tpu.memory_space<vmem>>, vector<16xf32>,
      tpu.vector_store %arg8[%swap3A_87, %swap3A_88], %mul3A_86 {strides = array<i32>} : memref<128x64xf32, #tpu.memory_space<vmem>>, vector<16xf32>,
      %mul3A_90 = arith.constant 5.000000e-03 : f32
      %mul3A_91 = vector.broadcast %mul3A_90 : f32 to vector<16xf32>
      %mul3A_92 = arith.mulf %parallel_loop3A_78#2, %mul3A_91 : vector<16xf32>
      %swap3A_93 = arith.index_cast %mul3A_31 : i32 to index
      %swap3A_94 = arith.constant 32 : index
      %swap3A_95 = tpu.vector_load %arg8[%swap3A_93, %swap3A_94] {strides = array<i32>} : memref<128x64xf32, #tpu.memory_space<vmem>>, vector<16xf32>,
      tpu.vector_store %arg8[%swap3A_93, %swap3A_94], %mul3A_92 {strides = array<i32>} : memref<128x64xf32, #tpu.memory_space<vmem>>, vector<16xf32>,
      %mul3A_96 = arith.constant 5.000000e-03 : f32
      %mul3A_97 = vector.broadcast %mul3A_96 : f32 to vector<16xf32>
      %mul3A_98 = arith.mulf %parallel_loop3A_78#3, %mul3A_97 : vector<16xf32>
      %swap3A_99 = arith.index_cast %mul3A_31 : i32 to index
      %swap3A_100 = arith.constant 48 : index
      %swap3A_101 = tpu.vector_load %arg8[%swap3A_99, %swap3A_100] {strides = array<i32>} : memref<128x64xf32, #tpu.memory_space<vmem>>, vector<16xf32>,
      tpu.vector_store %arg8[%swap3A_99, %swap3A_100], %mul3A_98 {strides = array<i32>} : memref<128x64xf32, #tpu.memory_space<vmem>>, vector<16xf32>,
      %add3A_102 = arith.constant 1 : i32
      %add3A_103 = arith.addi %mul3A_31, %add3A_102 : i32
      %dma_wait3A_104 = arith.constant 0 : i32
      %dma_wait3A_105 = arith.constant 0 : i32
      %dma_wait3A_106 = tpu.memref_slice %arg7[%dma_wait3A_104, %dma_wait3A_105] : memref<200x32xi32, #tpu.memory_space<vmem>> -> memref<128x32xi32, #tpu.memory_space<vmem>>
      %dma_wait3A_107 = arith.constant 0 : i32
      %dma_wait3A_108 = tpu.memref_slice %arg5[%add3A_103, %dma_wait3A_107] : memref<128x200xi32, #tpu.memory_space<vmem>> -> memref<1x128xi32, #tpu.memory_space<vmem>>
      %dma_wait3A_109 = tpu.memref_squeeze %dma_wait3A_108 : memref<1x128xi32, #tpu.memory_space<vmem>> -> memref<128xi32, #tpu.memory_space<vmem>>
      %dma_wait3A_110 = arith.constant 0 : i32
      %dma_wait3A_111 = arith.constant 0 : i32
      %dma_wait3A_112 = tpu.memref_slice %arg3[%dma_wait3A_110, %dma_wait3A_111] : memref<1000000x32xi32, #tpu.memory_space<hbm>> -> memref<1000000x32xi32, #tpu.memory_space<hbm>>
      tpu.wait_indirect_dma semaphore(%arg10 : memref<!tpu.dma_semaphore, #tpu.memory_space<semaphore_mem>>) src(%dma_wait3A_112 : memref<1000000x32xi32, #tpu.memory_space<hbm>>) dst(%dma_wait3A_106 : memref<128x32xi32, #tpu.memory_space<vmem>>)
      %dma_wait3A_113 = arith.constant 128 : i32
      %dma_wait3A_114 = arith.constant 0 : i32
      %dma_wait3A_115 = tpu.memref_slice %arg7[%dma_wait3A_113, %dma_wait3A_114] : memref<200x32xi32, #tpu.memory_space<vmem>> -> memref<72x32xi32, #tpu.memory_space<vmem>>
      %dma_wait3A_116 = arith.constant 128 : i32
      %dma_wait3A_117 = tpu.memref_slice %arg5[%add3A_103, %dma_wait3A_116] : memref<128x200xi32, #tpu.memory_space<vmem>> -> memref<1x72xi32, #tpu.memory_space<vmem>>
      %dma_wait3A_118 = tpu.memref_squeeze %dma_wait3A_117 : memref<1x72xi32, #tpu.memory_space<vmem>> -> memref<72xi32, #tpu.memory_space<vmem>>
      %dma_wait3A_119 = arith.constant 0 : i32
      %dma_wait3A_120 = arith.constant 0 : i32
      %dma_wait3A_121 = tpu.memref_slice %arg3[%dma_wait3A_119, %dma_wait3A_120] : memref<1000000x32xi32, #tpu.memory_space<hbm>> -> memref<1000000x32xi32, #tpu.memory_space<hbm>>
      tpu.wait_indirect_dma semaphore(%arg10 : memref<!tpu.dma_semaphore, #tpu.memory_space<semaphore_mem>>) src(%dma_wait3A_121 : memref<1000000x32xi32, #tpu.memory_space<hbm>>) dst(%dma_wait3A_115 : memref<72x32xi32, #tpu.memory_space<vmem>>)
      %add3A_122 = arith.constant 2 : i32
      %add3A_123 = arith.addi %mul3A_31, %add3A_122 : i32
      %lt3A = arith.constant 128 : i32
      %lt3A_124 = arith.cmpi slt, %add3A_123, %lt3A : i32
      %convert_element_type3A = arith.extui %lt3A_124 : i1 to i32
      %cond3A = arith.constant 0 : i32
      %cond3A_125 = arith.cmpi ne, %convert_element_type3A, %cond3A : i32
      scf.if %cond3A_125 {
        %add3A_165 = arith.constant 2 : i32
        %add3A_166 = arith.addi %mul3A_31, %add3A_165 : i32
        %dma_start3A_167 = arith.constant 0 : i32
        %dma_start3A_168 = arith.constant 0 : i32
        %dma_start3A_169 = tpu.memref_slice %arg6[%dma_start3A_167, %dma_start3A_168] : memref<200x32xi32, #tpu.memory_space<vmem>> -> memref<128x32xi32, #tpu.memory_space<vmem>>
        %dma_start3A_170 = arith.constant 0 : i32
        %dma_start3A_171 = tpu.memref_slice %arg5[%add3A_166, %dma_start3A_170] : memref<128x200xi32, #tpu.memory_space<vmem>> -> memref<1x128xi32, #tpu.memory_space<vmem>>
        %dma_start3A_172 = tpu.memref_squeeze %dma_start3A_171 : memref<1x128xi32, #tpu.memory_space<vmem>> -> memref<128xi32, #tpu.memory_space<vmem>>
        %dma_start3A_173 = arith.constant 0 : i32
        %dma_start3A_174 = arith.constant 0 : i32
        %dma_start3A_175 = tpu.memref_slice %arg3[%dma_start3A_173, %dma_start3A_174] : memref<1000000x32xi32, #tpu.memory_space<hbm>> -> memref<1000000x32xi32, #tpu.memory_space<hbm>>
        tpu.enqueue_indirect_dma source(%dma_start3A_175 : memref<1000000x32xi32, #tpu.memory_space<hbm>>) target(%dma_start3A_169 : memref<128x32xi32, #tpu.memory_space<vmem>>) offsets(%dma_start3A_172 : memref<128xi32, #tpu.memory_space<vmem>>) semaphore(%arg9 : memref<!tpu.dma_semaphore, #tpu.memory_space<semaphore_mem>>)
        %dma_start3A_176 = arith.constant 128 : i32
        %dma_start3A_177 = arith.constant 0 : i32
        %dma_start3A_178 = tpu.memref_slice %arg6[%dma_start3A_176, %dma_start3A_177] : memref<200x32xi32, #tpu.memory_space<vmem>> -> memref<72x32xi32, #tpu.memory_space<vmem>>
        %dma_start3A_179 = arith.constant 128 : i32
        %dma_start3A_180 = tpu.memref_slice %arg5[%add3A_166, %dma_start3A_179] : memref<128x200xi32, #tpu.memory_space<vmem>> -> memref<1x72xi32, #tpu.memory_space<vmem>>
        %dma_start3A_181 = tpu.memref_squeeze %dma_start3A_180 : memref<1x72xi32, #tpu.memory_space<vmem>> -> memref<72xi32, #tpu.memory_space<vmem>>
        %dma_start3A_182 = arith.constant 0 : i32
        %dma_start3A_183 = arith.constant 0 : i32
        %dma_start3A_184 = tpu.memref_slice %arg3[%dma_start3A_182, %dma_start3A_183] : memref<1000000x32xi32, #tpu.memory_space<hbm>> -> memref<1000000x32xi32, #tpu.memory_space<hbm>>
        tpu.enqueue_indirect_dma source(%dma_start3A_184 : memref<1000000x32xi32, #tpu.memory_space<hbm>>) target(%dma_start3A_178 : memref<72x32xi32, #tpu.memory_space<vmem>>) offsets(%dma_start3A_181 : memref<72xi32, #tpu.memory_space<vmem>>) semaphore(%arg9 : memref<!tpu.dma_semaphore, #tpu.memory_space<semaphore_mem>>)
      } else {
      }
      %add3A_126 = arith.constant 1 : i32
      %add3A_127 = arith.addi %mul3A_31, %add3A_126 : i32
      %broadcast_in_dim3A_128 = arith.constant 0.000000e+00 : f32
      %broadcast_in_dim3A_129 = vector.broadcast %broadcast_in_dim3A_128 : f32 to vector<16xf32>
      %broadcast_in_dim3A_130 = arith.constant 0.000000e+00 : f32
      %broadcast_in_dim3A_131 = vector.broadcast %broadcast_in_dim3A_130 : f32 to vector<16xf32>
      %broadcast_in_dim3A_132 = arith.constant 0.000000e+00 : f32
      %broadcast_in_dim3A_133 = vector.broadcast %broadcast_in_dim3A_132 : f32 to vector<16xf32>
      %broadcast_in_dim3A_134 = arith.constant 0.000000e+00 : f32
      %broadcast_in_dim3A_135 = vector.broadcast %broadcast_in_dim3A_134 : f32 to vector<16xf32>
      %parallel_loop3A_136 = arith.constant 0 : i32
      %parallel_loop3A_137 = arith.constant 200 : i32
      %parallel_loop3A_138 = arith.constant 1 : i32
      %parallel_loop3A_139:4 = scf.for %parallel_loop3A_165 = %parallel_loop3A_136 to %parallel_loop3A_137 step %parallel_loop3A_138 iter_args(%parallel_loop3A_166 = %broadcast_in_dim3A_129, %parallel_loop3A_167 = %broadcast_in_dim3A_131, %parallel_loop3A_168 = %broadcast_in_dim3A_133, %parallel_loop3A_169 = %broadcast_in_dim3A_135) -> (vector<16xf32>, vector<16xf32>, vector<16xf32>, vector<16xf32>)  : i32 {
        %parallel_loop3A_170 = arith.index_cast %parallel_loop3A_165 : i32 to index
        %parallel_loop3A_171 = arith.constant 0 : index
        %parallel_loop3A_172 = tpu.vector_load %arg7[%parallel_loop3A_170, %parallel_loop3A_171] {strides = array<i32>} : memref<200x32xi32, #tpu.memory_space<vmem>>, vector<16xi32>,
        %parallel_loop3A_173 = vector.bitcast %parallel_loop3A_172 : vector<16xi32> to vector<32xbf16>
        %parallel_loop3A_174 = tpu.unpack_subelements %parallel_loop3A_173, 0 {pack_format = #tpu.pack_format<interleaved>} : vector<32xbf16> -> vector<16xf32>
        %parallel_loop3A_175 = tpu.unpack_subelements %parallel_loop3A_173, 1 {pack_format = #tpu.pack_format<interleaved>} : vector<32xbf16> -> vector<16xf32>
        %parallel_loop3A_176 = arith.addf %parallel_loop3A_166, %parallel_loop3A_174 : vector<16xf32>
        %parallel_loop3A_177 = arith.addf %parallel_loop3A_167, %parallel_loop3A_175 : vector<16xf32>
        %parallel_loop3A_178 = arith.index_cast %parallel_loop3A_165 : i32 to index
        %parallel_loop3A_179 = arith.constant 16 : index
        %parallel_loop3A_180 = tpu.vector_load %arg7[%parallel_loop3A_178, %parallel_loop3A_179] {strides = array<i32>} : memref<200x32xi32, #tpu.memory_space<vmem>>, vector<16xi32>,
        %parallel_loop3A_181 = vector.bitcast %parallel_loop3A_180 : vector<16xi32> to vector<32xbf16>
        %parallel_loop3A_182 = tpu.unpack_subelements %parallel_loop3A_181, 0 {pack_format = #tpu.pack_format<interleaved>} : vector<32xbf16> -> vector<16xf32>
        %parallel_loop3A_183 = tpu.unpack_subelements %parallel_loop3A_181, 1 {pack_format = #tpu.pack_format<interleaved>} : vector<32xbf16> -> vector<16xf32>
        %parallel_loop3A_184 = arith.addf %parallel_loop3A_168, %parallel_loop3A_182 : vector<16xf32>
        %parallel_loop3A_185 = arith.addf %parallel_loop3A_169, %parallel_loop3A_183 : vector<16xf32>
        scf.yield %parallel_loop3A_176, %parallel_loop3A_177, %parallel_loop3A_184, %parallel_loop3A_185 : vector<16xf32>, vector<16xf32>, vector<16xf32>, vector<16xf32>
      } {sc.loop_unroll_factor = 4 : i64, sc.parallel_access}
      %mul3A_140 = arith.constant 5.000000e-03 : f32
      %mul3A_141 = vector.broadcast %mul3A_140 : f32 to vector<16xf32>
      %mul3A_142 = arith.mulf %parallel_loop3A_139#0, %mul3A_141 : vector<16xf32>
      %swap3A_143 = arith.index_cast %add3A_127 : i32 to index
      %swap3A_144 = arith.constant 0 : index
      %swap3A_145 = tpu.vector_load %arg8[%swap3A_143, %swap3A_144] {strides = array<i32>} : memref<128x64xf32, #tpu.memory_space<vmem>>, vector<16xf32>,
      tpu.vector_store %arg8[%swap3A_143, %swap3A_144], %mul3A_142 {strides = array<i32>} : memref<128x64xf32, #tpu.memory_space<vmem>>, vector<16xf32>,
      %mul3A_146 = arith.constant 5.000000e-03 : f32
      %mul3A_147 = vector.broadcast %mul3A_146 : f32 to vector<16xf32>
      %mul3A_148 = arith.mulf %parallel_loop3A_139#1, %mul3A_147 : vector<16xf32>
      %swap3A_149 = arith.index_cast %add3A_127 : i32 to index
      %swap3A_150 = arith.constant 16 : index
      %swap3A_151 = tpu.vector_load %arg8[%swap3A_149, %swap3A_150] {strides = array<i32>} : memref<128x64xf32, #tpu.memory_space<vmem>>, vector<16xf32>,
      tpu.vector_store %arg8[%swap3A_149, %swap3A_150], %mul3A_148 {strides = array<i32>} : memref<128x64xf32, #tpu.memory_space<vmem>>, vector<16xf32>,
      %mul3A_152 = arith.constant 5.000000e-03 : f32
      %mul3A_153 = vector.broadcast %mul3A_152 : f32 to vector<16xf32>
      %mul3A_154 = arith.mulf %parallel_loop3A_139#2, %mul3A_153 : vector<16xf32>
      %swap3A_155 = arith.index_cast %add3A_127 : i32 to index
      %swap3A_156 = arith.constant 32 : index
      %swap3A_157 = tpu.vector_load %arg8[%swap3A_155, %swap3A_156] {strides = array<i32>} : memref<128x64xf32, #tpu.memory_space<vmem>>, vector<16xf32>,
      tpu.vector_store %arg8[%swap3A_155, %swap3A_156], %mul3A_154 {strides = array<i32>} : memref<128x64xf32, #tpu.memory_space<vmem>>, vector<16xf32>,
      %mul3A_158 = arith.constant 5.000000e-03 : f32
      %mul3A_159 = vector.broadcast %mul3A_158 : f32 to vector<16xf32>
      %mul3A_160 = arith.mulf %parallel_loop3A_139#3, %mul3A_159 : vector<16xf32>
      %swap3A_161 = arith.index_cast %add3A_127 : i32 to index
      %swap3A_162 = arith.constant 48 : index
      %swap3A_163 = tpu.vector_load %arg8[%swap3A_161, %swap3A_162] {strides = array<i32>} : memref<128x64xf32, #tpu.memory_space<vmem>>, vector<16xf32>,
      tpu.vector_store %arg8[%swap3A_161, %swap3A_162], %mul3A_160 {strides = array<i32>} : memref<128x64xf32, #tpu.memory_space<vmem>>, vector<16xf32>,
      %scan3A_164 = arith.constant 0 : i32
      scf.yield %scan3A_164 : i32
    }
    %scan3A_27 = arith.constant 64 : i32
    "tpu.region"() ({
      %run_scoped3A = tpu.sem_alloc : memref<!tpu.dma_semaphore, #tpu.memory_space<semaphore_mem>>
      %dma_start3A_28 = arith.constant 0 : i32
      %dma_start3A_29 = tpu.memref_slice %arg4[%mul3A_2, %dma_start3A_28] : memref<4096x64xf32, #tpu.memory_space<hbm>> -> memref<128x64xf32, #tpu.memory_space<hbm>>
      %dma_start3A_30 = arith.constant 0 : i32
      %dma_start3A_31 = tpu.memref_slice %arg4[%mul3A_2, %dma_start3A_30] : memref<4096x64xf32, #tpu.memory_space<hbm>> -> memref<128x64xf32, #tpu.memory_space<hbm>>
      tpu.enqueue_dma source(%arg8 : memref<128x64xf32, #tpu.memory_space<vmem>>) target(%dma_start3A_31 : memref<128x64xf32, #tpu.memory_space<hbm>>) target_semaphore(%run_scoped3A : memref<!tpu.dma_semaphore, #tpu.memory_space<semaphore_mem>>)
      %dma_wait3A = arith.constant 0 : i32
      %dma_wait3A_32 = tpu.memref_slice %arg4[%mul3A_2, %dma_wait3A] : memref<4096x64xf32, #tpu.memory_space<hbm>> -> memref<128x64xf32, #tpu.memory_space<hbm>>
      %dma_wait3A_33 = arith.constant 0 : i32
      %dma_wait3A_34 = tpu.memref_slice %arg4[%mul3A_2, %dma_wait3A_33] : memref<4096x64xf32, #tpu.memory_space<hbm>> -> memref<128x64xf32, #tpu.memory_space<hbm>>
      tpu.wait_dma2 semaphore(%run_scoped3A : memref<!tpu.dma_semaphore, #tpu.memory_space<semaphore_mem>>) src(%arg8 : memref<128x64xf32, #tpu.memory_space<vmem>>) dst(%dma_wait3A_34 : memref<128x64xf32, #tpu.memory_space<hbm>>)
      tpu.yield
    }) : () -> ()
    return
  }
}

#map = affine_map<(d0, d1) -> (0, 0)>
#map1 = affine_map<(d0, d1) -> (0)>
module attributes {stable_mosaic.version = 14 : i64} {
  func.func @transpose_k(%arg0: i32, %arg1: i32, %arg2: memref<64x1000000xf32, #tpu.memory_space<hbm>>, %arg3: memref<2048xi32, #tpu.memory_space<hbm>>, %arg4: memref<32000000xi32, #tpu.memory_space<hbm>>, %arg5: memref<64x128xf32, #tpu.memory_space<vmem>>, %arg6: memref<64x128xf32, #tpu.memory_space<vmem>>, %arg7: memref<4352xi32, #tpu.memory_space<vmem>>, %arg8: memref<4096xi32, #tpu.memory_space<vmem>>, %arg9: memref<4096xi32, #tpu.memory_space<vmem>>, %arg10: memref<!tpu.dma_semaphore, #tpu.memory_space<semaphore_mem>>, %arg11: memref<!tpu.dma_semaphore, #tpu.memory_space<semaphore_mem>>, %arg12: memref<!tpu.dma_semaphore, #tpu.memory_space<semaphore_mem>>) attributes {dimension_semantics = [#tpu.dimension_semantics<core_parallel>, #tpu.dimension_semantics<subcore_parallel>], iteration_bounds = array<i64: 2, 16>, scalar_prefetch = 0 : i64, scratch_operands = 8 : i64, tpu.core_type = #tpu.core_type<sc_vector_subcore>, window_params = [{transform_indices = #map}, {transform_indices = #map1}, {transform_indices = #map1}]} {
    %mul3A = arith.constant 2 : i32
    %mul3A_0 = arith.muli %arg1, %mul3A : i32
    %add3A = arith.addi %mul3A_0, %arg0 : i32
    %lt3A = arith.constant 4 : i32
    %lt3A_1 = arith.cmpi slt, %add3A, %lt3A : i32
    %jit3A = arith.constant 1 : i32
    %jit3A_2 = arith.constant 0 : i32
    %select_n3A = arith.select %lt3A_1, %jit3A, %jit3A_2 : i32
    %add3A_3 = arith.constant 244 : i32
    %add3A_4 = arith.addi %add3A_3, %select_n3A : i32
    %mul3A_5 = arith.constant 244 : i32
    %mul3A_6 = arith.muli %mul3A_5, %add3A : i32
    %min3A = arith.constant 4 : i32
    %min3A_7 = arith.minsi %add3A, %min3A : i32
    %add3A_8 = arith.addi %mul3A_6, %min3A_7 : i32
    %iota3A = tpu.iota {dimensions = array<i32: 0>} : vector<16xi32>
    %add3A_9 = arith.constant 0 : i32
    %add3A_10 = vector.broadcast %add3A_9 : i32 to vector<16xi32>
    %add3A_11 = arith.addi %iota3A, %add3A_10 : vector<16xi32>
    %mul3A_12 = arith.constant 136 : i32
    %mul3A_13 = vector.broadcast %mul3A_12 : i32 to vector<16xi32>
    %mul3A_14 = arith.muli %add3A_11, %mul3A_13 : vector<16xi32>
    %add3A_15 = arith.constant 16 : i32
    %add3A_16 = vector.broadcast %add3A_15 : i32 to vector<16xi32>
    %add3A_17 = arith.addi %iota3A, %add3A_16 : vector<16xi32>
    %mul3A_18 = arith.constant 136 : i32
    %mul3A_19 = vector.broadcast %mul3A_18 : i32 to vector<16xi32>
    %mul3A_20 = arith.muli %add3A_17, %mul3A_19 : vector<16xi32>
    %add3A_21 = arith.constant 0 : i32
    %add3A_22 = arith.addi %add3A_8, %add3A_21 : i32
    %mul3A_23 = arith.constant 128 : i32
    %mul3A_24 = arith.muli %add3A_22, %mul3A_23 : i32
    %dma_start3A = arith.constant 0 : i32
    %dma_start3A_25 = tpu.memref_slice %arg2[%dma_start3A, %mul3A_24] : memref<64x1000000xf32, #tpu.memory_space<hbm>> -> memref<64x128xf32, #tpu.memory_space<hbm>>
    %dma_start3A_26 = arith.constant 0 : i32
    %dma_start3A_27 = tpu.memref_slice %arg2[%dma_start3A_26, %mul3A_24] : memref<64x1000000xf32, #tpu.memory_space<hbm>> -> memref<64x128xf32, #tpu.memory_space<hbm>>
    tpu.enqueue_dma source(%dma_start3A_27 : memref<64x128xf32, #tpu.memory_space<hbm>>) target(%arg5 : memref<64x128xf32, #tpu.memory_space<vmem>>) target_semaphore(%arg10 : memref<!tpu.dma_semaphore, #tpu.memory_space<semaphore_mem>>)
    %scan3A = arith.constant 0 : i32
    %scan3A_28 = arith.constant 0 : i32
    %scan3A_29 = arith.constant 123 : i32
    %scan3A_30 = arith.addi %scan3A_28, %scan3A_29 : i32
    %scan3A_31 = arith.constant 1 : i32
    %scan3A_32 = scf.for %scan3A_36 = %scan3A_28 to %scan3A_30 step %scan3A_31 iter_args(%scan3A_37 = %scan3A) -> (i32)  : i32 {
      %mul3A_38 = arith.constant 2 : i32
      %mul3A_39 = arith.muli %scan3A_36, %mul3A_38 : i32
      %lt3A_40 = arith.cmpi slt, %mul3A_39, %add3A_4 : i32
      %convert_element_type3A_41 = arith.extui %lt3A_40 : i1 to i32
      %cond3A_42 = arith.constant 0 : i32
      %cond3A_43 = arith.cmpi ne, %convert_element_type3A_41, %cond3A_42 : i32
      scf.if %cond3A_43 {
        %add3A_51 = arith.addi %add3A_8, %mul3A_39 : i32
        %mul3A_52 = arith.constant 128 : i32
        %mul3A_53 = arith.muli %add3A_51, %mul3A_52 : i32
        %dma_wait3A = arith.constant 0 : i32
        %dma_wait3A_54 = tpu.memref_slice %arg2[%dma_wait3A, %mul3A_53] : memref<64x1000000xf32, #tpu.memory_space<hbm>> -> memref<64x128xf32, #tpu.memory_space<hbm>>
        %dma_wait3A_55 = arith.constant 0 : i32
        %dma_wait3A_56 = tpu.memref_slice %arg2[%dma_wait3A_55, %mul3A_53] : memref<64x1000000xf32, #tpu.memory_space<hbm>> -> memref<64x128xf32, #tpu.memory_space<hbm>>
        tpu.wait_dma2 semaphore(%arg10 : memref<!tpu.dma_semaphore, #tpu.memory_space<semaphore_mem>>) src(%dma_wait3A_56 : memref<64x128xf32, #tpu.memory_space<hbm>>) dst(%arg5 : memref<64x128xf32, #tpu.memory_space<vmem>>)
        %add3A_57 = arith.constant 1 : i32
        %add3A_58 = arith.addi %mul3A_39, %add3A_57 : i32
        %lt3A_59 = arith.cmpi slt, %add3A_58, %add3A_4 : i32
        %convert_element_type3A_60 = arith.extui %lt3A_59 : i1 to i32
        %cond3A_61 = arith.constant 0 : i32
        %cond3A_62 = arith.cmpi ne, %convert_element_type3A_60, %cond3A_61 : i32
        scf.if %cond3A_62 {
          %add3A_73 = arith.constant 1 : i32
          %add3A_74 = arith.addi %mul3A_39, %add3A_73 : i32
          %add3A_75 = arith.addi %add3A_8, %add3A_74 : i32
          %mul3A_76 = arith.constant 128 : i32
          %mul3A_77 = arith.muli %add3A_75, %mul3A_76 : i32
          %dma_start3A_78 = arith.constant 0 : i32
          %dma_start3A_79 = tpu.memref_slice %arg2[%dma_start3A_78, %mul3A_77] : memref<64x1000000xf32, #tpu.memory_space<hbm>> -> memref<64x128xf32, #tpu.memory_space<hbm>>
          %dma_start3A_80 = arith.constant 0 : i32
          %dma_start3A_81 = tpu.memref_slice %arg2[%dma_start3A_80, %mul3A_77] : memref<64x1000000xf32, #tpu.memory_space<hbm>> -> memref<64x128xf32, #tpu.memory_space<hbm>>
          tpu.enqueue_dma source(%dma_start3A_81 : memref<64x128xf32, #tpu.memory_space<hbm>>) target(%arg6 : memref<64x128xf32, #tpu.memory_space<vmem>>) target_semaphore(%arg11 : memref<!tpu.dma_semaphore, #tpu.memory_space<semaphore_mem>>)
        } else {
        }
        %parallel_loop3A = arith.constant 0 : i32
        %parallel_loop3A_63 = arith.constant 32 : i32
        %parallel_loop3A_64 = arith.constant 1 : i32
        scf.for %parallel_loop3A_73 = %parallel_loop3A to %parallel_loop3A_63 step %parallel_loop3A_64  : i32 {
          %parallel_loop3A_74 = arith.constant 2 : i32
          %parallel_loop3A_75 = arith.muli %parallel_loop3A_74, %parallel_loop3A_73 : i32
          %parallel_loop3A_76 = arith.index_cast %parallel_loop3A_75 : i32 to index
          %parallel_loop3A_77 = arith.constant 0 : index
          %parallel_loop3A_78 = tpu.vector_load %arg5[%parallel_loop3A_76, %parallel_loop3A_77] {strides = array<i32>} : memref<64x128xf32, #tpu.memory_space<vmem>>, vector<16xf32>,
          %parallel_loop3A_79 = arith.constant 2 : i32
          %parallel_loop3A_80 = arith.muli %parallel_loop3A_79, %parallel_loop3A_73 : i32
          %parallel_loop3A_81 = arith.constant 1 : i32
          %parallel_loop3A_82 = arith.addi %parallel_loop3A_80, %parallel_loop3A_81 : i32
          %parallel_loop3A_83 = arith.index_cast %parallel_loop3A_82 : i32 to index
          %parallel_loop3A_84 = arith.constant 0 : index
          %parallel_loop3A_85 = tpu.vector_load %arg5[%parallel_loop3A_83, %parallel_loop3A_84] {strides = array<i32>} : memref<64x128xf32, #tpu.memory_space<vmem>>, vector<16xf32>,
          %parallel_loop3A_86 = tpu.pack_subelements %parallel_loop3A_78, %parallel_loop3A_85 {pack_format = #tpu.pack_format<interleaved>, positions = array<i32: 0, 1>} : vector<16xf32>, vector<16xf32> -> vector<32xbf16>
          %parallel_loop3A_87 = vector.bitcast %parallel_loop3A_86 : vector<32xbf16> to vector<16xi32>
          %parallel_loop3A_88 = arith.constant 136 : i32
          %parallel_loop3A_89 = arith.muli %parallel_loop3A_73, %parallel_loop3A_88 : i32
          %parallel_loop3A_90 = arith.constant 0 : i32
          %parallel_loop3A_91 = arith.addi %parallel_loop3A_89, %parallel_loop3A_90 : i32
          %parallel_loop3A_92 = arith.index_cast %parallel_loop3A_91 : i32 to index
          %parallel_loop3A_93 = tpu.vector_load %arg7[%parallel_loop3A_92] {strides = array<i32>} : memref<4352xi32, #tpu.memory_space<vmem>>, vector<16xi32>,
          tpu.vector_store %arg7[%parallel_loop3A_92], %parallel_loop3A_87 {strides = array<i32>} : memref<4352xi32, #tpu.memory_space<vmem>>, vector<16xi32>,
          %parallel_loop3A_94 = arith.constant 2 : i32
          %parallel_loop3A_95 = arith.muli %parallel_loop3A_94, %parallel_loop3A_73 : i32
          %parallel_loop3A_96 = arith.index_cast %parallel_loop3A_95 : i32 to index
          %parallel_loop3A_97 = arith.constant 16 : index
          %parallel_loop3A_98 = tpu.vector_load %arg5[%parallel_loop3A_96, %parallel_loop3A_97] {strides = array<i32>} : memref<64x128xf32, #tpu.memory_space<vmem>>, vector<16xf32>,
          %parallel_loop3A_99 = arith.constant 2 : i32
          %parallel_loop3A_100 = arith.muli %parallel_loop3A_99, %parallel_loop3A_73 : i32
          %parallel_loop3A_101 = arith.constant 1 : i32
          %parallel_loop3A_102 = arith.addi %parallel_loop3A_100, %parallel_loop3A_101 : i32
          %parallel_loop3A_103 = arith.index_cast %parallel_loop3A_102 : i32 to index
          %parallel_loop3A_104 = arith.constant 16 : index
          %parallel_loop3A_105 = tpu.vector_load %arg5[%parallel_loop3A_103, %parallel_loop3A_104] {strides = array<i32>} : memref<64x128xf32, #tpu.memory_space<vmem>>, vector<16xf32>,
          %parallel_loop3A_106 = tpu.pack_subelements %parallel_loop3A_98, %parallel_loop3A_105 {pack_format = #tpu.pack_format<interleaved>, positions = array<i32: 0, 1>} : vector<16xf32>, vector<16xf32> -> vector<32xbf16>
          %parallel_loop3A_107 = vector.bitcast %parallel_loop3A_106 : vector<32xbf16> to vector<16xi32>
          %parallel_loop3A_108 = arith.constant 136 : i32
          %parallel_loop3A_109 = arith.muli %parallel_loop3A_73, %parallel_loop3A_108 : i32
          %parallel_loop3A_110 = arith.constant 16 : i32
          %parallel_loop3A_111 = arith.addi %parallel_loop3A_109, %parallel_loop3A_110 : i32
          %parallel_loop3A_112 = arith.index_cast %parallel_loop3A_111 : i32 to index
          %parallel_loop3A_113 = tpu.vector_load %arg7[%parallel_loop3A_112] {strides = array<i32>} : memref<4352xi32, #tpu.memory_space<vmem>>, vector<16xi32>,
          tpu.vector_store %arg7[%parallel_loop3A_112], %parallel_loop3A_107 {strides = array<i32>} : memref<4352xi32, #tpu.memory_space<vmem>>, vector<16xi32>,
          %parallel_loop3A_114 = arith.constant 2 : i32
          %parallel_loop3A_115 = arith.muli %parallel_loop3A_114, %parallel_loop3A_73 : i32
          %parallel_loop3A_116 = arith.index_cast %parallel_loop3A_115 : i32 to index
          %parallel_loop3A_117 = arith.constant 32 : index
          %parallel_loop3A_118 = tpu.vector_load %arg5[%parallel_loop3A_116, %parallel_loop3A_117] {strides = array<i32>} : memref<64x128xf32, #tpu.memory_space<vmem>>, vector<16xf32>,
          %parallel_loop3A_119 = arith.constant 2 : i32
          %parallel_loop3A_120 = arith.muli %parallel_loop3A_119, %parallel_loop3A_73 : i32
          %parallel_loop3A_121 = arith.constant 1 : i32
          %parallel_loop3A_122 = arith.addi %parallel_loop3A_120, %parallel_loop3A_121 : i32
          %parallel_loop3A_123 = arith.index_cast %parallel_loop3A_122 : i32 to index
          %parallel_loop3A_124 = arith.constant 32 : index
          %parallel_loop3A_125 = tpu.vector_load %arg5[%parallel_loop3A_123, %parallel_loop3A_124] {strides = array<i32>} : memref<64x128xf32, #tpu.memory_space<vmem>>, vector<16xf32>,
          %parallel_loop3A_126 = tpu.pack_subelements %parallel_loop3A_118, %parallel_loop3A_125 {pack_format = #tpu.pack_format<interleaved>, positions = array<i32: 0, 1>} : vector<16xf32>, vector<16xf32> -> vector<32xbf16>
          %parallel_loop3A_127 = vector.bitcast %parallel_loop3A_126 : vector<32xbf16> to vector<16xi32>
          %parallel_loop3A_128 = arith.constant 136 : i32
          %parallel_loop3A_129 = arith.muli %parallel_loop3A_73, %parallel_loop3A_128 : i32
          %parallel_loop3A_130 = arith.constant 32 : i32
          %parallel_loop3A_131 = arith.addi %parallel_loop3A_129, %parallel_loop3A_130 : i32
          %parallel_loop3A_132 = arith.index_cast %parallel_loop3A_131 : i32 to index
          %parallel_loop3A_133 = tpu.vector_load %arg7[%parallel_loop3A_132] {strides = array<i32>} : memref<4352xi32, #tpu.memory_space<vmem>>, vector<16xi32>,
          tpu.vector_store %arg7[%parallel_loop3A_132], %parallel_loop3A_127 {strides = array<i32>} : memref<4352xi32, #tpu.memory_space<vmem>>, vector<16xi32>,
          %parallel_loop3A_134 = arith.constant 2 : i32
          %parallel_loop3A_135 = arith.muli %parallel_loop3A_134, %parallel_loop3A_73 : i32
          %parallel_loop3A_136 = arith.index_cast %parallel_loop3A_135 : i32 to index
          %parallel_loop3A_137 = arith.constant 48 : index
          %parallel_loop3A_138 = tpu.vector_load %arg5[%parallel_loop3A_136, %parallel_loop3A_137] {strides = array<i32>} : memref<64x128xf32, #tpu.memory_space<vmem>>, vector<16xf32>,
          %parallel_loop3A_139 = arith.constant 2 : i32
          %parallel_loop3A_140 = arith.muli %parallel_loop3A_139, %parallel_loop3A_73 : i32
          %parallel_loop3A_141 = arith.constant 1 : i32
          %parallel_loop3A_142 = arith.addi %parallel_loop3A_140, %parallel_loop3A_141 : i32
          %parallel_loop3A_143 = arith.index_cast %parallel_loop3A_142 : i32 to index
          %parallel_loop3A_144 = arith.constant 48 : index
          %parallel_loop3A_145 = tpu.vector_load %arg5[%parallel_loop3A_143, %parallel_loop3A_144] {strides = array<i32>} : memref<64x128xf32, #tpu.memory_space<vmem>>, vector<16xf32>,
          %parallel_loop3A_146 = tpu.pack_subelements %parallel_loop3A_138, %parallel_loop3A_145 {pack_format = #tpu.pack_format<interleaved>, positions = array<i32: 0, 1>} : vector<16xf32>, vector<16xf32> -> vector<32xbf16>
          %parallel_loop3A_147 = vector.bitcast %parallel_loop3A_146 : vector<32xbf16> to vector<16xi32>
          %parallel_loop3A_148 = arith.constant 136 : i32
          %parallel_loop3A_149 = arith.muli %parallel_loop3A_73, %parallel_loop3A_148 : i32
          %parallel_loop3A_150 = arith.constant 48 : i32
          %parallel_loop3A_151 = arith.addi %parallel_loop3A_149, %parallel_loop3A_150 : i32
          %parallel_loop3A_152 = arith.index_cast %parallel_loop3A_151 : i32 to index
          %parallel_loop3A_153 = tpu.vector_load %arg7[%parallel_loop3A_152] {strides = array<i32>} : memref<4352xi32, #tpu.memory_space<vmem>>, vector<16xi32>,
          tpu.vector_store %arg7[%parallel_loop3A_152], %parallel_loop3A_147 {strides = array<i32>} : memref<4352xi32, #tpu.memory_space<vmem>>, vector<16xi32>,
          %parallel_loop3A_154 = arith.constant 2 : i32
          %parallel_loop3A_155 = arith.muli %parallel_loop3A_154, %parallel_loop3A_73 : i32
          %parallel_loop3A_156 = arith.index_cast %parallel_loop3A_155 : i32 to index
          %parallel_loop3A_157 = arith.constant 64 : index
          %parallel_loop3A_158 = tpu.vector_load %arg5[%parallel_loop3A_156, %parallel_loop3A_157] {strides = array<i32>} : memref<64x128xf32, #tpu.memory_space<vmem>>, vector<16xf32>,
          %parallel_loop3A_159 = arith.constant 2 : i32
          %parallel_loop3A_160 = arith.muli %parallel_loop3A_159, %parallel_loop3A_73 : i32
          %parallel_loop3A_161 = arith.constant 1 : i32
          %parallel_loop3A_162 = arith.addi %parallel_loop3A_160, %parallel_loop3A_161 : i32
          %parallel_loop3A_163 = arith.index_cast %parallel_loop3A_162 : i32 to index
          %parallel_loop3A_164 = arith.constant 64 : index
          %parallel_loop3A_165 = tpu.vector_load %arg5[%parallel_loop3A_163, %parallel_loop3A_164] {strides = array<i32>} : memref<64x128xf32, #tpu.memory_space<vmem>>, vector<16xf32>,
          %parallel_loop3A_166 = tpu.pack_subelements %parallel_loop3A_158, %parallel_loop3A_165 {pack_format = #tpu.pack_format<interleaved>, positions = array<i32: 0, 1>} : vector<16xf32>, vector<16xf32> -> vector<32xbf16>
          %parallel_loop3A_167 = vector.bitcast %parallel_loop3A_166 : vector<32xbf16> to vector<16xi32>
          %parallel_loop3A_168 = arith.constant 136 : i32
          %parallel_loop3A_169 = arith.muli %parallel_loop3A_73, %parallel_loop3A_168 : i32
          %parallel_loop3A_170 = arith.constant 64 : i32
          %parallel_loop3A_171 = arith.addi %parallel_loop3A_169, %parallel_loop3A_170 : i32
          %parallel_loop3A_172 = arith.index_cast %parallel_loop3A_171 : i32 to index
          %parallel_loop3A_173 = tpu.vector_load %arg7[%parallel_loop3A_172] {strides = array<i32>} : memref<4352xi32, #tpu.memory_space<vmem>>, vector<16xi32>,
          tpu.vector_store %arg7[%parallel_loop3A_172], %parallel_loop3A_167 {strides = array<i32>} : memref<4352xi32, #tpu.memory_space<vmem>>, vector<16xi32>,
          %parallel_loop3A_174 = arith.constant 2 : i32
          %parallel_loop3A_175 = arith.muli %parallel_loop3A_174, %parallel_loop3A_73 : i32
          %parallel_loop3A_176 = arith.index_cast %parallel_loop3A_175 : i32 to index
          %parallel_loop3A_177 = arith.constant 80 : index
          %parallel_loop3A_178 = tpu.vector_load %arg5[%parallel_loop3A_176, %parallel_loop3A_177] {strides = array<i32>} : memref<64x128xf32, #tpu.memory_space<vmem>>, vector<16xf32>,
          %parallel_loop3A_179 = arith.constant 2 : i32
          %parallel_loop3A_180 = arith.muli %parallel_loop3A_179, %parallel_loop3A_73 : i32
          %parallel_loop3A_181 = arith.constant 1 : i32
          %parallel_loop3A_182 = arith.addi %parallel_loop3A_180, %parallel_loop3A_181 : i32
          %parallel_loop3A_183 = arith.index_cast %parallel_loop3A_182 : i32 to index
          %parallel_loop3A_184 = arith.constant 80 : index
          %parallel_loop3A_185 = tpu.vector_load %arg5[%parallel_loop3A_183, %parallel_loop3A_184] {strides = array<i32>} : memref<64x128xf32, #tpu.memory_space<vmem>>, vector<16xf32>,
          %parallel_loop3A_186 = tpu.pack_subelements %parallel_loop3A_178, %parallel_loop3A_185 {pack_format = #tpu.pack_format<interleaved>, positions = array<i32: 0, 1>} : vector<16xf32>, vector<16xf32> -> vector<32xbf16>
          %parallel_loop3A_187 = vector.bitcast %parallel_loop3A_186 : vector<32xbf16> to vector<16xi32>
          %parallel_loop3A_188 = arith.constant 136 : i32
          %parallel_loop3A_189 = arith.muli %parallel_loop3A_73, %parallel_loop3A_188 : i32
          %parallel_loop3A_190 = arith.constant 80 : i32
          %parallel_loop3A_191 = arith.addi %parallel_loop3A_189, %parallel_loop3A_190 : i32
          %parallel_loop3A_192 = arith.index_cast %parallel_loop3A_191 : i32 to index
          %parallel_loop3A_193 = tpu.vector_load %arg7[%parallel_loop3A_192] {strides = array<i32>} : memref<4352xi32, #tpu.memory_space<vmem>>, vector<16xi32>,
          tpu.vector_store %arg7[%parallel_loop3A_192], %parallel_loop3A_187 {strides = array<i32>} : memref<4352xi32, #tpu.memory_space<vmem>>, vector<16xi32>,
          %parallel_loop3A_194 = arith.constant 2 : i32
          %parallel_loop3A_195 = arith.muli %parallel_loop3A_194, %parallel_loop3A_73 : i32
          %parallel_loop3A_196 = arith.index_cast %parallel_loop3A_195 : i32 to index
          %parallel_loop3A_197 = arith.constant 96 : index
          %parallel_loop3A_198 = tpu.vector_load %arg5[%parallel_loop3A_196, %parallel_loop3A_197] {strides = array<i32>} : memref<64x128xf32, #tpu.memory_space<vmem>>, vector<16xf32>,
          %parallel_loop3A_199 = arith.constant 2 : i32
          %parallel_loop3A_200 = arith.muli %parallel_loop3A_199, %parallel_loop3A_73 : i32
          %parallel_loop3A_201 = arith.constant 1 : i32
          %parallel_loop3A_202 = arith.addi %parallel_loop3A_200, %parallel_loop3A_201 : i32
          %parallel_loop3A_203 = arith.index_cast %parallel_loop3A_202 : i32 to index
          %parallel_loop3A_204 = arith.constant 96 : index
          %parallel_loop3A_205 = tpu.vector_load %arg5[%parallel_loop3A_203, %parallel_loop3A_204] {strides = array<i32>} : memref<64x128xf32, #tpu.memory_space<vmem>>, vector<16xf32>,
          %parallel_loop3A_206 = tpu.pack_subelements %parallel_loop3A_198, %parallel_loop3A_205 {pack_format = #tpu.pack_format<interleaved>, positions = array<i32: 0, 1>} : vector<16xf32>, vector<16xf32> -> vector<32xbf16>
          %parallel_loop3A_207 = vector.bitcast %parallel_loop3A_206 : vector<32xbf16> to vector<16xi32>
          %parallel_loop3A_208 = arith.constant 136 : i32
          %parallel_loop3A_209 = arith.muli %parallel_loop3A_73, %parallel_loop3A_208 : i32
          %parallel_loop3A_210 = arith.constant 96 : i32
          %parallel_loop3A_211 = arith.addi %parallel_loop3A_209, %parallel_loop3A_210 : i32
          %parallel_loop3A_212 = arith.index_cast %parallel_loop3A_211 : i32 to index
          %parallel_loop3A_213 = tpu.vector_load %arg7[%parallel_loop3A_212] {strides = array<i32>} : memref<4352xi32, #tpu.memory_space<vmem>>, vector<16xi32>,
          tpu.vector_store %arg7[%parallel_loop3A_212], %parallel_loop3A_207 {strides = array<i32>} : memref<4352xi32, #tpu.memory_space<vmem>>, vector<16xi32>,
          %parallel_loop3A_214 = arith.constant 2 : i32
          %parallel_loop3A_215 = arith.muli %parallel_loop3A_214, %parallel_loop3A_73 : i32
          %parallel_loop3A_216 = arith.index_cast %parallel_loop3A_215 : i32 to index
          %parallel_loop3A_217 = arith.constant 112 : index
          %parallel_loop3A_218 = tpu.vector_load %arg5[%parallel_loop3A_216, %parallel_loop3A_217] {strides = array<i32>} : memref<64x128xf32, #tpu.memory_space<vmem>>, vector<16xf32>,
          %parallel_loop3A_219 = arith.constant 2 : i32
          %parallel_loop3A_220 = arith.muli %parallel_loop3A_219, %parallel_loop3A_73 : i32
          %parallel_loop3A_221 = arith.constant 1 : i32
          %parallel_loop3A_222 = arith.addi %parallel_loop3A_220, %parallel_loop3A_221 : i32
          %parallel_loop3A_223 = arith.index_cast %parallel_loop3A_222 : i32 to index
          %parallel_loop3A_224 = arith.constant 112 : index
          %parallel_loop3A_225 = tpu.vector_load %arg5[%parallel_loop3A_223, %parallel_loop3A_224] {strides = array<i32>} : memref<64x128xf32, #tpu.memory_space<vmem>>, vector<16xf32>,
          %parallel_loop3A_226 = tpu.pack_subelements %parallel_loop3A_218, %parallel_loop3A_225 {pack_format = #tpu.pack_format<interleaved>, positions = array<i32: 0, 1>} : vector<16xf32>, vector<16xf32> -> vector<32xbf16>
          %parallel_loop3A_227 = vector.bitcast %parallel_loop3A_226 : vector<32xbf16> to vector<16xi32>
          %parallel_loop3A_228 = arith.constant 136 : i32
          %parallel_loop3A_229 = arith.muli %parallel_loop3A_73, %parallel_loop3A_228 : i32
          %parallel_loop3A_230 = arith.constant 112 : i32
          %parallel_loop3A_231 = arith.addi %parallel_loop3A_229, %parallel_loop3A_230 : i32
          %parallel_loop3A_232 = arith.index_cast %parallel_loop3A_231 : i32 to index
          %parallel_loop3A_233 = tpu.vector_load %arg7[%parallel_loop3A_232] {strides = array<i32>} : memref<4352xi32, #tpu.memory_space<vmem>>, vector<16xi32>,
          tpu.vector_store %arg7[%parallel_loop3A_232], %parallel_loop3A_227 {strides = array<i32>} : memref<4352xi32, #tpu.memory_space<vmem>>, vector<16xi32>,
        } {sc.loop_unroll_factor = 8 : i64, sc.parallel_access}
        %parallel_loop3A_65 = arith.constant 0 : i32
        %parallel_loop3A_66 = arith.constant 128 : i32
        %parallel_loop3A_67 = arith.constant 1 : i32
        scf.for %parallel_loop3A_73 = %parallel_loop3A_65 to %parallel_loop3A_66 step %parallel_loop3A_67  : i32 {
          %parallel_loop3A_74 = arith.constant 32 : i32
          %parallel_loop3A_75 = arith.muli %parallel_loop3A_73, %parallel_loop3A_74 : i32
          %parallel_loop3A_76 = vector.broadcast %parallel_loop3A_73 : i32 to vector<16xi32>
          %parallel_loop3A_77 = arith.addi %mul3A_14, %parallel_loop3A_76 : vector<16xi32>
          %parallel_loop3A_78 = tpu.vector_load_idx %arg7[%parallel_loop3A_77] : memref<4352xi32, #tpu.memory_space<vmem>>[vector<16xi32>], vector<16xi32>,
          %parallel_loop3A_79 = arith.constant 0 : i32
          %parallel_loop3A_80 = arith.addi %parallel_loop3A_75, %parallel_loop3A_79 : i32
          %parallel_loop3A_81 = arith.index_cast %parallel_loop3A_80 : i32 to index
          %parallel_loop3A_82 = tpu.vector_load %arg8[%parallel_loop3A_81] {strides = array<i32>} : memref<4096xi32, #tpu.memory_space<vmem>>, vector<16xi32>,
          tpu.vector_store %arg8[%parallel_loop3A_81], %parallel_loop3A_78 {strides = array<i32>} : memref<4096xi32, #tpu.memory_space<vmem>>, vector<16xi32>,
          %parallel_loop3A_83 = vector.broadcast %parallel_loop3A_73 : i32 to vector<16xi32>
          %parallel_loop3A_84 = arith.addi %mul3A_20, %parallel_loop3A_83 : vector<16xi32>
          %parallel_loop3A_85 = tpu.vector_load_idx %arg7[%parallel_loop3A_84] : memref<4352xi32, #tpu.memory_space<vmem>>[vector<16xi32>], vector<16xi32>,
          %parallel_loop3A_86 = arith.constant 16 : i32
          %parallel_loop3A_87 = arith.addi %parallel_loop3A_75, %parallel_loop3A_86 : i32
          %parallel_loop3A_88 = arith.index_cast %parallel_loop3A_87 : i32 to index
          %parallel_loop3A_89 = tpu.vector_load %arg8[%parallel_loop3A_88] {strides = array<i32>} : memref<4096xi32, #tpu.memory_space<vmem>>, vector<16xi32>,
          tpu.vector_store %arg8[%parallel_loop3A_88], %parallel_loop3A_85 {strides = array<i32>} : memref<4096xi32, #tpu.memory_space<vmem>>, vector<16xi32>,
        } {sc.loop_unroll_factor = 16 : i64, sc.parallel_access}
        %add3A_68 = arith.addi %add3A_8, %mul3A_39 : i32
        %mul3A_69 = arith.constant 128 : i32
        %mul3A_70 = arith.muli %add3A_68, %mul3A_69 : i32
        %mul3A_71 = arith.constant 32 : i32
        %mul3A_72 = arith.muli %mul3A_70, %mul3A_71 : i32
        "tpu.region"() ({
          %run_scoped3A = tpu.sem_alloc : memref<!tpu.dma_semaphore, #tpu.memory_space<semaphore_mem>>
          %dma_start3A_73 = tpu.memref_slice %arg4[%mul3A_72] : memref<32000000xi32, #tpu.memory_space<hbm>> -> memref<4096xi32, #tpu.memory_space<hbm>>
          %dma_start3A_74 = tpu.memref_slice %arg4[%mul3A_72] : memref<32000000xi32, #tpu.memory_space<hbm>> -> memref<4096xi32, #tpu.memory_space<hbm>>
          tpu.enqueue_dma source(%arg8 : memref<4096xi32, #tpu.memory_space<vmem>>) target(%dma_start3A_74 : memref<4096xi32, #tpu.memory_space<hbm>>) target_semaphore(%run_scoped3A : memref<!tpu.dma_semaphore, #tpu.memory_space<semaphore_mem>>)
          %dma_wait3A_75 = tpu.memref_slice %arg4[%mul3A_72] : memref<32000000xi32, #tpu.memory_space<hbm>> -> memref<4096xi32, #tpu.memory_space<hbm>>
          %dma_wait3A_76 = tpu.memref_slice %arg4[%mul3A_72] : memref<32000000xi32, #tpu.memory_space<hbm>> -> memref<4096xi32, #tpu.memory_space<hbm>>
          tpu.wait_dma2 semaphore(%run_scoped3A : memref<!tpu.dma_semaphore, #tpu.memory_space<semaphore_mem>>) src(%arg8 : memref<4096xi32, #tpu.memory_space<vmem>>) dst(%dma_wait3A_76 : memref<4096xi32, #tpu.memory_space<hbm>>)
          tpu.yield
        }) : () -> ()
      } else {
      }
      %add3A_44 = arith.constant 1 : i32
      %add3A_45 = arith.addi %mul3A_39, %add3A_44 : i32
      %lt3A_46 = arith.cmpi slt, %add3A_45, %add3A_4 : i32
      %convert_element_type3A_47 = arith.extui %lt3A_46 : i1 to i32
      %cond3A_48 = arith.constant 0 : i32
      %cond3A_49 = arith.cmpi ne, %convert_element_type3A_47, %cond3A_48 : i32
      scf.if %cond3A_49 {
        %add3A_51 = arith.constant 1 : i32
        %add3A_52 = arith.addi %mul3A_39, %add3A_51 : i32
        %add3A_53 = arith.addi %add3A_8, %add3A_52 : i32
        %mul3A_54 = arith.constant 128 : i32
        %mul3A_55 = arith.muli %add3A_53, %mul3A_54 : i32
        %dma_wait3A = arith.constant 0 : i32
        %dma_wait3A_56 = tpu.memref_slice %arg2[%dma_wait3A, %mul3A_55] : memref<64x1000000xf32, #tpu.memory_space<hbm>> -> memref<64x128xf32, #tpu.memory_space<hbm>>
        %dma_wait3A_57 = arith.constant 0 : i32
        %dma_wait3A_58 = tpu.memref_slice %arg2[%dma_wait3A_57, %mul3A_55] : memref<64x1000000xf32, #tpu.memory_space<hbm>> -> memref<64x128xf32, #tpu.memory_space<hbm>>
        tpu.wait_dma2 semaphore(%arg11 : memref<!tpu.dma_semaphore, #tpu.memory_space<semaphore_mem>>) src(%dma_wait3A_58 : memref<64x128xf32, #tpu.memory_space<hbm>>) dst(%arg6 : memref<64x128xf32, #tpu.memory_space<vmem>>)
        %add3A_59 = arith.constant 2 : i32
        %add3A_60 = arith.addi %mul3A_39, %add3A_59 : i32
        %lt3A_61 = arith.cmpi slt, %add3A_60, %add3A_4 : i32
        %convert_element_type3A_62 = arith.extui %lt3A_61 : i1 to i32
        %cond3A_63 = arith.constant 0 : i32
        %cond3A_64 = arith.cmpi ne, %convert_element_type3A_62, %cond3A_63 : i32
        scf.if %cond3A_64 {
          %add3A_77 = arith.constant 2 : i32
          %add3A_78 = arith.addi %mul3A_39, %add3A_77 : i32
          %add3A_79 = arith.addi %add3A_8, %add3A_78 : i32
          %mul3A_80 = arith.constant 128 : i32
          %mul3A_81 = arith.muli %add3A_79, %mul3A_80 : i32
          %dma_start3A_82 = arith.constant 0 : i32
          %dma_start3A_83 = tpu.memref_slice %arg2[%dma_start3A_82, %mul3A_81] : memref<64x1000000xf32, #tpu.memory_space<hbm>> -> memref<64x128xf32, #tpu.memory_space<hbm>>
          %dma_start3A_84 = arith.constant 0 : i32
          %dma_start3A_85 = tpu.memref_slice %arg2[%dma_start3A_84, %mul3A_81] : memref<64x1000000xf32, #tpu.memory_space<hbm>> -> memref<64x128xf32, #tpu.memory_space<hbm>>
          tpu.enqueue_dma source(%dma_start3A_85 : memref<64x128xf32, #tpu.memory_space<hbm>>) target(%arg5 : memref<64x128xf32, #tpu.memory_space<vmem>>) target_semaphore(%arg10 : memref<!tpu.dma_semaphore, #tpu.memory_space<semaphore_mem>>)
        } else {
        }
        %parallel_loop3A = arith.constant 0 : i32
        %parallel_loop3A_65 = arith.constant 32 : i32
        %parallel_loop3A_66 = arith.constant 1 : i32
        scf.for %parallel_loop3A_77 = %parallel_loop3A to %parallel_loop3A_65 step %parallel_loop3A_66  : i32 {
          %parallel_loop3A_78 = arith.constant 2 : i32
          %parallel_loop3A_79 = arith.muli %parallel_loop3A_78, %parallel_loop3A_77 : i32
          %parallel_loop3A_80 = arith.index_cast %parallel_loop3A_79 : i32 to index
          %parallel_loop3A_81 = arith.constant 0 : index
          %parallel_loop3A_82 = tpu.vector_load %arg6[%parallel_loop3A_80, %parallel_loop3A_81] {strides = array<i32>} : memref<64x128xf32, #tpu.memory_space<vmem>>, vector<16xf32>,
          %parallel_loop3A_83 = arith.constant 2 : i32
          %parallel_loop3A_84 = arith.muli %parallel_loop3A_83, %parallel_loop3A_77 : i32
          %parallel_loop3A_85 = arith.constant 1 : i32
          %parallel_loop3A_86 = arith.addi %parallel_loop3A_84, %parallel_loop3A_85 : i32
          %parallel_loop3A_87 = arith.index_cast %parallel_loop3A_86 : i32 to index
          %parallel_loop3A_88 = arith.constant 0 : index
          %parallel_loop3A_89 = tpu.vector_load %arg6[%parallel_loop3A_87, %parallel_loop3A_88] {strides = array<i32>} : memref<64x128xf32, #tpu.memory_space<vmem>>, vector<16xf32>,
          %parallel_loop3A_90 = tpu.pack_subelements %parallel_loop3A_82, %parallel_loop3A_89 {pack_format = #tpu.pack_format<interleaved>, positions = array<i32: 0, 1>} : vector<16xf32>, vector<16xf32> -> vector<32xbf16>
          %parallel_loop3A_91 = vector.bitcast %parallel_loop3A_90 : vector<32xbf16> to vector<16xi32>
          %parallel_loop3A_92 = arith.constant 136 : i32
          %parallel_loop3A_93 = arith.muli %parallel_loop3A_77, %parallel_loop3A_92 : i32
          %parallel_loop3A_94 = arith.constant 0 : i32
          %parallel_loop3A_95 = arith.addi %parallel_loop3A_93, %parallel_loop3A_94 : i32
          %parallel_loop3A_96 = arith.index_cast %parallel_loop3A_95 : i32 to index
          %parallel_loop3A_97 = tpu.vector_load %arg7[%parallel_loop3A_96] {strides = array<i32>} : memref<4352xi32, #tpu.memory_space<vmem>>, vector<16xi32>,
          tpu.vector_store %arg7[%parallel_loop3A_96], %parallel_loop3A_91 {strides = array<i32>} : memref<4352xi32, #tpu.memory_space<vmem>>, vector<16xi32>,
          %parallel_loop3A_98 = arith.constant 2 : i32
          %parallel_loop3A_99 = arith.muli %parallel_loop3A_98, %parallel_loop3A_77 : i32
          %parallel_loop3A_100 = arith.index_cast %parallel_loop3A_99 : i32 to index
          %parallel_loop3A_101 = arith.constant 16 : index
          %parallel_loop3A_102 = tpu.vector_load %arg6[%parallel_loop3A_100, %parallel_loop3A_101] {strides = array<i32>} : memref<64x128xf32, #tpu.memory_space<vmem>>, vector<16xf32>,
          %parallel_loop3A_103 = arith.constant 2 : i32
          %parallel_loop3A_104 = arith.muli %parallel_loop3A_103, %parallel_loop3A_77 : i32
          %parallel_loop3A_105 = arith.constant 1 : i32
          %parallel_loop3A_106 = arith.addi %parallel_loop3A_104, %parallel_loop3A_105 : i32
          %parallel_loop3A_107 = arith.index_cast %parallel_loop3A_106 : i32 to index
          %parallel_loop3A_108 = arith.constant 16 : index
          %parallel_loop3A_109 = tpu.vector_load %arg6[%parallel_loop3A_107, %parallel_loop3A_108] {strides = array<i32>} : memref<64x128xf32, #tpu.memory_space<vmem>>, vector<16xf32>,
          %parallel_loop3A_110 = tpu.pack_subelements %parallel_loop3A_102, %parallel_loop3A_109 {pack_format = #tpu.pack_format<interleaved>, positions = array<i32: 0, 1>} : vector<16xf32>, vector<16xf32> -> vector<32xbf16>
          %parallel_loop3A_111 = vector.bitcast %parallel_loop3A_110 : vector<32xbf16> to vector<16xi32>
          %parallel_loop3A_112 = arith.constant 136 : i32
          %parallel_loop3A_113 = arith.muli %parallel_loop3A_77, %parallel_loop3A_112 : i32
          %parallel_loop3A_114 = arith.constant 16 : i32
          %parallel_loop3A_115 = arith.addi %parallel_loop3A_113, %parallel_loop3A_114 : i32
          %parallel_loop3A_116 = arith.index_cast %parallel_loop3A_115 : i32 to index
          %parallel_loop3A_117 = tpu.vector_load %arg7[%parallel_loop3A_116] {strides = array<i32>} : memref<4352xi32, #tpu.memory_space<vmem>>, vector<16xi32>,
          tpu.vector_store %arg7[%parallel_loop3A_116], %parallel_loop3A_111 {strides = array<i32>} : memref<4352xi32, #tpu.memory_space<vmem>>, vector<16xi32>,
          %parallel_loop3A_118 = arith.constant 2 : i32
          %parallel_loop3A_119 = arith.muli %parallel_loop3A_118, %parallel_loop3A_77 : i32
          %parallel_loop3A_120 = arith.index_cast %parallel_loop3A_119 : i32 to index
          %parallel_loop3A_121 = arith.constant 32 : index
          %parallel_loop3A_122 = tpu.vector_load %arg6[%parallel_loop3A_120, %parallel_loop3A_121] {strides = array<i32>} : memref<64x128xf32, #tpu.memory_space<vmem>>, vector<16xf32>,
          %parallel_loop3A_123 = arith.constant 2 : i32
          %parallel_loop3A_124 = arith.muli %parallel_loop3A_123, %parallel_loop3A_77 : i32
          %parallel_loop3A_125 = arith.constant 1 : i32
          %parallel_loop3A_126 = arith.addi %parallel_loop3A_124, %parallel_loop3A_125 : i32
          %parallel_loop3A_127 = arith.index_cast %parallel_loop3A_126 : i32 to index
          %parallel_loop3A_128 = arith.constant 32 : index
          %parallel_loop3A_129 = tpu.vector_load %arg6[%parallel_loop3A_127, %parallel_loop3A_128] {strides = array<i32>} : memref<64x128xf32, #tpu.memory_space<vmem>>, vector<16xf32>,
          %parallel_loop3A_130 = tpu.pack_subelements %parallel_loop3A_122, %parallel_loop3A_129 {pack_format = #tpu.pack_format<interleaved>, positions = array<i32: 0, 1>} : vector<16xf32>, vector<16xf32> -> vector<32xbf16>
          %parallel_loop3A_131 = vector.bitcast %parallel_loop3A_130 : vector<32xbf16> to vector<16xi32>
          %parallel_loop3A_132 = arith.constant 136 : i32
          %parallel_loop3A_133 = arith.muli %parallel_loop3A_77, %parallel_loop3A_132 : i32
          %parallel_loop3A_134 = arith.constant 32 : i32
          %parallel_loop3A_135 = arith.addi %parallel_loop3A_133, %parallel_loop3A_134 : i32
          %parallel_loop3A_136 = arith.index_cast %parallel_loop3A_135 : i32 to index
          %parallel_loop3A_137 = tpu.vector_load %arg7[%parallel_loop3A_136] {strides = array<i32>} : memref<4352xi32, #tpu.memory_space<vmem>>, vector<16xi32>,
          tpu.vector_store %arg7[%parallel_loop3A_136], %parallel_loop3A_131 {strides = array<i32>} : memref<4352xi32, #tpu.memory_space<vmem>>, vector<16xi32>,
          %parallel_loop3A_138 = arith.constant 2 : i32
          %parallel_loop3A_139 = arith.muli %parallel_loop3A_138, %parallel_loop3A_77 : i32
          %parallel_loop3A_140 = arith.index_cast %parallel_loop3A_139 : i32 to index
          %parallel_loop3A_141 = arith.constant 48 : index
          %parallel_loop3A_142 = tpu.vector_load %arg6[%parallel_loop3A_140, %parallel_loop3A_141] {strides = array<i32>} : memref<64x128xf32, #tpu.memory_space<vmem>>, vector<16xf32>,
          %parallel_loop3A_143 = arith.constant 2 : i32
          %parallel_loop3A_144 = arith.muli %parallel_loop3A_143, %parallel_loop3A_77 : i32
          %parallel_loop3A_145 = arith.constant 1 : i32
          %parallel_loop3A_146 = arith.addi %parallel_loop3A_144, %parallel_loop3A_145 : i32
          %parallel_loop3A_147 = arith.index_cast %parallel_loop3A_146 : i32 to index
          %parallel_loop3A_148 = arith.constant 48 : index
          %parallel_loop3A_149 = tpu.vector_load %arg6[%parallel_loop3A_147, %parallel_loop3A_148] {strides = array<i32>} : memref<64x128xf32, #tpu.memory_space<vmem>>, vector<16xf32>,
          %parallel_loop3A_150 = tpu.pack_subelements %parallel_loop3A_142, %parallel_loop3A_149 {pack_format = #tpu.pack_format<interleaved>, positions = array<i32: 0, 1>} : vector<16xf32>, vector<16xf32> -> vector<32xbf16>
          %parallel_loop3A_151 = vector.bitcast %parallel_loop3A_150 : vector<32xbf16> to vector<16xi32>
          %parallel_loop3A_152 = arith.constant 136 : i32
          %parallel_loop3A_153 = arith.muli %parallel_loop3A_77, %parallel_loop3A_152 : i32
          %parallel_loop3A_154 = arith.constant 48 : i32
          %parallel_loop3A_155 = arith.addi %parallel_loop3A_153, %parallel_loop3A_154 : i32
          %parallel_loop3A_156 = arith.index_cast %parallel_loop3A_155 : i32 to index
          %parallel_loop3A_157 = tpu.vector_load %arg7[%parallel_loop3A_156] {strides = array<i32>} : memref<4352xi32, #tpu.memory_space<vmem>>, vector<16xi32>,
          tpu.vector_store %arg7[%parallel_loop3A_156], %parallel_loop3A_151 {strides = array<i32>} : memref<4352xi32, #tpu.memory_space<vmem>>, vector<16xi32>,
          %parallel_loop3A_158 = arith.constant 2 : i32
          %parallel_loop3A_159 = arith.muli %parallel_loop3A_158, %parallel_loop3A_77 : i32
          %parallel_loop3A_160 = arith.index_cast %parallel_loop3A_159 : i32 to index
          %parallel_loop3A_161 = arith.constant 64 : index
          %parallel_loop3A_162 = tpu.vector_load %arg6[%parallel_loop3A_160, %parallel_loop3A_161] {strides = array<i32>} : memref<64x128xf32, #tpu.memory_space<vmem>>, vector<16xf32>,
          %parallel_loop3A_163 = arith.constant 2 : i32
          %parallel_loop3A_164 = arith.muli %parallel_loop3A_163, %parallel_loop3A_77 : i32
          %parallel_loop3A_165 = arith.constant 1 : i32
          %parallel_loop3A_166 = arith.addi %parallel_loop3A_164, %parallel_loop3A_165 : i32
          %parallel_loop3A_167 = arith.index_cast %parallel_loop3A_166 : i32 to index
          %parallel_loop3A_168 = arith.constant 64 : index
          %parallel_loop3A_169 = tpu.vector_load %arg6[%parallel_loop3A_167, %parallel_loop3A_168] {strides = array<i32>} : memref<64x128xf32, #tpu.memory_space<vmem>>, vector<16xf32>,
          %parallel_loop3A_170 = tpu.pack_subelements %parallel_loop3A_162, %parallel_loop3A_169 {pack_format = #tpu.pack_format<interleaved>, positions = array<i32: 0, 1>} : vector<16xf32>, vector<16xf32> -> vector<32xbf16>
          %parallel_loop3A_171 = vector.bitcast %parallel_loop3A_170 : vector<32xbf16> to vector<16xi32>
          %parallel_loop3A_172 = arith.constant 136 : i32
          %parallel_loop3A_173 = arith.muli %parallel_loop3A_77, %parallel_loop3A_172 : i32
          %parallel_loop3A_174 = arith.constant 64 : i32
          %parallel_loop3A_175 = arith.addi %parallel_loop3A_173, %parallel_loop3A_174 : i32
          %parallel_loop3A_176 = arith.index_cast %parallel_loop3A_175 : i32 to index
          %parallel_loop3A_177 = tpu.vector_load %arg7[%parallel_loop3A_176] {strides = array<i32>} : memref<4352xi32, #tpu.memory_space<vmem>>, vector<16xi32>,
          tpu.vector_store %arg7[%parallel_loop3A_176], %parallel_loop3A_171 {strides = array<i32>} : memref<4352xi32, #tpu.memory_space<vmem>>, vector<16xi32>,
          %parallel_loop3A_178 = arith.constant 2 : i32
          %parallel_loop3A_179 = arith.muli %parallel_loop3A_178, %parallel_loop3A_77 : i32
          %parallel_loop3A_180 = arith.index_cast %parallel_loop3A_179 : i32 to index
          %parallel_loop3A_181 = arith.constant 80 : index
          %parallel_loop3A_182 = tpu.vector_load %arg6[%parallel_loop3A_180, %parallel_loop3A_181] {strides = array<i32>} : memref<64x128xf32, #tpu.memory_space<vmem>>, vector<16xf32>,
          %parallel_loop3A_183 = arith.constant 2 : i32
          %parallel_loop3A_184 = arith.muli %parallel_loop3A_183, %parallel_loop3A_77 : i32
          %parallel_loop3A_185 = arith.constant 1 : i32
          %parallel_loop3A_186 = arith.addi %parallel_loop3A_184, %parallel_loop3A_185 : i32
          %parallel_loop3A_187 = arith.index_cast %parallel_loop3A_186 : i32 to index
          %parallel_loop3A_188 = arith.constant 80 : index
          %parallel_loop3A_189 = tpu.vector_load %arg6[%parallel_loop3A_187, %parallel_loop3A_188] {strides = array<i32>} : memref<64x128xf32, #tpu.memory_space<vmem>>, vector<16xf32>,
          %parallel_loop3A_190 = tpu.pack_subelements %parallel_loop3A_182, %parallel_loop3A_189 {pack_format = #tpu.pack_format<interleaved>, positions = array<i32: 0, 1>} : vector<16xf32>, vector<16xf32> -> vector<32xbf16>
          %parallel_loop3A_191 = vector.bitcast %parallel_loop3A_190 : vector<32xbf16> to vector<16xi32>
          %parallel_loop3A_192 = arith.constant 136 : i32
          %parallel_loop3A_193 = arith.muli %parallel_loop3A_77, %parallel_loop3A_192 : i32
          %parallel_loop3A_194 = arith.constant 80 : i32
          %parallel_loop3A_195 = arith.addi %parallel_loop3A_193, %parallel_loop3A_194 : i32
          %parallel_loop3A_196 = arith.index_cast %parallel_loop3A_195 : i32 to index
          %parallel_loop3A_197 = tpu.vector_load %arg7[%parallel_loop3A_196] {strides = array<i32>} : memref<4352xi32, #tpu.memory_space<vmem>>, vector<16xi32>,
          tpu.vector_store %arg7[%parallel_loop3A_196], %parallel_loop3A_191 {strides = array<i32>} : memref<4352xi32, #tpu.memory_space<vmem>>, vector<16xi32>,
          %parallel_loop3A_198 = arith.constant 2 : i32
          %parallel_loop3A_199 = arith.muli %parallel_loop3A_198, %parallel_loop3A_77 : i32
          %parallel_loop3A_200 = arith.index_cast %parallel_loop3A_199 : i32 to index
          %parallel_loop3A_201 = arith.constant 96 : index
          %parallel_loop3A_202 = tpu.vector_load %arg6[%parallel_loop3A_200, %parallel_loop3A_201] {strides = array<i32>} : memref<64x128xf32, #tpu.memory_space<vmem>>, vector<16xf32>,
          %parallel_loop3A_203 = arith.constant 2 : i32
          %parallel_loop3A_204 = arith.muli %parallel_loop3A_203, %parallel_loop3A_77 : i32
          %parallel_loop3A_205 = arith.constant 1 : i32
          %parallel_loop3A_206 = arith.addi %parallel_loop3A_204, %parallel_loop3A_205 : i32
          %parallel_loop3A_207 = arith.index_cast %parallel_loop3A_206 : i32 to index
          %parallel_loop3A_208 = arith.constant 96 : index
          %parallel_loop3A_209 = tpu.vector_load %arg6[%parallel_loop3A_207, %parallel_loop3A_208] {strides = array<i32>} : memref<64x128xf32, #tpu.memory_space<vmem>>, vector<16xf32>,
          %parallel_loop3A_210 = tpu.pack_subelements %parallel_loop3A_202, %parallel_loop3A_209 {pack_format = #tpu.pack_format<interleaved>, positions = array<i32: 0, 1>} : vector<16xf32>, vector<16xf32> -> vector<32xbf16>
          %parallel_loop3A_211 = vector.bitcast %parallel_loop3A_210 : vector<32xbf16> to vector<16xi32>
          %parallel_loop3A_212 = arith.constant 136 : i32
          %parallel_loop3A_213 = arith.muli %parallel_loop3A_77, %parallel_loop3A_212 : i32
          %parallel_loop3A_214 = arith.constant 96 : i32
          %parallel_loop3A_215 = arith.addi %parallel_loop3A_213, %parallel_loop3A_214 : i32
          %parallel_loop3A_216 = arith.index_cast %parallel_loop3A_215 : i32 to index
          %parallel_loop3A_217 = tpu.vector_load %arg7[%parallel_loop3A_216] {strides = array<i32>} : memref<4352xi32, #tpu.memory_space<vmem>>, vector<16xi32>,
          tpu.vector_store %arg7[%parallel_loop3A_216], %parallel_loop3A_211 {strides = array<i32>} : memref<4352xi32, #tpu.memory_space<vmem>>, vector<16xi32>,
          %parallel_loop3A_218 = arith.constant 2 : i32
          %parallel_loop3A_219 = arith.muli %parallel_loop3A_218, %parallel_loop3A_77 : i32
          %parallel_loop3A_220 = arith.index_cast %parallel_loop3A_219 : i32 to index
          %parallel_loop3A_221 = arith.constant 112 : index
          %parallel_loop3A_222 = tpu.vector_load %arg6[%parallel_loop3A_220, %parallel_loop3A_221] {strides = array<i32>} : memref<64x128xf32, #tpu.memory_space<vmem>>, vector<16xf32>,
          %parallel_loop3A_223 = arith.constant 2 : i32
          %parallel_loop3A_224 = arith.muli %parallel_loop3A_223, %parallel_loop3A_77 : i32
          %parallel_loop3A_225 = arith.constant 1 : i32
          %parallel_loop3A_226 = arith.addi %parallel_loop3A_224, %parallel_loop3A_225 : i32
          %parallel_loop3A_227 = arith.index_cast %parallel_loop3A_226 : i32 to index
          %parallel_loop3A_228 = arith.constant 112 : index
          %parallel_loop3A_229 = tpu.vector_load %arg6[%parallel_loop3A_227, %parallel_loop3A_228] {strides = array<i32>} : memref<64x128xf32, #tpu.memory_space<vmem>>, vector<16xf32>,
          %parallel_loop3A_230 = tpu.pack_subelements %parallel_loop3A_222, %parallel_loop3A_229 {pack_format = #tpu.pack_format<interleaved>, positions = array<i32: 0, 1>} : vector<16xf32>, vector<16xf32> -> vector<32xbf16>
          %parallel_loop3A_231 = vector.bitcast %parallel_loop3A_230 : vector<32xbf16> to vector<16xi32>
          %parallel_loop3A_232 = arith.constant 136 : i32
          %parallel_loop3A_233 = arith.muli %parallel_loop3A_77, %parallel_loop3A_232 : i32
          %parallel_loop3A_234 = arith.constant 112 : i32
          %parallel_loop3A_235 = arith.addi %parallel_loop3A_233, %parallel_loop3A_234 : i32
          %parallel_loop3A_236 = arith.index_cast %parallel_loop3A_235 : i32 to index
          %parallel_loop3A_237 = tpu.vector_load %arg7[%parallel_loop3A_236] {strides = array<i32>} : memref<4352xi32, #tpu.memory_space<vmem>>, vector<16xi32>,
          tpu.vector_store %arg7[%parallel_loop3A_236], %parallel_loop3A_231 {strides = array<i32>} : memref<4352xi32, #tpu.memory_space<vmem>>, vector<16xi32>,
        } {sc.loop_unroll_factor = 8 : i64, sc.parallel_access}
        %parallel_loop3A_67 = arith.constant 0 : i32
        %parallel_loop3A_68 = arith.constant 128 : i32
        %parallel_loop3A_69 = arith.constant 1 : i32
        scf.for %parallel_loop3A_77 = %parallel_loop3A_67 to %parallel_loop3A_68 step %parallel_loop3A_69  : i32 {
          %parallel_loop3A_78 = arith.constant 32 : i32
          %parallel_loop3A_79 = arith.muli %parallel_loop3A_77, %parallel_loop3A_78 : i32
          %parallel_loop3A_80 = vector.broadcast %parallel_loop3A_77 : i32 to vector<16xi32>
          %parallel_loop3A_81 = arith.addi %mul3A_14, %parallel_loop3A_80 : vector<16xi32>
          %parallel_loop3A_82 = tpu.vector_load_idx %arg7[%parallel_loop3A_81] : memref<4352xi32, #tpu.memory_space<vmem>>[vector<16xi32>], vector<16xi32>,
          %parallel_loop3A_83 = arith.constant 0 : i32
          %parallel_loop3A_84 = arith.addi %parallel_loop3A_79, %parallel_loop3A_83 : i32
          %parallel_loop3A_85 = arith.index_cast %parallel_loop3A_84 : i32 to index
          %parallel_loop3A_86 = tpu.vector_load %arg9[%parallel_loop3A_85] {strides = array<i32>} : memref<4096xi32, #tpu.memory_space<vmem>>, vector<16xi32>,
          tpu.vector_store %arg9[%parallel_loop3A_85], %parallel_loop3A_82 {strides = array<i32>} : memref<4096xi32, #tpu.memory_space<vmem>>, vector<16xi32>,
          %parallel_loop3A_87 = vector.broadcast %parallel_loop3A_77 : i32 to vector<16xi32>
          %parallel_loop3A_88 = arith.addi %mul3A_20, %parallel_loop3A_87 : vector<16xi32>
          %parallel_loop3A_89 = tpu.vector_load_idx %arg7[%parallel_loop3A_88] : memref<4352xi32, #tpu.memory_space<vmem>>[vector<16xi32>], vector<16xi32>,
          %parallel_loop3A_90 = arith.constant 16 : i32
          %parallel_loop3A_91 = arith.addi %parallel_loop3A_79, %parallel_loop3A_90 : i32
          %parallel_loop3A_92 = arith.index_cast %parallel_loop3A_91 : i32 to index
          %parallel_loop3A_93 = tpu.vector_load %arg9[%parallel_loop3A_92] {strides = array<i32>} : memref<4096xi32, #tpu.memory_space<vmem>>, vector<16xi32>,
          tpu.vector_store %arg9[%parallel_loop3A_92], %parallel_loop3A_89 {strides = array<i32>} : memref<4096xi32, #tpu.memory_space<vmem>>, vector<16xi32>,
        } {sc.loop_unroll_factor = 16 : i64, sc.parallel_access}
        %add3A_70 = arith.addi %add3A_8, %mul3A_39 : i32
        %add3A_71 = arith.constant 1 : i32
        %add3A_72 = arith.addi %add3A_70, %add3A_71 : i32
        %mul3A_73 = arith.constant 128 : i32
        %mul3A_74 = arith.muli %add3A_72, %mul3A_73 : i32
        %mul3A_75 = arith.constant 32 : i32
        %mul3A_76 = arith.muli %mul3A_74, %mul3A_75 : i32
        "tpu.region"() ({
          %run_scoped3A = tpu.sem_alloc : memref<!tpu.dma_semaphore, #tpu.memory_space<semaphore_mem>>
          %dma_start3A_77 = tpu.memref_slice %arg4[%mul3A_76] : memref<32000000xi32, #tpu.memory_space<hbm>> -> memref<4096xi32, #tpu.memory_space<hbm>>
          %dma_start3A_78 = tpu.memref_slice %arg4[%mul3A_76] : memref<32000000xi32, #tpu.memory_space<hbm>> -> memref<4096xi32, #tpu.memory_space<hbm>>
          tpu.enqueue_dma source(%arg9 : memref<4096xi32, #tpu.memory_space<vmem>>) target(%dma_start3A_78 : memref<4096xi32, #tpu.memory_space<hbm>>) target_semaphore(%run_scoped3A : memref<!tpu.dma_semaphore, #tpu.memory_space<semaphore_mem>>)
          %dma_wait3A_79 = tpu.memref_slice %arg4[%mul3A_76] : memref<32000000xi32, #tpu.memory_space<hbm>> -> memref<4096xi32, #tpu.memory_space<hbm>>
          %dma_wait3A_80 = tpu.memref_slice %arg4[%mul3A_76] : memref<32000000xi32, #tpu.memory_space<hbm>> -> memref<4096xi32, #tpu.memory_space<hbm>>
          tpu.wait_dma2 semaphore(%run_scoped3A : memref<!tpu.dma_semaphore, #tpu.memory_space<semaphore_mem>>) src(%arg9 : memref<4096xi32, #tpu.memory_space<vmem>>) dst(%dma_wait3A_80 : memref<4096xi32, #tpu.memory_space<hbm>>)
          tpu.yield
        }) : () -> ()
      } else {
      }
      %scan3A_50 = arith.constant 0 : i32
      scf.yield %scan3A_50 : i32
    }
    %scan3A_33 = arith.constant 123 : i32
    %eq3A = arith.constant 31 : i32
    %eq3A_34 = arith.cmpi eq, %add3A, %eq3A : i32
    %convert_element_type3A = arith.extui %eq3A_34 : i1 to i32
    %cond3A = arith.constant 0 : i32
    %cond3A_35 = arith.cmpi ne, %convert_element_type3A, %cond3A : i32
    scf.if %cond3A_35 {
      "tpu.region"() ({
        %run_scoped3A = tpu.sem_alloc : memref<!tpu.dma_semaphore, #tpu.memory_space<semaphore_mem>>
        %dma_start3A_36 = arith.constant 0 : i32
        %dma_start3A_37 = tpu.memref_slice %arg8[%dma_start3A_36] : memref<4096xi32, #tpu.memory_space<vmem>> -> memref<2048xi32, #tpu.memory_space<vmem>>
        %dma_start3A_38 = arith.constant 0 : i32
        %dma_start3A_39 = tpu.memref_slice %arg8[%dma_start3A_38] : memref<4096xi32, #tpu.memory_space<vmem>> -> memref<2048xi32, #tpu.memory_space<vmem>>
        tpu.enqueue_dma source(%arg3 : memref<2048xi32, #tpu.memory_space<hbm>>) target(%dma_start3A_39 : memref<2048xi32, #tpu.memory_space<vmem>>) target_semaphore(%run_scoped3A : memref<!tpu.dma_semaphore, #tpu.memory_space<semaphore_mem>>)
        %dma_wait3A = arith.constant 0 : i32
        %dma_wait3A_40 = tpu.memref_slice %arg8[%dma_wait3A] : memref<4096xi32, #tpu.memory_space<vmem>> -> memref<2048xi32, #tpu.memory_space<vmem>>
        %dma_wait3A_41 = arith.constant 0 : i32
        %dma_wait3A_42 = tpu.memref_slice %arg8[%dma_wait3A_41] : memref<4096xi32, #tpu.memory_space<vmem>> -> memref<2048xi32, #tpu.memory_space<vmem>>
        tpu.wait_dma2 semaphore(%run_scoped3A : memref<!tpu.dma_semaphore, #tpu.memory_space<semaphore_mem>>) src(%arg3 : memref<2048xi32, #tpu.memory_space<hbm>>) dst(%dma_wait3A_42 : memref<2048xi32, #tpu.memory_space<vmem>>)
        tpu.yield
      }) : () -> ()
      "tpu.region"() ({
        %run_scoped3A = tpu.sem_alloc : memref<!tpu.dma_semaphore, #tpu.memory_space<semaphore_mem>>
        %dma_start3A_36 = arith.constant 0 : i32
        %dma_start3A_37 = tpu.memref_slice %arg8[%dma_start3A_36] : memref<4096xi32, #tpu.memory_space<vmem>> -> memref<2048xi32, #tpu.memory_space<vmem>>
        %dma_start3A_38 = arith.constant 31997952 : i32
        %dma_start3A_39 = tpu.memref_slice %arg4[%dma_start3A_38] : memref<32000000xi32, #tpu.memory_space<hbm>> -> memref<2048xi32, #tpu.memory_space<hbm>>
        %dma_start3A_40 = arith.constant 31997952 : i32
        %dma_start3A_41 = tpu.memref_slice %arg4[%dma_start3A_40] : memref<32000000xi32, #tpu.memory_space<hbm>> -> memref<2048xi32, #tpu.memory_space<hbm>>
        %dma_start3A_42 = arith.constant 0 : i32
        %dma_start3A_43 = tpu.memref_slice %arg8[%dma_start3A_42] : memref<4096xi32, #tpu.memory_space<vmem>> -> memref<2048xi32, #tpu.memory_space<vmem>>
        tpu.enqueue_dma source(%dma_start3A_43 : memref<2048xi32, #tpu.memory_space<vmem>>) target(%dma_start3A_41 : memref<2048xi32, #tpu.memory_space<hbm>>) target_semaphore(%run_scoped3A : memref<!tpu.dma_semaphore, #tpu.memory_space<semaphore_mem>>)
        %dma_wait3A = arith.constant 0 : i32
        %dma_wait3A_44 = tpu.memref_slice %arg8[%dma_wait3A] : memref<4096xi32, #tpu.memory_space<vmem>> -> memref<2048xi32, #tpu.memory_space<vmem>>
        %dma_wait3A_45 = arith.constant 31997952 : i32
        %dma_wait3A_46 = tpu.memref_slice %arg4[%dma_wait3A_45] : memref<32000000xi32, #tpu.memory_space<hbm>> -> memref<2048xi32, #tpu.memory_space<hbm>>
        %dma_wait3A_47 = arith.constant 31997952 : i32
        %dma_wait3A_48 = tpu.memref_slice %arg4[%dma_wait3A_47] : memref<32000000xi32, #tpu.memory_space<hbm>> -> memref<2048xi32, #tpu.memory_space<hbm>>
        %dma_wait3A_49 = arith.constant 0 : i32
        %dma_wait3A_50 = tpu.memref_slice %arg8[%dma_wait3A_49] : memref<4096xi32, #tpu.memory_space<vmem>> -> memref<2048xi32, #tpu.memory_space<vmem>>
        tpu.wait_dma2 semaphore(%run_scoped3A : memref<!tpu.dma_semaphore, #tpu.memory_space<semaphore_mem>>) src(%dma_wait3A_50 : memref<2048xi32, #tpu.memory_space<vmem>>) dst(%dma_wait3A_48 : memref<2048xi32, #tpu.memory_space<hbm>>)
        tpu.yield
      }) : () -> ()
    } else {
    }
    return
  }
}

module attributes {stable_mosaic.version = 14 : i64} {
  func.func @_mm_body(%arg0: memref<4096x64xf32, #tpu.memory_space<vmem>>, %arg1: memref<16x64xf32, #tpu.memory_space<vmem>>, %arg2: memref<1x16xf32, #tpu.memory_space<vmem>>, %arg3: memref<4096x16xf32, #tpu.memory_space<vmem>>) attributes {dimension_semantics = [], scalar_prefetch = 0 : i64, scratch_operands = 0 : i64, tpu.core_type = #tpu.core_type<tc>} {
    %get3A = arith.constant 0 : index
    %get3A_0 = arith.constant 0 : index
    %get3A_1 = vector.load %arg0[%get3A, %get3A_0] : memref<4096x64xf32, #tpu.memory_space<vmem>>, vector<4096x64xf32>
    %get3A_2 = arith.constant 0 : index
    %get3A_3 = arith.constant 0 : index
    %get3A_4 = vector.load %arg1[%get3A_2, %get3A_3] : memref<16x64xf32, #tpu.memory_space<vmem>>, vector<16x64xf32>
    %dot_general3A = arith.constant dense<0.000000e+00> : vector<4096x16xf32>
    %dot_general3A_5 = tpu.matmul %get3A_1, %get3A_4, %dot_general3A {dimension_numbers = #tpu.dot_dimension_numbers<[1], [1], [0], [0], [0, 0, 1, 0], [], []>, transpose_lhs_hint = false} : vector<4096x64xf32>, vector<16x64xf32>, vector<4096x16xf32> -> vector<4096x16xf32>
    %get3A_6 = arith.constant 0 : index
    %get3A_7 = arith.constant 0 : index
    %get3A_8 = vector.load %arg2[%get3A_6, %get3A_7] : memref<1x16xf32, #tpu.memory_space<vmem>>, vector<1x16xf32>
    %add3A = vector.broadcast %get3A_8 : vector<1x16xf32> to vector<4096x16xf32>
    %add3A_9 = arith.addf %dot_general3A_5, %add3A : vector<4096x16xf32>
    %swap3A = arith.constant 0 : index
    %swap3A_10 = arith.constant 0 : index
    %swap3A_11 = vector.load %arg3[%swap3A, %swap3A_10] : memref<4096x16xf32, #tpu.memory_space<vmem>>, vector<4096x16xf32>
    tpu.vector_store %arg3[%swap3A, %swap3A_10], %add3A_9 {strides = array<i32>} : memref<4096x16xf32, #tpu.memory_space<vmem>>, vector<4096x16xf32>,
    return
  }
}

</mosaic_0001>

<sc_bundles>
// kernel: kernel.5.cloned.1.call-start
scs
__scs_entry_jumppad:
0x0: {  	(pc) =	sbr.rel $0x88, $3  }
0x1: {  	(tag) =	ssettag $0x0;
	lr =	simm.s32 $0x1  }
0x2: {  	[smem:$0x3F9D] =	sst lr;
	_ =	strace $0xD0000000  }
0x3: {  	_ = 	snop  }
0x4: {  	_ = 	snop  }
0x5: {  	_ = 	snop  }
0x6: {  	_ = 	snop  }
0x7: {  	_ = 	snop  }
__scs_overlays_trampoline_lowered:
0x8: {  	[smem:$0x3FAC] =	sst s0  }
0x9: {  	[smem:$0x3FAD] =	sst s1  }
0xa: {  	[smem:$0x3FAE] =	sst s2  }
0xb: {  	[smem:$0x3FAF] =	sst s3  }
0xc: {  	[smem:$0x3FB0] =	sst s4  }
0xd: {  	[smem:$0x3FB1] =	sst s5  }
0xe: {  	[smem:$0x3FB2] =	sst s6  }
0xf: {  	[smem:$0x3FB3] =	sst s7  }
0x10: {  	[smem:$0x3FB4] =	sst s8  }
0x11: {  	[smem:$0x3FB5] =	sst s9;
	s0 =	simm.s32 @!p0 $0x0  }
0x12: {  	s1 =	sld [smem:$0x3F9B];
	s0 =	simm.s32 @p0 $0x1  }
0x13: {  	[smem:$0x3FB6] =	sst s0;
	s0 =	simm.s32 @!p1 $0x0  }
0x14: {  	s2 =	sld [smem:$0x3F9A];
	s0 =	simm.s32 @p1 $0x1  }
0x15: {  	[smem:$0x3FB7] =	sst s0;
	s0 =	simm.s32 @!p2 $0x0  }
0x16: {  	s3 =	sld [smem:$0x3FDB];
	s0 =	simm.s32 @p2 $0x1  }
0x17: {  	s4 =	simm.s32 $0x1BF5;
	[smem:$0x3FB9] =	sst s0  }
0x18: {  	s0 =	sld [smem:$0x3F9C];
	_ =	swait.ge [sflag:s4], $0x0  }
0x19: {  	s7 =	sld [smem:$0x3F9D]  }
0x1a: {  	s8 =	sadd.s32 $0xFFFFE003, lr  }
0x1b: {  	s9 =	sadd.s32 $0xFFFFFEF7, lr;
	s5 =	simm.s32 $0xFFFFFFFF;
	p2 =	slt.u32 s8, $0xFFFFF086  }
0x1c: {  	p1 =	slt.u32 s9, $0xF7A;
	s5 =	simm.s32 @!p2 $0x0  }
0x1d: {  	s5 =	simm.s32 @p1 $0x1;
	p0 =	seq.s32 s7, s2  }
0x1e: {  	s7 =	smul.u32 @!p0 $0xF7A, s2;
	p2 =	seq.s32 @!p0 s5, $0x0  }
0x1f: {  	s9 =	smul.u32 $0xF7A, s1;
	s8 =	simm.s32 @!p0 $0x1BF5;
	p2 =	por !p2, p0  }
0x20: {  	[sflag:s8] =	ssyncset.s32 @!p0 $0xFFFFF086;
	s6 =	sadd.s32 @!p0 s3, s7;
	s7 =	simm.s32 @!p0 $0x108  }
0x21: {  	s3 =	sadd.s32 s3, s9;
	s6 =	sadd.s32 @!p0 $0x88, s6;
	s7 =	simm.s32 @p2 $0x1082  }
0x22: {  	[simem:s7], [sflag:s8] =	dma.local @!p0 [hbm:s6], $0xF7A  }
0x23: {  	s9 =	sor.u32 $0xD0000000, s2;
	s6 =	simm.s32 $0x108;
	_ =	swait.ge @!p0 [sflag:s8], $0x0  }
0x24: {  	s3 =	sadd.s32 $0x88, s3;
	s6 =	simm.s32 @!p1 $0x1082;
	[sflag:s4] =	ssyncset.s32 $0xFFFFF086  }
0x25: {  	[simem:s6], [sflag:s4] =	dma.local [hbm:s3], $0xF7A  }
0x26: {  	[smem:$0x3F9D] =	sst s1;
	(tag) =	ssettag s2;
	_ =	strace s9  }
0x27: {  	s1 =	sld [smem:$0x3FAD]  }
0x28: {  	s2 =	sld [smem:$0x3FAE]  }
0x29: {  	s4 =	sld [smem:$0x3FB0]  }
0x2a: {  	p0 =	seq.s32 s5, $0x0;
	s5 =	sld [smem:$0x3FB1]  }
0x2b: {  	s6 =	sld [smem:$0x3FB2]  }
0x2c: {  	s7 =	sld [smem:$0x3FB3]  }
0x2d: {  	s3 =	simm.s32 $0x108;
	s8 =	sld [smem:$0x3FB4]  }
0x2e: {  	s3 =	simm.s32 @!p0 $0x1082;
	s9 =	sld [smem:$0x3FB5]  }
0x2f: {  	lr =	sadd.s32 s0, s3;
	s0 =	sld [smem:$0x3FAC]  }
0x30: {  	s3 =	sld [smem:$0x3FAF]  }
0x31: {  	[smem:$0x3FB8] =	sst s10  }
0x32: {  	s10 =	sld [smem:$0x3FB6];
	_ =	sdelay $0x3  }
0x33: {  	p0 =	seq.s32 s10, $0x1;
	s10 =	sld [smem:$0x3FB8];
	_ =	sdelay $0x3  }
0x34: {  	[smem:$0x3FB8] =	sst s10  }
0x35: {  	s10 =	sld [smem:$0x3FB7];
	_ =	sdelay $0x3  }
0x36: {  	p1 =	seq.s32 s10, $0x1;
	s10 =	sld [smem:$0x3FB8];
	_ =	sdelay $0x3  }
0x37: {  	[smem:$0x3FB8] =	sst s10  }
0x38: {  	s10 =	sld [smem:$0x3FB9]  }
0x39: {  	_ = 	snop;
	(pc) =	sbr.ind lr, $3  }
0x3a: {  	_ = 	snop  }
0x3b: {  	_ = 	snop  }
0x3c: {  	p2 =	seq.s32 s10, $0x1;
	s10 =	sld [smem:$0x3FB8]  }
0x3d: {  	_ =	shalt  }
0x3e: {  	_ =	shalt  }
0x3f: {  	_ =	shalt  }
0x40: {  	_ =	shalt  }
0x41: {  	_ =	shalt  }
0x42: {  	_ =	shalt  }
0x43: {  	_ =	shalt  }
0x44: {  	_ =	shalt  }
0x45: {  	_ =	shalt  }
0x46: {  	_ =	shalt  }
0x47: {  	_ =	shalt  }
0x48: {  	_ =	shalt  }
0x49: {  	_ =	shalt  }
0x4a: {  	_ =	shalt  }
0x4b: {  	_ =	shalt  }
0x4c: {  	_ =	shalt  }
0x4d: {  	_ =	shalt  }
0x4e: {  	_ =	shalt  }
0x4f: {  	_ =	shalt  }
0x50: {  	_ =	shalt  }
0x51: {  	_ =	shalt  }
0x52: {  	_ =	shalt  }
0x53: {  	_ =	shalt  }
0x54: {  	_ =	shalt  }
0x55: {  	_ =	shalt  }
0x56: {  	_ =	shalt  }
0x57: {  	_ =	shalt  }
0x58: {  	_ =	shalt  }
0x59: {  	_ =	shalt  }
0x5a: {  	_ =	shalt  }
0x5b: {  	_ =	shalt  }
0x5c: {  	_ =	shalt  }
0x5d: {  	_ =	shalt  }
0x5e: {  	_ =	shalt  }
0x5f: {  	_ =	shalt  }
0x60: {  	_ =	shalt  }
0x61: {  	_ =	shalt  }
0x62: {  	_ =	shalt  }
0x63: {  	_ =	shalt  }
0x64: {  	_ =	shalt  }
0x65: {  	_ =	shalt  }
0x66: {  	_ =	shalt  }
0x67: {  	_ =	shalt  }
0x68: {  	_ =	shalt  }
0x69: {  	_ =	shalt  }
0x6a: {  	_ =	shalt  }
0x6b: {  	_ =	shalt  }
0x6c: {  	_ =	shalt  }
0x6d: {  	_ =	shalt  }
0x6e: {  	_ =	shalt  }
0x6f: {  	_ =	shalt  }
0x70: {  	_ =	shalt  }
0x71: {  	_ =	shalt  }
0x72: {  	_ =	shalt  }
0x73: {  	_ =	shalt  }
0x74: {  	_ =	shalt  }
0x75: {  	_ =	shalt  }
0x76: {  	_ =	shalt  }
0x77: {  	_ =	shalt  }
0x78: {  	_ =	shalt  }
0x79: {  	_ =	shalt  }
0x7a: {  	_ =	shalt  }
0x7b: {  	_ =	shalt  }
0x7c: {  	_ =	shalt  }
0x7d: {  	_ =	shalt  }
0x7e: {  	_ =	shalt  }
0x7f: {  	_ =	shalt  }
0x80: {  	_ =	shalt  }
0x81: {  	_ =	shalt  }
0x82: {  	_ =	shalt  }
0x83: {  	_ =	shalt  }
0x84: {  	_ =	shalt  }
0x85: {  	_ =	shalt  }
0x86: {  	_ =	shalt  }
0x87: {  	_ =	shalt  }
.Lfunc_end0:
.L_simem_size_0:
called_computation_lowered:
.L_overlay_start_0:
0x88: {  	s2 =	sld [smem:$0x3FD9]  }
0x89: {  	s3 =	sld [smem:$0x3FFE];
	_ =	sdelay $0x1  }
0x8a: {  	s1 =	srdreg.scid  }
0x8b: {  	s0 =	sand.u32 $0x1, s1  }
0x8c: {  	s17 =	sshll.u32 s0, $0xA;
	s2 =	sadd.s32 s3, s2  }
0x8d: {  	s2 =	sadd.s32 s2, s17  }
0x8e: {  	[smem:$0x3FC4] =	sst s2  }
0x8f: {  	_ = 	snop  }
0x90: {  	s2 =	sld [smem:$0x3FC8]  }
0x91: {  	s18 =	sld [smem:$0x3FD0];
	(tm) =	ssettm $0x1  }
0x92: {  	s4 =	sld [smem:$0x3FFB];
	_ =	sdelay $0x3  }
0x93: {  	_ =	strace s4  }
0x94: {  	s4 =	sld [smem:$0x3FFC];
	_ =	sdelay $0x3  }
0x95: {  	_ =	strace s4  }
0x96: {  	s4 =	sld [smem:$0x3FFD];
	_ =	sdelay $0x3  }
0x97: {  	_ =	strace s4  }
0x98: {  	_ =	strace $0x8FFFFFFF  }
0x99: {  	s19 =	sld [smem:$0x3FDB];
	_ =	sdelay $0x1  }
0x9a: {  	s5 =	simm.s32 $_scs_section_size  }
0x9b: {  	s6 =	simm.s32 $_size__tile_overlayer_lowered;
	s7 =	simm.s32 $_tile_overlayer_lowered  }
0x9c: {  	s22 =	simm.s32 $0x1BFF;
	s21 =	sshll.u32 s7, $0x1;
	s4 =	sadd.s32 s5, s19  }
0x9d: {  	s8 =	simm.s32 $0x0;
	s20 =	sshll.u32 s6, $0x1;
	s6 =	sadd.s32 s21, s4  }
0x9e: {  	[timem:s8], [sflag:s22] =	dma.local [hbm:s6], s20  }
0x9f: {  	_ =	swait.ge [sflag:s22], s20  }
0xa0: {  	s5 =	ssub.s32 $0x0, s20;
	[sflag:s22] =	ssyncset.done $0x0  }
0xa1: {  	[sflag:s22] =	ssyncadd.s32 s5;
	_ =	sdelay $0x1  }
0xa2: {  	s23 =	simm.s32 $0x1B8B  }
0xa3: {  	_ =	swait.ge [sflag:s23], $0x1  }
0xa4: {  	[sflag:s23] =	ssyncset.done $0x0  }
0xa5: {  	s25 =	simm.s32 $0x1B8E;
	s24 =	sld [smem:$0x3FFE];
	[sflag:s23] =	ssyncadd.s32 $0xFFFFFFFF  }
0xa6: {  	s26 =	simm.s32 $execute0_lowered;
	[smem:$0x3FD2] =	sst s25  }
0xa7: {  	s6 =	sshll.u32 s26, $0x1;
	_ =	strace $0x80000046;
	[dreg:$0x1] =	wrdreg $0xFFFFFFFF  }
0xa8: {  	s28 =	simm.s32 $_size_execute0_lowered;
	s4 =	sadd.s32 s4, s6;
	[dreg:$0x0] =	wrdreg $0x0  }
0xa9: {  	s6 =	sshll.u32 s28, $0x1;
	[dreg:$0x2] =	wrdreg s4  }
0xaa: {  	[dreg:$0x3] =	wrdreg s6  }
0xab: {  	[dreg:$0x4] =	wrdreg $0xC0  }
0xac: {  	_ =	task [dreg:s8], $0x5FFFF  }
0xad: {  	[dreg:$0x1] =	wrdreg $0xFFFFFFFF  }
0xae: {  	[dreg:$0x0] =	wrdreg $0x60  }
0xaf: {  	[dreg:$0x2] =	wrdreg s2  }
0xb0: {  	[dreg:$0x3] =	wrdreg s18  }
0xb1: {  	[dreg:$0x4] =	wrdreg s24  }
0xb2: {  	[dreg:$0x5] =	wrdreg $0x9  }
0xb3: {  	_ =	task.clear_ibuf [dreg:s8], $0x6FFFF;
	_ =	strace $0x90000046  }
0xb4: {  	s29 =	simm.s32 $0x9;
	_ =	strace $0x80000048  }
0xb5: {  	_ =	swait.ge [sflag:s29], $0x1  }
0xb6: {  	[sflag:s29] =	ssyncadd.s32 $0xFFFFFFFF  }
0xb7: {  	_ =	strace $0x90000048  }
0xb8: {  	_ =	sfence  }
0xb9: {  	s30 =	sld [smem:$0x0];
	_ =	sdelay $0x2  }
0xba: {  	s31 =	sshll.u32 s1, $0xD;
	s1 =	sshrl.u32 s1, $0x2  }
0xbb: {  	s3 =	sand.u32 $0x4000, s31;
	s1 =	sadd.s32 s1, s30  }
0xbc: {  	s0 =	sor.u32 s3, s0;
	s1 =	sshll.u32 s1, $0x11  }
0xbd: {  	s0 =	sor.u32 s1, s0  }
0xbe: {  	s0 =	sadd.s32 $0x8F2B, s0  }
0xbf: {  	[sflag:s0] =	ssyncadd.remote.s32 $0x1  }
0xc0: {  	_ =	sfence.sel $0xFFFF  }
0xc1: {  	[dreg:$0x0] =	wrdreg $0xFFFFFFFF;
	(pc) =	sbr.abs _section_cstart, $3  }
0xc2: {  	[dreg:$0x1] =	wrdreg $0xFFFFFFFF  }
0xc3: {  	_ =	task.clear_ibuf [dreg:s8], $0x2FFFF;
	_ =	strace $0x9FFFFFFF  }
0xc4: {  	(tm) =	ssettm $0x7FFFFFFF  }
0xc5: {  	_ =	shalt  }
tec
execute0_lowered:
.L_overlay_start_1:
0x0: {  	(tag) =	ssettag $0x1  }
0x1: {  	s22 =	rddreg [dreg:$0x0];
	s0 =	srdreg.scid  }
0x2: {  	s6 =	stileid.u32;
	s1 =	rddreg [dreg:$0x2]  }
0x3: {  	s3 =	simm.s32 $0x0;
	s24 =	simm.s32 $0xF5;
	s0 =	sand.u32 $0x1, s0  }
0x4: {  	s2 =	sshll.u32 s6, $0x1;
	[smem:$0x7FF] =	sst s3;
	s5 =	sadd.s32 $0x1000, s1  }
0x5: {  	p0 =	slt.u32 s6, $0x2;
	s31 =	sadd.s32 $0x1200, s1;
	s1 =	sadd.s32 $0x3D1800, s1  }
0x6: {  	s2 =	sor.u32 s0, s2;
	_ =	strace $0x80000047;
	[dreg:$0x4] =	wrdreg s5  }
0x7: {  	s0 =	ssub.s32 $0x2, s0;
	s24 =	simm.s32 @!p0 $0xF4;
	[dreg:$0x8] =	wrdreg s31  }
0x8: {  	[dreg:$0x9] =	wrdreg s1;
	s28 =	smul.u32 $0xF4, s2;
	s4 =	smin.u32 s2, $0x4  }
.Ltmp0:
0x9: {  	s29 =	sshrl.u32 s0, $0x1;
	s30 =	sadd.s32 $0xFFFFFFFF, s24;
	(pc) =	sbr.rel .LBB2_1-.Ltmp0, $4  }
0xa: {  	v0 =	vlaneseq.u32;
	[dreg:$0x5] =	wrdreg s24;
	s0 =	ssub.s32 s0, s29;
	s7 =	sadd.s32 s4, s28  }
0xb: {  	v0 =	vmul.u32 $0x88, v0;
	[dreg:$0x7] =	wrdreg s30;
	s0 =	smax.u32 s0, $0x1;
	s3 =	sshll.u32 s7, $0x7  }
0xc: {  	s16 =	simm.s32 $0x4000;
	[dreg:$0xa] =	wrdreg s0;
	s3 =	sadd.s32 s22, s3  }
0xd: {  	s1 =	simm.s32 $0x0;
	v1 =	vadd.s32 $0x880, v0;
	p0 =	sne.s32 s2, $0x1F;
	[dreg:$0x6] =	wrdreg s3  }
.LBB2_15:
0xe: {  	s0 =	simm.s32 @!p0 $0x0;
	s1 =	simm.s32 @!p0 $0x5100;
	s2 =	rddreg [dreg:$0x1]  }
0xf: {  	[tilespmem:s1], [sflag:$0x3] =	stream.linear.gather @!p0 [hbm4b:s2+s0], $0x800, $0x38;
	[tilespmem:$0x7100] =	vst v63  }
0x10: {  	s2 =	simm.s32 @!p0 $0x3  }
0x11: {  	_ =	swait.ge @!p0 [sflag:s2], $0x800  }
0x12: {  	[sflag:s2] =	ssyncset.done @!p0 $0x0  }
0x13: {  	s3 =	rddreg [dreg:$0x9];
	[sflag:s2] =	ssyncadd.s32 @!p0 $0xFFFFF800  }
0x14: {  	[hbm4b:s3+s0] =	stream.linear.scatter @!p0 [tilespmem:s1], [sflag:$0x3], $0x800, $0x38;
	[tilespmem:$0x7100] =	vst v63  }
0x15: {  	_ =	swait.ge @!p0 [sflag:s2], $0x800  }
0x16: {  	s30 =	rddreg [dreg:$0xb]  }
0x17: {  	s31 =	rddreg [dreg:$0xa];
	s1 =	sadd.s32 $0x1, s30  }
0x18: {  	p1 =	sne.s32 s1, s31  }
.Ltmp1:
0x19: {  	_ = 	snop;
	(pc) =	sbr.rel @!p1 .LBB2_16-.Ltmp1, $3  }
0x1a: {  	_ =	sdelay $0x1  }
0x1b: {  	[sflag:s2] =	ssyncset.done @!p0 $0x0  }
0x1c: {  	[sflag:s2] =	ssyncadd.s32 @!p0 $0xFFFFF800  }
.LBB2_1:
.Ltmp2:
0x1d: {  	(pc) =	sbr.rel .LBB2_2-.Ltmp2, $4  }
0x1e: {  	[dreg:$0xb] =	wrdreg s1  }
0x1f: {  	s0 =	simm.s32 $0x0;
	s31 =	rddreg [dreg:$0x6]  }
0x20: {  	s2 =	simm.s32 $0x400;
	s3 =	simm.s32 $0x7A1400;
	s23 =	simm.s32 $0x0  }
0x21: {  	[tilespmem:s0], [sflag:$0x1] =	stream.strided.gather [hbm4b:s31+s2], $0x2000, s3, s2, $0x38;
	[tilespmem:$0x7100] =	vst v63  }
.LBB2_14:
0x22: {  	s23 =	sadd.s32 $0x1, s23  }
0x23: {  	p1 =	sne.s32 s23, $0x7B  }
.Ltmp3:
0x24: {  	_ = 	snop;
	(pc) =	sbr.rel @!p1 .LBB2_15-.Ltmp3, $1  }
0x25: {  	_ =	sdelay $0x3  }
.LBB2_2:
0x26: {  	s25 =	sshll.u32 s23, $0x1  }
0x27: {  	p1 =	sge.u32 s25, s24  }
.Ltmp4:
0x28: {  	_ = 	snop;
	(pc) =	sbr.rel @p1 .LBB2_8-.Ltmp4, $3  }
0x29: {  	_ =	sdelay $0x1  }
0x2a: {  	s0 =	sadd.s32 s7, s25  }
0x2b: {  	[dreg:$0xc] =	wrdreg s0  }
0x2c: {  	s0 =	sor.u32 $0x1, s25;
	s1 =	simm.s32 $0x1  }
0x2d: {  	p1 =	sge.u32 s0, s24;
	_ =	swait.ge [sflag:s1], $0x2000  }
0x2e: {  	s24 =	smov.u32 s7;
	s0 =	sadd.s32 @!p1 s7, s0;
	[sflag:s1] =	ssyncset.done $0x0  }
0x2f: {  	s7 =	smov.u32 s22;
	s2 =	simm.s32 @!p1 $0x7A1400;
	s0 =	sshll.u32 @!p1 s0, $0x7  }
0x30: {  	s3 =	simm.s32 @!p1 $0x2000;
	[sflag:s1] =	ssyncadd.s32 $0xFFFFE000;
	s0 =	sand.u32 @!p1 $0x1FFFFF80, s0  }
0x31: {  	s1 =	simm.s32 @!p1 $0x400;
	s0 =	sadd.s32 @!p1 s22, s0;
	s22 =	simm.s32 $0x400  }
0x32: {  	[tilespmem:s3], [sflag:$0x2] =	stream.strided.gather @!p1 [hbm4b:s0+s1], $0x2000, s2, s1, $0x38;
	[tilespmem:$0x7100] =	vst v63  }
0x33: {  	v2 =	vld [tilespmem:s22+$0x300]  }
0x34: {  	v3 =	vld [tilespmem:s22+$0x380]  }
0x35: {  	v4 =	vld [tilespmem:s22+$0xFFFFFC80]  }
0x36: {  	v5 =	vld [tilespmem:s22+$0xFFFFFD00]  }
0x37: {  	v6 =	vld [tilespmem:s22+$0xFFFFFD80]  }
0x38: {  	v7 =	vld [tilespmem:s22+$0xFFFFFE00]  }
0x39: {  	v8 =	vld [tilespmem:s22+$0xFFFFFE80]  }
0x3a: {  	v10 =	vld [tilespmem:s22+$0xFFFFFF80]  }
0x3b: {  	v11 =	vld [tilespmem:s22+$0x0]  }
0x3c: {  	v12 =	vld [tilespmem:s22+$0x80]  }
0x3d: {  	v13 =	vld [tilespmem:s22+$0x100]  }
0x3e: {  	v14 =	vld [tilespmem:s22+$0x180]  }
0x3f: {  	v18 =	vld [tilespmem:s22+$0x200]  }
0x40: {  	s29 =	simm.s32 $0x4220;
	v2 =	vpack.i.f32.bf16 v3, v2;
	v3 =	vld [tilespmem:s22+$0xFFFFFF00]  }
0x41: {  	v5 =	vpack.i.f32.bf16 v6, v5;
	v6 =	vld [tilespmem:s22+$0x280];
	[tilespmem:s29+$0x198] =	vst v2  }
0x42: {  	[tilespmem:s29+$0xFFFFFE68] =	vst v5;
	v5 =	vld [tilespmem:s22+$0xFFFFFC00]  }
0x43: {  	v2 =	vld [tilespmem:s22+$0x310]  }
0x44: {  	v9 =	vld [tilespmem:s22+$0x390]  }
0x45: {  	v7 =	vpack.i.f32.bf16 v8, v7;
	v8 =	vld [tilespmem:s22+$0xFFFFFD10]  }
0x46: {  	v13 =	vpack.i.f32.bf16 v14, v13;
	[tilespmem:s29+$0xFFFFFEF0] =	vst v7;
	v7 =	vld [tilespmem:s22+$0xFFFFFD90]  }
0x47: {  	[tilespmem:s29+$0x88] =	vst v13;
	v19 =	vld [tilespmem:s22+$0xFFFFFE10];
	v3 =	vpack.i.f32.bf16 v10, v3  }
0x48: {  	v25 =	vld [tilespmem:s22+$0x110];
	v6 =	vpack.i.f32.bf16 v6, v18;
	[tilespmem:s29+$0xFFFFFF78] =	vst v3  }
0x49: {  	[tilespmem:s29+$0x110] =	vst v6;
	v6 =	vld [tilespmem:s22+$0x190];
	v2 =	vpack.i.f32.bf16 v9, v2  }
0x4a: {  	v21 =	vld [tilespmem:s22+$0xFFFFFF10];
	[tilespmem:s29+$0x1A8] =	vst v2  }
0x4b: {  	v2 =	vld [tilespmem:s22+$0x320]  }
0x4c: {  	v4 =	vpack.i.f32.bf16 v4, v5;
	v15 =	vld [tilespmem:s22+$0x3A0]  }
0x4d: {  	[tilespmem:s29+$0xFFFFFDE0] =	vst v4;
	v22 =	vld [tilespmem:s22+$0xFFFFFF90]  }
0x4e: {  	v20 =	vld [tilespmem:s22+$0xFFFFFC10]  }
0x4f: {  	v7 =	vpack.i.f32.bf16 v7, v8;
	v3 =	vld [tilespmem:s22+$0xFFFFFC90]  }
0x50: {  	v26 =	vld [tilespmem:s22+$0x210];
	[tilespmem:s29+$0xFFFFFE78] =	vst v7;
	v6 =	vpack.i.f32.bf16 v6, v25  }
0x51: {  	v29 =	vld [tilespmem:s22+$0xFFFFFD20];
	[tilespmem:s29+$0x98] =	vst v6;
	v2 =	vpack.i.f32.bf16 v15, v2  }
0x52: {  	v33 =	vld [tilespmem:s22+$0x120];
	[tilespmem:s29+$0x1B8] =	vst v2  }
0x53: {  	v5 =	vld [tilespmem:s22+$0x330]  }
0x54: {  	v3 =	vpack.i.f32.bf16 v3, v20;
	v4 =	vld [tilespmem:s22+$0x3B0]  }
0x55: {  	[tilespmem:s29+$0xFFFFFDF0] =	vst v3;
	v3 =	vld [tilespmem:s22+$0x290]  }
0x56: {  	v2 =	vld [tilespmem:s22+$0xFFFFFE90]  }
0x57: {  	v11 =	vpack.i.f32.bf16 v12, v11;
	v27 =	vld [tilespmem:s22+$0xFFFFFC20]  }
0x58: {  	[tilespmem:s29+$0x0] =	vst v11;
	v28 =	vld [tilespmem:s22+$0xFFFFFCA0]  }
0x59: {  	v4 =	vpack.i.f32.bf16 v4, v5;
	v5 =	vld [tilespmem:s22+$0x10]  }
0x5a: {  	[tilespmem:s29+$0x1C8] =	vst v4;
	v4 =	vld [tilespmem:s22+$0x90]  }
0x5b: {  	v23 =	vld [tilespmem:s22+$0x340]  }
0x5c: {  	v3 =	vpack.i.f32.bf16 v3, v26;
	v24 =	vld [tilespmem:s22+$0x3C0]  }
0x5d: {  	v2 =	vpack.i.f32.bf16 v2, v19;
	[tilespmem:s29+$0x120] =	vst v3;
	v3 =	vld [tilespmem:s22+$0x1A0]  }
0x5e: {  	[tilespmem:s29+$0xFFFFFF00] =	vst v2;
	v2 =	vld [tilespmem:s22+$0xFFFFFDA0]  }
0x5f: {  	v30 =	vld [tilespmem:s22+$0xFFFFFE20];
	v4 =	vpack.i.f32.bf16 v4, v5  }
0x60: {  	v31 =	vld [tilespmem:s22+$0xFFFFFEA0];
	[tilespmem:s29+$0x10] =	vst v4  }
0x61: {  	v13 =	vpack.i.f32.bf16 v24, v23;
	v32 =	vld [tilespmem:s22+$0x20]  }
0x62: {  	[tilespmem:s29+$0x1D8] =	vst v13;
	v6 =	vld [tilespmem:s22+$0xA0]  }
0x63: {  	v2 =	vpack.i.f32.bf16 v2, v29;
	v8 =	vld [tilespmem:s22+$0x350]  }
0x64: {  	[tilespmem:s29+$0xFFFFFE88] =	vst v2;
	v7 =	vld [tilespmem:s22+$0x3D0]  }
0x65: {  	v37 =	vld [tilespmem:s22+$0xFFFFFD30];
	v13 =	vpack.i.f32.bf16 v28, v27  }
0x66: {  	v38 =	vld [tilespmem:s22+$0xFFFFFDB0];
	[tilespmem:s29+$0xFFFFFE00] =	vst v13  }
0x67: {  	v11 =	vpack.i.f32.bf16 v22, v21;
	v36 =	vld [tilespmem:s22+$0xFFFFFC30]  }
0x68: {  	[tilespmem:s29+$0xFFFFFF88] =	vst v11;
	v2 =	vld [tilespmem:s22+$0xFFFFFCB0];
	v6 =	vpack.i.f32.bf16 v6, v32  }
0x69: {  	v7 =	vpack.i.f32.bf16 v7, v8;
	v8 =	vld [tilespmem:s22+$0xFFFFFF20];
	[tilespmem:s29+$0x20] =	vst v6  }
0x6a: {  	[tilespmem:s29+$0x1E8] =	vst v7;
	v7 =	vld [tilespmem:s22+$0xFFFFFFA0]  }
0x6b: {  	v40 =	vld [tilespmem:s22+$0x30]  }
0x6c: {  	v3 =	vpack.i.f32.bf16 v3, v33;
	v5 =	vld [tilespmem:s22+$0x360]  }
0x6d: {  	[tilespmem:s29+$0xA8] =	vst v3;
	v2 =	vpack.i.f32.bf16 v2, v36;
	v4 =	vld [tilespmem:s22+$0x3E0]  }
0x6e: {  	v3 =	vld [tilespmem:s22+$0xB0];
	[tilespmem:s29+$0xFFFFFE10] =	vst v2  }
0x6f: {  	v11 =	vpack.i.f32.bf16 v31, v30;
	v42 =	vld [tilespmem:s22+$0xFFFFFC40]  }
0x70: {  	[tilespmem:s29+$0xFFFFFF10] =	vst v11;
	v43 =	vld [tilespmem:s22+$0xFFFFFCC0]  }
0x71: {  	v7 =	vpack.i.f32.bf16 v7, v8;
	v8 =	vld [tilespmem:s22+$0xFFFFFE30]  }
0x72: {  	v4 =	vpack.i.f32.bf16 v4, v5;
	v5 =	vld [tilespmem:s22+$0x220]  }
0x73: {  	[tilespmem:s29+$0xFFFFFF98] =	vst v7;
	v7 =	vld [tilespmem:s22+$0xFFFFFEB0]  }
0x74: {  	[tilespmem:s29+$0x1F8] =	vst v4;
	v4 =	vld [tilespmem:s22+$0x2A0]  }
0x75: {  	v39 =	vld [tilespmem:s22+$0xFFFFFF30]  }
0x76: {  	v6 =	vld [tilespmem:s22+$0xFFFFFFB0]  }
0x77: {  	v11 =	vpack.i.f32.bf16 v38, v37;
	v34 =	vld [tilespmem:s22+$0x370]  }
0x78: {  	[tilespmem:s29+$0xFFFFFE98] =	vst v11;
	v35 =	vld [tilespmem:s22+$0x3F0]  }
0x79: {  	v7 =	vpack.i.f32.bf16 v7, v8;
	v8 =	vld [tilespmem:s22+$0xFFFFFD40]  }
0x7a: {  	v4 =	vpack.i.f32.bf16 v4, v5;
	v5 =	vld [tilespmem:s22+$0x130]  }
0x7b: {  	[tilespmem:s29+$0xFFFFFF20] =	vst v7;
	v7 =	vld [tilespmem:s22+$0xFFFFFDC0]  }
0x7c: {  	[tilespmem:s29+$0x130] =	vst v4;
	v4 =	vld [tilespmem:s22+$0x1B0]  }
0x7d: {  	v6 =	vpack.i.f32.bf16 v6, v39;
	v44 =	vld [tilespmem:s22+$0xFFFFFE40]  }
0x7e: {  	[tilespmem:s29+$0xFFFFFFA8] =	vst v6;
	v6 =	vld [tilespmem:s22+$0xFFFFFEC0]  }
0x7f: {  	v41 =	vld [tilespmem:s22+$0x230]  }
0x80: {  	v3 =	vpack.i.f32.bf16 v3, v40;
	v2 =	vld [tilespmem:s22+$0x2B0]  }
0x81: {  	[tilespmem:s29+$0x30] =	vst v3;
	v11 =	vpack.i.f32.bf16 v43, v42;
	v45 =	vld [tilespmem:s22+$0xFFFFFF40]  }
0x82: {  	[tilespmem:s29+$0xFFFFFE20] =	vst v11;
	v3 =	vld [tilespmem:s22+$0xFFFFFFC0]  }
0x83: {  	v7 =	vpack.i.f32.bf16 v7, v8;
	v8 =	vld [tilespmem:s22+$0xFFFFFC50]  }
0x84: {  	v4 =	vpack.i.f32.bf16 v4, v5;
	v5 =	vld [tilespmem:s22+$0x40]  }
0x85: {  	[tilespmem:s29+$0xFFFFFEA8] =	vst v7;
	v7 =	vld [tilespmem:s22+$0xFFFFFCD0]  }
0x86: {  	[tilespmem:s29+$0xB8] =	vst v4;
	v4 =	vld [tilespmem:s22+$0xC0]  }
0x87: {  	v6 =	vpack.i.f32.bf16 v6, v44;
	v49 =	vld [tilespmem:s22+$0xFFFFFD50]  }
0x88: {  	[tilespmem:s29+$0xFFFFFF30] =	vst v6;
	v6 =	vld [tilespmem:s22+$0xFFFFFDD0]  }
0x89: {  	v2 =	vpack.i.f32.bf16 v2, v41;
	v46 =	vld [tilespmem:s22+$0x140]  }
0x8a: {  	[tilespmem:s29+$0x140] =	vst v2;
	v2 =	vld [tilespmem:s22+$0x1C0]  }
0x8b: {  	v3 =	vpack.i.f32.bf16 v3, v45;
	v50 =	vld [tilespmem:s22+$0xFFFFFE50]  }
0x8c: {  	[tilespmem:s29+$0xFFFFFFB8] =	vst v3;
	v3 =	vld [tilespmem:s22+$0xFFFFFED0]  }
0x8d: {  	v47 =	vld [tilespmem:s22+$0x240]  }
0x8e: {  	v48 =	vld [tilespmem:s22+$0x2C0];
	v7 =	vpack.i.f32.bf16 v7, v8  }
0x8f: {  	v4 =	vpack.i.f32.bf16 v4, v5;
	v5 =	vld [tilespmem:s22+$0xFFFFFF50];
	[tilespmem:s29+$0xFFFFFE30] =	vst v7  }
0x90: {  	[tilespmem:s29+$0x40] =	vst v4;
	v4 =	vld [tilespmem:s22+$0xFFFFFFD0]  }
0x91: {  	v6 =	vpack.i.f32.bf16 v6, v49;
	v54 =	vld [tilespmem:s22+$0xFFFFFC60]  }
0x92: {  	[tilespmem:s29+$0xFFFFFEB8] =	vst v6;
	v6 =	vld [tilespmem:s22+$0xFFFFFCE0]  }
0x93: {  	v2 =	vpack.i.f32.bf16 v2, v46;
	v51 =	vld [tilespmem:s22+$0x50]  }
0x94: {  	[tilespmem:s29+$0xC8] =	vst v2;
	v2 =	vld [tilespmem:s22+$0xD0]  }
0x95: {  	v3 =	vpack.i.f32.bf16 v3, v50;
	v55 =	vld [tilespmem:s22+$0xFFFFFD60]  }
0x96: {  	[tilespmem:s29+$0xFFFFFF40] =	vst v3;
	v3 =	vld [tilespmem:s22+$0xFFFFFDE0]  }
0x97: {  	v11 =	vpack.i.f32.bf16 v48, v47;
	v52 =	vld [tilespmem:s22+$0x150]  }
0x98: {  	[tilespmem:s29+$0x150] =	vst v11;
	v53 =	vld [tilespmem:s22+$0x1D0]  }
0x99: {  	v8 =	vld [tilespmem:s22+$0x250]  }
0x9a: {  	v7 =	vld [tilespmem:s22+$0x2D0]  }
0x9b: {  	v4 =	vpack.i.f32.bf16 v4, v5;
	v5 =	vld [tilespmem:s22+$0xFFFFFE60]  }
0x9c: {  	v6 =	vpack.i.f32.bf16 v6, v54;
	[tilespmem:s29+$0xFFFFFFC8] =	vst v4;
	v4 =	vld [tilespmem:s22+$0xFFFFFEE0]  }
0x9d: {  	v2 =	vpack.i.f32.bf16 v2, v51;
	[tilespmem:s29+$0xFFFFFE40] =	vst v6;
	v56 =	vld [tilespmem:s22+$0xFFFFFF60]  }
0x9e: {  	[tilespmem:s29+$0x50] =	vst v2;
	v2 =	vld [tilespmem:s22+$0xFFFFFFE0]  }
0x9f: {  	v3 =	vpack.i.f32.bf16 v3, v55;
	v60 =	vld [tilespmem:s22+$0xFFFFFC70]  }
0xa0: {  	[tilespmem:s29+$0xFFFFFEC8] =	vst v3;
	v3 =	vld [tilespmem:s22+$0xFFFFFCF0]  }
0xa1: {  	v57 =	vld [tilespmem:s22+$0x60]  }
0xa2: {  	v11 =	vpack.i.f32.bf16 v53, v52;
	v58 =	vld [tilespmem:s22+$0xE0]  }
0xa3: {  	[tilespmem:s29+$0xD8] =	vst v11;
	v16 =	vld [tilespmem:s22+$0xFFFFFD70]  }
0xa4: {  	v7 =	vpack.i.f32.bf16 v7, v8;
	v8 =	vld [tilespmem:s22+$0x160]  }
0xa5: {  	[tilespmem:s29+$0x160] =	vst v7;
	v7 =	vld [tilespmem:s22+$0x1E0]  }
0xa6: {  	v59 =	vld [tilespmem:s22+$0x260]  }
0xa7: {  	v6 =	vld [tilespmem:s22+$0x2E0];
	v4 =	vpack.i.f32.bf16 v4, v5  }
0xa8: {  	[tilespmem:s29+$0xFFFFFF50] =	vst v4;
	v4 =	vld [tilespmem:s22+$0xFFFFFDF0]  }
0xa9: {  	v2 =	vpack.i.f32.bf16 v2, v56;
	v61 =	vld [tilespmem:s22+$0xFFFFFE70]  }
0xaa: {  	v5 =	vpack.i.f32.bf16 v35, v34;
	[tilespmem:s29+$0xFFFFFFD8] =	vst v2;
	v62 =	vld [tilespmem:s22+$0xFFFFFEF0]  }
0xab: {  	[tilespmem:s29+$0x208] =	vst v5;
	v2 =	vpack.i.f32.bf16 v58, v57;
	v63 =	vld [tilespmem:s22+$0xFFFFFF70]  }
0xac: {  	[tilespmem:s29+$0x60] =	vst v2;
	v2 =	vpack.i.f32.bf16 v7, v8;
	v7 =	vld [tilespmem:s22+$0xFFFFFFF0]  }
0xad: {  	[tilespmem:s29+$0xE8] =	vst v2;
	v5 =	vpack.i.f32.bf16 v6, v59;
	v2 =	vld [tilespmem:s22+$0x70]  }
0xae: {  	v3 =	vpack.i.f32.bf16 v3, v60;
	[tilespmem:s29+$0x170] =	vst v5;
	v5 =	vld [tilespmem:s22+$0xF0]  }
0xaf: {  	[tilespmem:s29+$0xFFFFFE50] =	vst v3;
	v3 =	vld [tilespmem:s22+$0x170];
	v4 =	vpack.i.f32.bf16 v4, v16  }
0xb0: {  	v6 =	vld [tilespmem:s22+$0x1F0];
	[tilespmem:s29+$0xFFFFFED8] =	vst v4;
	v4 =	vpack.i.f32.bf16 v62, v61  }
0xb1: {  	s30 =	simm.s32 $0x0;
	[tilespmem:s29+$0xFFFFFF60] =	vst v4;
	v7 =	vpack.i.f32.bf16 v7, v63;
	v4 =	vld [tilespmem:s22+$0x270]  }
0xb2: {  	s26 =	simm.s32 $0x1E0;
	s28 =	simm.s32 $0x5200;
	s31 =	simm.s32 $0xC00;
	[tilespmem:s29+$0xFFFFFFE8] =	vst v7;
	v7 =	vld [tilespmem:s22+$0x2F0]  }
.LBB2_4:
0xb3: {  	v8 =	vld [tilespmem:s31+$0x300];
	v2 =	vpack.i.f32.bf16 v5, v2  }
0xb4: {  	v5 =	vld [tilespmem:s31+$0x380];
	[tilespmem:s29+$0x70] =	vst v2  }
0xb5: {  	v2 =	vld [tilespmem:s31+$0xFFFFFC80];
	v3 =	vpack.i.f32.bf16 v6, v3  }
0xb6: {  	v6 =	vld [tilespmem:s31+$0xFFFFFD00];
	[tilespmem:s29+$0xF8] =	vst v3  }
0xb7: {  	v3 =	vld [tilespmem:s31+$0xFFFFFD80];
	v4 =	vpack.i.f32.bf16 v7, v4  }
0xb8: {  	v7 =	vld [tilespmem:s31+$0xFFFFFE00];
	[tilespmem:s29+$0x180] =	vst v4  }
0xb9: {  	s29 =	sadd.s32 $0x440, s29;
	v4 =	vld [tilespmem:s31+$0xFFFFFE80];
	v5 =	vpack.i.f32.bf16 v5, v8  }
0xba: {  	v8 =	vld [tilespmem:s31+$0xFFFFFF00];
	[tilespmem:s29+$0x198] =	vst v5  }
0xbb: {  	s30 =	sadd.s32 $0x8, s30;
	v5 =	vld [tilespmem:s31+$0x310]  }
0xbc: {  	p1 =	slt.u32 s30, $0x18;
	v3 =	vpack.i.f32.bf16 v3, v6;
	v6 =	vld [tilespmem:s31+$0x390]  }
0xbd: {  	[tilespmem:s29+$0xFFFFFE68] =	vst v3;
	v3 =	vld [tilespmem:s31+$0xFFFFFF80]  }
0xbe: {  	v4 =	vpack.i.f32.bf16 v4, v7;
	v7 =	vld [tilespmem:s31+$0x0]  }
0xbf: {  	[tilespmem:s29+$0xFFFFFEF0] =	vst v4;
	v4 =	vld [tilespmem:s31+$0x80]  }
0xc0: {  	v9 =	vld [tilespmem:s31+$0x100]  }
0xc1: {  	v10 =	vld [tilespmem:s31+$0x180];
	v5 =	vpack.i.f32.bf16 v6, v5  }
0xc2: {  	v3 =	vpack.i.f32.bf16 v3, v8;
	v6 =	vld [tilespmem:s31+$0x200];
	[tilespmem:s29+$0x1A8] =	vst v5  }
0xc3: {  	[tilespmem:s29+$0xFFFFFF78] =	vst v3;
	v3 =	vld [tilespmem:s31+$0x320]  }
0xc4: {  	v4 =	vpack.i.f32.bf16 v4, v7;
	v5 =	vld [tilespmem:s31+$0x3A0]  }
0xc5: {  	[tilespmem:s29+$0x0] =	vst v4;
	v4 =	vld [tilespmem:s31+$0x280]  }
0xc6: {  	v7 =	vld [tilespmem:s31+$0xFFFFFC00];
	v8 =	vpack.i.f32.bf16 v10, v9  }
0xc7: {  	v9 =	vld [tilespmem:s31+$0xFFFFFD10];
	[tilespmem:s29+$0x88] =	vst v8  }
0xc8: {  	v8 =	vld [tilespmem:s31+$0xFFFFFD90]  }
0xc9: {  	v10 =	vld [tilespmem:s31+$0xFFFFFE10];
	v3 =	vpack.i.f32.bf16 v5, v3  }
0xca: {  	v5 =	vld [tilespmem:s31+$0xFFFFFE90];
	v4 =	vpack.i.f32.bf16 v4, v6;
	[tilespmem:s29+$0x1B8] =	vst v3  }
0xcb: {  	v2 =	vpack.i.f32.bf16 v2, v7;
	[tilespmem:s29+$0x110] =	vst v4;
	v3 =	vld [tilespmem:s31+$0x330]  }
0xcc: {  	[tilespmem:s29+$0xFFFFFDE0] =	vst v2;
	v2 =	vld [tilespmem:s31+$0x3B0]  }
0xcd: {  	v4 =	vld [tilespmem:s31+$0xFFFFFC10];
	v6 =	vpack.i.f32.bf16 v8, v9  }
0xce: {  	v7 =	vld [tilespmem:s31+$0xFFFFFC90];
	[tilespmem:s29+$0xFFFFFE78] =	vst v6  }
0xcf: {  	v5 =	vpack.i.f32.bf16 v5, v10;
	v6 =	vld [tilespmem:s31+$0xFFFFFF10]  }
0xd0: {  	[tilespmem:s29+$0xFFFFFF00] =	vst v5;
	v5 =	vld [tilespmem:s31+$0xFFFFFF90]  }
0xd1: {  	v8 =	vld [tilespmem:s31+$0x10];
	v2 =	vpack.i.f32.bf16 v2, v3  }
0xd2: {  	v3 =	vld [tilespmem:s31+$0x90];
	[tilespmem:s29+$0x1C8] =	vst v2  }
0xd3: {  	v2 =	vpack.i.f32.bf16 v7, v4;
	v4 =	vld [tilespmem:s31+$0x340]  }
0xd4: {  	[tilespmem:s29+$0xFFFFFDF0] =	vst v2;
	v2 =	vld [tilespmem:s31+$0x3C0]  }
0xd5: {  	v5 =	vpack.i.f32.bf16 v5, v6;
	v6 =	vld [tilespmem:s31+$0x110]  }
0xd6: {  	[tilespmem:s29+$0xFFFFFF88] =	vst v5;
	v5 =	vld [tilespmem:s31+$0x190]  }
0xd7: {  	v3 =	vpack.i.f32.bf16 v3, v8;
	v7 =	vld [tilespmem:s31+$0x210]  }
0xd8: {  	[tilespmem:s29+$0x10] =	vst v3;
	v3 =	vld [tilespmem:s31+$0x290]  }
0xd9: {  	v8 =	vld [tilespmem:s31+$0xFFFFFC20];
	v2 =	vpack.i.f32.bf16 v2, v4  }
0xda: {  	v4 =	vld [tilespmem:s31+$0xFFFFFCA0];
	[tilespmem:s29+$0x1D8] =	vst v2  }
0xdb: {  	v2 =	vpack.i.f32.bf16 v5, v6;
	v5 =	vld [tilespmem:s31+$0x350]  }
0xdc: {  	[tilespmem:s29+$0x98] =	vst v2;
	v2 =	vld [tilespmem:s31+$0x3D0]  }
0xdd: {  	v6 =	vld [tilespmem:s31+$0xFFFFFD20];
	v3 =	vpack.i.f32.bf16 v3, v7  }
0xde: {  	v7 =	vld [tilespmem:s31+$0xFFFFFDA0];
	[tilespmem:s29+$0x120] =	vst v3  }
0xdf: {  	v3 =	vpack.i.f32.bf16 v4, v8;
	v4 =	vld [tilespmem:s31+$0xFFFFFE20]  }
0xe0: {  	[tilespmem:s29+$0xFFFFFE00] =	vst v3;
	v3 =	vld [tilespmem:s31+$0xFFFFFEA0]  }
0xe1: {  	v8 =	vld [tilespmem:s31+$0xFFFFFF20];
	v2 =	vpack.i.f32.bf16 v2, v5  }
0xe2: {  	v5 =	vld [tilespmem:s31+$0xFFFFFFA0];
	[tilespmem:s29+$0x1E8] =	vst v2  }
0xe3: {  	v2 =	vpack.i.f32.bf16 v7, v6;
	v6 =	vld [tilespmem:s31+$0x360]  }
0xe4: {  	[tilespmem:s29+$0xFFFFFE88] =	vst v2;
	v2 =	vld [tilespmem:s31+$0x3E0]  }
0xe5: {  	v3 =	vpack.i.f32.bf16 v3, v4;
	v4 =	vld [tilespmem:s31+$0x20]  }
0xe6: {  	[tilespmem:s29+$0xFFFFFF10] =	vst v3;
	v3 =	vld [tilespmem:s31+$0xA0]  }
0xe7: {  	v5 =	vpack.i.f32.bf16 v5, v8;
	v7 =	vld [tilespmem:s31+$0x120]  }
0xe8: {  	[tilespmem:s29+$0xFFFFFF98] =	vst v5;
	v5 =	vld [tilespmem:s31+$0x1A0]  }
0xe9: {  	v8 =	vld [tilespmem:s31+$0x220];
	v2 =	vpack.i.f32.bf16 v2, v6  }
0xea: {  	v6 =	vld [tilespmem:s31+$0x2A0];
	[tilespmem:s29+$0x1F8] =	vst v2  }
0xeb: {  	v2 =	vpack.i.f32.bf16 v3, v4;
	v3 =	vld [tilespmem:s31+$0x370]  }
0xec: {  	[tilespmem:s29+$0x20] =	vst v2;
	v2 =	vld [tilespmem:s31+$0x3F0]  }
0xed: {  	v4 =	vld [tilespmem:s31+$0xFFFFFC30];
	v5 =	vpack.i.f32.bf16 v5, v7  }
0xee: {  	v7 =	vld [tilespmem:s31+$0xFFFFFCB0];
	[tilespmem:s29+$0xA8] =	vst v5  }
0xef: {  	v5 =	vld [tilespmem:s31+$0xFFFFFD30];
	v6 =	vpack.i.f32.bf16 v6, v8  }
0xf0: {  	v8 =	vld [tilespmem:s31+$0xFFFFFDB0];
	[tilespmem:s29+$0x130] =	vst v6  }
0xf1: {  	v6 =	vld [tilespmem:s31+$0xFFFFFE30];
	v2 =	vpack.i.f32.bf16 v2, v3  }
0xf2: {  	s2 =	simm.s32 $0x0;
	v3 =	vld [tilespmem:s31+$0xFFFFFEB0];
	[tilespmem:s29+$0x208] =	vst v2  }
0xf3: {  	v2 =	vpack.i.f32.bf16 v7, v4;
	v4 =	vld [tilespmem:s31+$0xFFFFFF30]  }
0xf4: {  	[tilespmem:s29+$0xFFFFFE10] =	vst v2;
	v2 =	vld [tilespmem:s31+$0xFFFFFFB0]  }
0xf5: {  	v5 =	vpack.i.f32.bf16 v8, v5;
	v7 =	vld [tilespmem:s31+$0x30]  }
0xf6: {  	[tilespmem:s29+$0xFFFFFE98] =	vst v5;
	v5 =	vld [tilespmem:s31+$0xB0]  }
0xf7: {  	v3 =	vpack.i.f32.bf16 v3, v6;
	v6 =	vld [tilespmem:s31+$0x130]  }
0xf8: {  	[tilespmem:s29+$0xFFFFFF20] =	vst v3;
	v3 =	vld [tilespmem:s31+$0x1B0]  }
0xf9: {  	v2 =	vpack.i.f32.bf16 v2, v4;
	v4 =	vld [tilespmem:s31+$0x230]  }
0xfa: {  	[tilespmem:s29+$0xFFFFFFA8] =	vst v2;
	v2 =	vld [tilespmem:s31+$0x2B0]  }
0xfb: {  	v8 =	vld [tilespmem:s31+$0xFFFFFC40];
	v5 =	vpack.i.f32.bf16 v5, v7  }
0xfc: {  	v7 =	vld [tilespmem:s31+$0xFFFFFCC0];
	[tilespmem:s29+$0x30] =	vst v5  }
0xfd: {  	v5 =	vld [tilespmem:s31+$0xFFFFFD40];
	v3 =	vpack.i.f32.bf16 v3, v6  }
0xfe: {  	v6 =	vld [tilespmem:s31+$0xFFFFFDC0];
	[tilespmem:s29+$0xB8] =	vst v3  }
0xff: {  	v3 =	vld [tilespmem:s31+$0xFFFFFE40];
	v2 =	vpack.i.f32.bf16 v2, v4  }
0x100: {  	v4 =	vld [tilespmem:s31+$0xFFFFFEC0];
	[tilespmem:s29+$0x140] =	vst v2  }
0x101: {  	v2 =	vpack.i.f32.bf16 v7, v8;
	v7 =	vld [tilespmem:s31+$0xFFFFFF40]  }
0x102: {  	[tilespmem:s29+$0xFFFFFE20] =	vst v2;
	v2 =	vld [tilespmem:s31+$0xFFFFFFC0]  }
0x103: {  	v5 =	vpack.i.f32.bf16 v6, v5;
	v6 =	vld [tilespmem:s31+$0x40]  }
0x104: {  	[tilespmem:s29+$0xFFFFFEA8] =	vst v5;
	v5 =	vld [tilespmem:s31+$0xC0]  }
0x105: {  	v3 =	vpack.i.f32.bf16 v4, v3;
	v4 =	vld [tilespmem:s31+$0x140]  }
0x106: {  	[tilespmem:s29+$0xFFFFFF30] =	vst v3;
	v3 =	vld [tilespmem:s31+$0x1C0]  }
0x107: {  	v2 =	vpack.i.f32.bf16 v2, v7;
	v7 =	vld [tilespmem:s31+$0x240]  }
0x108: {  	[tilespmem:s29+$0xFFFFFFB8] =	vst v2;
	v2 =	vld [tilespmem:s31+$0x2C0]  }
0x109: {  	v8 =	vld [tilespmem:s31+$0xFFFFFC50];
	v5 =	vpack.i.f32.bf16 v5, v6  }
0x10a: {  	v6 =	vld [tilespmem:s31+$0xFFFFFCD0];
	[tilespmem:s29+$0x40] =	vst v5  }
0x10b: {  	v5 =	vld [tilespmem:s31+$0xFFFFFD50];
	v3 =	vpack.i.f32.bf16 v3, v4  }
0x10c: {  	v4 =	vld [tilespmem:s31+$0xFFFFFDD0];
	[tilespmem:s29+$0xC8] =	vst v3  }
0x10d: {  	v3 =	vld [tilespmem:s31+$0xFFFFFE50];
	v2 =	vpack.i.f32.bf16 v2, v7  }
0x10e: {  	v7 =	vld [tilespmem:s31+$0xFFFFFED0];
	[tilespmem:s29+$0x150] =	vst v2  }
0x10f: {  	v2 =	vpack.i.f32.bf16 v6, v8;
	v6 =	vld [tilespmem:s31+$0xFFFFFF50]  }
0x110: {  	[tilespmem:s29+$0xFFFFFE30] =	vst v2;
	v2 =	vld [tilespmem:s31+$0xFFFFFFD0]  }
0x111: {  	v4 =	vpack.i.f32.bf16 v4, v5;
	v5 =	vld [tilespmem:s31+$0x50]  }
0x112: {  	[tilespmem:s29+$0xFFFFFEB8] =	vst v4;
	v4 =	vld [tilespmem:s31+$0xD0]  }
0x113: {  	v3 =	vpack.i.f32.bf16 v7, v3;
	v7 =	vld [tilespmem:s31+$0x150]  }
0x114: {  	[tilespmem:s29+$0xFFFFFF40] =	vst v3;
	v3 =	vld [tilespmem:s31+$0x1D0]  }
0x115: {  	v2 =	vpack.i.f32.bf16 v2, v6;
	v6 =	vld [tilespmem:s31+$0x250]  }
0x116: {  	[tilespmem:s29+$0xFFFFFFC8] =	vst v2;
	v2 =	vld [tilespmem:s31+$0x2D0]  }
0x117: {  	v8 =	vld [tilespmem:s31+$0xFFFFFC60];
	v4 =	vpack.i.f32.bf16 v4, v5  }
0x118: {  	v5 =	vld [tilespmem:s31+$0xFFFFFCE0];
	[tilespmem:s29+$0x50] =	vst v4  }
0x119: {  	v4 =	vld [tilespmem:s31+$0xFFFFFD60];
	v3 =	vpack.i.f32.bf16 v3, v7  }
0x11a: {  	v7 =	vld [tilespmem:s31+$0xFFFFFDE0];
	[tilespmem:s29+$0xD8] =	vst v3  }
0x11b: {  	v3 =	vld [tilespmem:s31+$0xFFFFFE60];
	v2 =	vpack.i.f32.bf16 v2, v6  }
0x11c: {  	v6 =	vld [tilespmem:s31+$0xFFFFFEE0];
	[tilespmem:s29+$0x160] =	vst v2  }
0x11d: {  	v2 =	vpack.i.f32.bf16 v5, v8;
	v5 =	vld [tilespmem:s31+$0xFFFFFF60]  }
0x11e: {  	[tilespmem:s29+$0xFFFFFE40] =	vst v2;
	v2 =	vld [tilespmem:s31+$0xFFFFFFE0]  }
0x11f: {  	v4 =	vpack.i.f32.bf16 v7, v4;
	v7 =	vld [tilespmem:s31+$0x60]  }
0x120: {  	[tilespmem:s29+$0xFFFFFEC8] =	vst v4;
	v4 =	vld [tilespmem:s31+$0xE0]  }
0x121: {  	v3 =	vpack.i.f32.bf16 v6, v3;
	v6 =	vld [tilespmem:s31+$0x160]  }
0x122: {  	[tilespmem:s29+$0xFFFFFF50] =	vst v3;
	v3 =	vld [tilespmem:s31+$0x1E0]  }
0x123: {  	v2 =	vpack.i.f32.bf16 v2, v5;
	v5 =	vld [tilespmem:s31+$0x260]  }
0x124: {  	[tilespmem:s29+$0xFFFFFFD8] =	vst v2;
	v2 =	vld [tilespmem:s31+$0x2E0]  }
0x125: {  	v8 =	vld [tilespmem:s31+$0xFFFFFC70];
	v4 =	vpack.i.f32.bf16 v4, v7  }
0x126: {  	v7 =	vld [tilespmem:s31+$0xFFFFFCF0];
	[tilespmem:s29+$0x60] =	vst v4  }
0x127: {  	v4 =	vld [tilespmem:s31+$0xFFFFFD70];
	v3 =	vpack.i.f32.bf16 v3, v6  }
0x128: {  	v6 =	vld [tilespmem:s31+$0xFFFFFDF0];
	[tilespmem:s29+$0xE8] =	vst v3  }
0x129: {  	v3 =	vld [tilespmem:s31+$0xFFFFFE70];
	v2 =	vpack.i.f32.bf16 v2, v5  }
0x12a: {  	v9 =	vld [tilespmem:s31+$0xFFFFFEF0];
	[tilespmem:s29+$0x170] =	vst v2  }
0x12b: {  	v2 =	vpack.i.f32.bf16 v7, v8;
	v7 =	vld [tilespmem:s31+$0xFFFFFF70]  }
0x12c: {  	[tilespmem:s29+$0xFFFFFE50] =	vst v2;
	v8 =	vld [tilespmem:s31+$0xFFFFFFF0]  }
0x12d: {  	v4 =	vpack.i.f32.bf16 v6, v4;
	v2 =	vld [tilespmem:s31+$0x70]  }
.Ltmp5:
0x12e: {  	[tilespmem:s29+$0xFFFFFED8] =	vst v4;
	v5 =	vld [tilespmem:s31+$0xF0];
	(pc) =	sbr.rel @p1 .LBB2_4-.Ltmp5, $4  }
0x12f: {  	v4 =	vpack.i.f32.bf16 v9, v3;
	v3 =	vld [tilespmem:s31+$0x170]  }
0x130: {  	[tilespmem:s29+$0xFFFFFF60] =	vst v4;
	v6 =	vld [tilespmem:s31+$0x1F0]  }
0x131: {  	v7 =	vpack.i.f32.bf16 v8, v7;
	v4 =	vld [tilespmem:s31+$0x270]  }
0x132: {  	[tilespmem:s29+$0xFFFFFFE8] =	vst v7;
	v7 =	vld [tilespmem:s31+$0x2F0];
	s31 =	sadd.s32 $0x800, s31  }
0x133: {  	_ = 	snop  }
0x134: {  	v8 =	vadd.s32 s2, v0;
	s0 =	simm.s32 $0x1  }
0x135: {  	v2 =	vpack.i.f32.bf16 v5, v2;
	s11 =	simm.s32 $0xF;
	v5 =	vadd.s32 s0, v0  }
0x136: {  	s12 =	simm.s32 $0x8;
	[tilespmem:s29+$0x70] =	vst v2;
	v9 =	vadd.s32 s11, v0;
	v2 =	vpack.i.f32.bf16 v6, v3  }
0x137: {  	s13 =	simm.s32 $0x9;
	v10 =	vadd.s32 s12, v0;
	[tilespmem:s29+$0xF8] =	vst v2;
	v2 =	vpack.i.f32.bf16 v7, v4  }
0x138: {  	s14 =	simm.s32 $0xA;
	v12 =	vadd.s32 s13, v0;
	[tilespmem:s29+$0x180] =	vst v2  }
0x139: {  	s15 =	simm.s32 $0xB;
	v13 =	vadd.s32 s14, v0;
	v11 =	vld.idx.msk [tilespmem:v8+s16+$0x0], $0xffff  }
0x13a: {  	s17 =	simm.s32 $0xC;
	v14 =	vadd.s32 s15, v0;
	v5 =	vld.idx.msk [tilespmem:v5+s16+$0x0], $0xffff  }
0x13b: {  	s18 =	simm.s32 $0xD;
	v15 =	vadd.s32 s17, v0;
	v9 =	vld.idx.msk [tilespmem:v9+s16+$0x0], $0xffff  }
0x13c: {  	s1 =	simm.s32 $0x2;
	v16 =	vadd.s32 s18, v0;
	v10 =	vld.idx.msk [tilespmem:v10+s16+$0x0], $0xffff  }
0x13d: {  	s5 =	simm.s32 $0x5;
	v3 =	vadd.s32 s1, v0;
	v12 =	vld.idx.msk [tilespmem:v12+s16+$0x0], $0xffff  }
0x13e: {  	s3 =	simm.s32 $0x3;
	v6 =	vadd.s32 s5, v0;
	v13 =	vld.idx.msk [tilespmem:v13+s16+$0x0], $0xffff  }
0x13f: {  	s8 =	simm.s32 $0x6;
	v4 =	vadd.s32 s3, v0;
	v14 =	vld.idx.msk [tilespmem:v14+s16+$0x0], $0xffff  }
0x140: {  	s4 =	simm.s32 $0x4;
	v7 =	vadd.s32 s8, v0;
	v15 =	vld.idx.msk [tilespmem:v15+s16+$0x0], $0xffff  }
0x141: {  	s10 =	simm.s32 $0x7;
	v2 =	vadd.s32 s4, v0;
	v16 =	vld.idx.msk [tilespmem:v16+s16+$0x0], $0xffff  }
0x142: {  	v8 =	vadd.s32 s10, v0;
	v3 =	vld.idx.msk [tilespmem:v3+s16+$0x0], $0xffff  }
0x143: {  	v17 =	vadd.s32 s11, v1;
	v6 =	vld.idx.msk [tilespmem:v6+s16+$0x0], $0xffff;
	[tilespmem:s28+$0xE0] =	vst v9  }
0x144: {  	v18 =	vadd.s32 s0, v1;
	v4 =	vld.idx.msk [tilespmem:v4+s16+$0x0], $0xffff;
	[tilespmem:s28+$0xFFFFFF20] =	vst v5  }
0x145: {  	v23 =	vadd.s32 s2, v1;
	v7 =	vld.idx.msk [tilespmem:v7+s16+$0x0], $0xffff;
	[tilespmem:s28+$0x20] =	vst v12  }
0x146: {  	v19 =	vadd.s32 s1, v1;
	v2 =	vld.idx.msk [tilespmem:v2+s16+$0x0], $0xffff;
	[tilespmem:s28+$0x60] =	vst v14  }
0x147: {  	v20 =	vadd.s32 s3, v1;
	v8 =	vld.idx.msk [tilespmem:v8+s16+$0x0], $0xffff;
	[tilespmem:s28+$0x80] =	vst v15  }
0x148: {  	v21 =	vadd.s32 s4, v1;
	[tilespmem:s28+$0xA0] =	vst v16;
	v9 =	vld.idx.msk [tilespmem:v17+s16+$0x0], $0xffff  }
0x149: {  	v5 =	vadd.s32 s5, v1;
	[tilespmem:s28+$0xFFFFFF00] =	vst v11;
	v17 =	vld.idx.msk [tilespmem:v18+s16+$0x0], $0xffff  }
0x14a: {  	s31 =	simm.s32 $0x11;
	v12 =	vadd.s32 s18, v1;
	[tilespmem:s28+$0xFFFFFF40] =	vst v3;
	v14 =	vld.idx.msk [tilespmem:v23+s16+$0x0], $0xffff  }
0x14b: {  	v15 =	vadd.s32 s31, v0;
	v19 =	vld.idx.msk [tilespmem:v19+s16+$0x0], $0xffff;
	[tilespmem:s28+$0xFFFFFF60] =	vst v4  }
0x14c: {  	s0 =	simm.s32 $0x12;
	v18 =	vadd.s32 s8, v1;
	v20 =	vld.idx.msk [tilespmem:v20+s16+$0x0], $0xffff;
	[tilespmem:s28+$0xFFFFFF80] =	vst v2  }
0x14d: {  	s5 =	simm.s32 $0xE;
	v16 =	vadd.s32 s0, v0;
	[tilespmem:s28+$0xFFFFFFA0] =	vst v6;
	v21 =	vld.idx.msk [tilespmem:v21+s16+$0x0], $0xffff  }
0x14e: {  	v22 =	vadd.s32 s5, v0;
	v3 =	vld.idx.msk [tilespmem:v5+s16+$0x0], $0xffff  }
0x14f: {  	v6 =	vadd.s32 s12, v1;
	v12 =	vld.idx.msk [tilespmem:v12+s16+$0x0], $0xffff  }
0x150: {  	[tilespmem:s28+$0xFFFFFFC0] =	vst v7;
	v2 =	vadd.s32 s10, v1;
	v15 =	vld.idx.msk [tilespmem:v15+s16+$0x0], $0xffff  }
0x151: {  	s6 =	sor.u32 $0x70, s26;
	[tilespmem:s28+$0x0] =	vst v10;
	v4 =	vld.idx.msk [tilespmem:v18+s16+$0x0], $0xffff;
	v18 =	vadd.s32 s14, v1  }
0x152: {  	s9 =	simm.s32 $0x40;
	s20 =	simm.s32 $0x1A0;
	s21 =	simm.s32 $0x1C0;
	[tilespmem:s28+$0x40] =	vst v13;
	v7 =	vadd.s32 s13, v1;
	v16 =	vld.idx.msk [tilespmem:v16+s16+$0x0], $0xffff  }
0x153: {  	s2 =	simm.s32 $0x14;
	s30 =	simm.s32 $0x20;
	s11 =	simm.s32 $0xA0;
	[tilespmem:s6+$0x5100] =	vst v9;
	v9 =	vadd.s32 s15, v1;
	v22 =	vld.idx.msk [tilespmem:v22+s16+$0x0], $0xffff  }
0x154: {  	s19 =	sor.u32 $0x50, s9;
	s20 =	sor.u32 $0x30, s20;
	s3 =	simm.s32 $0x13;
	v13 =	vadd.s32 s5, v1;
	[tilespmem:s28+$0xFFFFFFE0] =	vst v8;
	v6 =	vld.idx.msk [tilespmem:v6+s16+$0x0], $0xffff  }
0x155: {  	s29 =	simm.s32 $0x10;
	s8 =	simm.s32 $0x20;
	s12 =	simm.s32 $0xC0;
	v5 =	vld.idx.msk [tilespmem:v2+s16+$0x0], $0xffff;
	v2 =	vadd.s32 s17, v1  }
0x156: {  	s18 =	simm.s32 $0x160;
	s22 =	sor.u32 $0x30, s8;
	s5 =	sor.u32 $0x50, s12;
	v8 =	vld.idx.msk [tilespmem:v18+s16+$0x0], $0xffff;
	v18 =	vadd.s32 s29, v0  }
0x157: {  	s12 =	sor.u32 $0x70, s18;
	s13 =	simm.s32 $0xE0;
	s14 =	simm.s32 $0x120;
	[tilespmem:s22+$0x5100] =	vst v17;
	v17 =	vadd.s32 s3, v0;
	v7 =	vld.idx.msk [tilespmem:v7+s16+$0x0], $0xffff  }
0x158: {  	v11 =	vadd.s32 s2, v0;
	s10 =	simm.s32 $0x60;
	s17 =	sor.u32 $0x30, s14;
	s14 =	simm.s32 $0x15;
	v9 =	vld.idx.msk [tilespmem:v9+s16+$0x0], $0xffff;
	[tilespmem:s28+$0xC0] =	vst v22  }
0x159: {  	s8 =	simm.s32 $0x16;
	s1 =	sor.u32 $0x70, s13;
	s4 =	sor.u32 $0x70, s10;
	[tilespmem:s19+$0x5100] =	vst v19;
	v19 =	vadd.s32 s14, v0;
	v13 =	vld.idx.msk [tilespmem:v13+s16+$0x0], $0xffff  }
0x15a: {  	s13 =	simm.s32 $0x17;
	s10 =	sor.u32 $0x30, s11;
	s15 =	simm.s32 $0x140;
	[tilespmem:s4+$0x5100] =	vst v20;
	v20 =	vadd.s32 s8, v0;
	v10 =	vld.idx.msk [tilespmem:v2+s16+$0x0], $0xffff  }
0x15b: {  	s22 =	sor.u32 $0x50, s21;
	s11 =	sor.u32 $0x50, s15;
	s19 =	simm.s32 $0x1F;
	[tilespmem:s28+$0xFFFFFF90] =	vst v21;
	v2 =	vld.idx.msk [tilespmem:v18+s16+$0x0], $0xffff;
	v18 =	vadd.s32 s13, v0  }
.LBB2_6:
0x15c: {  	p1 =	slt.u32 s30, $0x70;
	v17 =	vld.idx.msk [tilespmem:v17+s16+$0x0], $0xffff;
	s18 =	sadd.s32 $0x8, s29;
	v21 =	vadd.s32 s19, v0;
	[tilespmem:s10+$0x5100] =	vst v3  }
0x15d: {  	s15 =	sadd.s32 $0x9, s29;
	v3 =	vld.idx.msk [tilespmem:v11+s16+$0x0], $0xffff;
	v11 =	vadd.s32 s18, v0;
	[tilespmem:s5+$0x5100] =	vst v4  }
0x15e: {  	s4 =	sadd.s32 $0xA, s29;
	v4 =	vld.idx.msk [tilespmem:v19+s16+$0x0], $0xffff;
	v19 =	vadd.s32 s15, v0;
	[tilespmem:s1+$0x5100] =	vst v5  }
0x15f: {  	s10 =	sadd.s32 $0xB, s29;
	v5 =	vld.idx.msk [tilespmem:v20+s16+$0x0], $0xffff;
	v20 =	vadd.s32 s4, v0;
	[tilespmem:s28+$0x10] =	vst v6  }
0x160: {  	s5 =	sadd.s32 $0xC, s29;
	v6 =	vld.idx.msk [tilespmem:v18+s16+$0x0], $0xffff;
	v18 =	vadd.s32 s10, v0;
	[tilespmem:s17+$0x5100] =	vst v7  }
0x161: {  	s1 =	sadd.s32 $0xD, s29;
	v7 =	vadd.s32 s5, v0;
	v21 =	vld.idx.msk [tilespmem:v21+s16+$0x0], $0xffff;
	[tilespmem:s11+$0x5100] =	vst v8  }
0x162: {  	v8 =	vld.idx.msk [tilespmem:v11+s16+$0x0], $0xffff;
	v11 =	vadd.s32 s1, v0;
	[tilespmem:s12+$0x5100] =	vst v9  }
0x163: {  	v9 =	vld.idx.msk [tilespmem:v19+s16+$0x0], $0xffff;
	v19 =	vadd.s32 s19, v1;
	[tilespmem:s28+$0x90] =	vst v10  }
0x164: {  	v10 =	vadd.s32 s31, v1;
	v20 =	vld.idx.msk [tilespmem:v20+s16+$0x0], $0xffff;
	[tilespmem:s20+$0x5100] =	vst v12  }
0x165: {  	v12 =	vadd.s32 s0, v1;
	v18 =	vld.idx.msk [tilespmem:v18+s16+$0x0], $0xffff;
	[tilespmem:s22+$0x5100] =	vst v13  }
0x166: {  	v13 =	vadd.s32 s3, v1;
	v22 =	vld.idx.msk [tilespmem:v7+s16+$0x0], $0xffff;
	[tilespmem:s28+$0xFFFFFF10] =	vst v14;
	s28 =	sadd.s32 $0x200, s28  }
0x167: {  	v7 =	vadd.s32 s2, v1;
	v11 =	vld.idx.msk [tilespmem:v11+s16+$0x0], $0xffff;
	[tilespmem:s28+$0xE0] =	vst v21  }
0x168: {  	v14 =	vadd.s32 s14, v1;
	[tilespmem:s28+$0xFFFFFF20] =	vst v15;
	v15 =	vld.idx.msk [tilespmem:v19+s16+$0x0], $0xffff  }
0x169: {  	s0 =	sadd.s32 $0xE, s29;
	v19 =	vld.idx.msk [tilespmem:v10+s16+$0x0], $0xffff;
	[tilespmem:s28+$0xFFFFFF40] =	vst v16;
	v10 =	vadd.s32 s8, v1  }
0x16a: {  	v16 =	vld.idx.msk [tilespmem:v12+s16+$0x0], $0xffff;
	[tilespmem:s28+$0xFFFFFF60] =	vst v17;
	v12 =	vadd.s32 s0, v0  }
0x16b: {  	v21 =	vld.idx.msk [tilespmem:v13+s16+$0x0], $0xffff;
	[tilespmem:s28+$0xFFFFFF80] =	vst v3;
	v13 =	vadd.s32 s13, v1  }
0x16c: {  	s26 =	sadd.s32 $0x200, s26;
	v23 =	vld.idx.msk [tilespmem:v7+s16+$0x0], $0xffff;
	[tilespmem:s28+$0xFFFFFFA0] =	vst v4;
	v7 =	vadd.s32 s18, v1  }
0x16d: {  	s3 =	sadd.s32 $0xFFFFFE60, s26;
	s2 =	sadd.s32 $0xFFFFFE40, s26;
	s8 =	sor.u32 $0x70, s26;
	v3 =	vld.idx.msk [tilespmem:v14+s16+$0x0], $0xffff;
	[tilespmem:s28+$0xFFFFFFC0] =	vst v5;
	v14 =	vadd.s32 s15, v1  }
0x16e: {  	s11 =	sadd.s32 $0xFFFFFE80, s26;
	s12 =	sadd.s32 $0xFFFFFEC0, s26;
	s13 =	sadd.s32 $0xFFFFFEE0, s26;
	v4 =	vld.idx.msk [tilespmem:v10+s16+$0x0], $0xffff;
	v10 =	vadd.s32 s4, v1;
	[tilespmem:s8+$0x5100] =	vst v15  }
0x16f: {  	s14 =	sadd.s32 $0xFFFFFF60, s26;
	s4 =	sadd.s32 $0xFFFFFF00, s26;
	s8 =	sadd.s32 $0xFFFFFF40, s26;
	v15 =	vadd.s32 s10, v1;
	[tilespmem:s28+$0xFFFFFFE0] =	vst v6;
	v17 =	vld.idx.msk [tilespmem:v12+s16+$0x0], $0xffff  }
0x170: {  	s19 =	sadd.s32 $0xFFFFFFE0, s26;
	s18 =	sadd.s32 $0xFFFFFFC0, s26;
	s15 =	sadd.s32 $0xFFFFFF80, s26;
	v12 =	vadd.s32 s5, v1;
	v5 =	vld.idx.msk [tilespmem:v13+s16+$0x0], $0xffff;
	[tilespmem:s28+$0x0] =	vst v8  }
0x171: {  	s6 =	sor.u32 $0x70, s11;
	s9 =	sor.u32 $0x50, s3;
	s21 =	sor.u32 $0x30, s2;
	v13 =	vadd.s32 s1, v1;
	v6 =	vld.idx.msk [tilespmem:v7+s16+$0x0], $0xffff;
	[tilespmem:s28+$0x20] =	vst v9  }
0x172: {  	s10 =	sor.u32 $0x30, s12;
	s5 =	sor.u32 $0x50, s13;
	s1 =	sor.u32 $0x70, s4;
	v7 =	vld.idx.msk [tilespmem:v14+s16+$0x0], $0xffff;
	[tilespmem:s28+$0x40] =	vst v20;
	v14 =	vadd.s32 s0, v1  }
0x173: {  	s11 =	sor.u32 $0x50, s14;
	s12 =	sor.u32 $0x70, s15;
	s17 =	sor.u32 $0x30, s8;
	v20 =	vadd.s32 s29, v1;
	v8 =	vld.idx.msk [tilespmem:v10+s16+$0x0], $0xffff;
	[tilespmem:s28+$0x60] =	vst v18  }
0x174: {  	s31 =	sadd.s32 $0x1, s30;
	s22 =	sor.u32 $0x50, s19;
	s20 =	sor.u32 $0x30, s18;
	v18 =	vadd.s32 s30, v0;
	v9 =	vld.idx.msk [tilespmem:v15+s16+$0x0], $0xffff;
	[tilespmem:s28+$0x80] =	vst v22  }
0x175: {  	s0 =	sadd.s32 $0x2, s30;
	s29 =	smov.u32 s30;
	v15 =	vadd.s32 s31, v0;
	v10 =	vld.idx.msk [tilespmem:v12+s16+$0x0], $0xffff;
	[tilespmem:s28+$0xA0] =	vst v11  }
0x176: {  	s3 =	sadd.s32 $0x3, s30;
	v22 =	vadd.s32 s0, v0;
	v12 =	vld.idx.msk [tilespmem:v13+s16+$0x0], $0xffff;
	[tilespmem:s28+$0xC0] =	vst v17  }
.Ltmp6:
0x177: {  	s2 =	sadd.s32 $0x4, s30;
	v17 =	vadd.s32 s3, v0;
	[tilespmem:s28+$0xFFFFFF00] =	vst v2;
	v13 =	vld.idx.msk [tilespmem:v14+s16+$0x0], $0xffff;
	(pc) =	sbr.rel @p1 .LBB2_6-.Ltmp6, $4  }
0x178: {  	s14 =	sadd.s32 $0x5, s30;
	v11 =	vadd.s32 s2, v0;
	v14 =	vld.idx.msk [tilespmem:v20+s16+$0x0], $0xffff;
	[tilespmem:s21+$0x5100] =	vst v19  }
0x179: {  	s8 =	sadd.s32 $0x6, s30;
	v19 =	vadd.s32 s14, v0;
	v2 =	vld.idx.msk [tilespmem:v18+s16+$0x0], $0xffff;
	[tilespmem:s9+$0x5100] =	vst v16  }
0x17a: {  	s13 =	sadd.s32 $0x7, s30;
	v20 =	vadd.s32 s8, v0;
	v15 =	vld.idx.msk [tilespmem:v15+s16+$0x0], $0xffff;
	[tilespmem:s6+$0x5100] =	vst v21  }
0x17b: {  	s19 =	sadd.s32 $0xF, s29;
	s30 =	sadd.s32 $0x10, s30;
	v18 =	vadd.s32 s13, v0;
	v16 =	vld.idx.msk [tilespmem:v22+s16+$0x0], $0xffff;
	[tilespmem:s28+$0xFFFFFF90] =	vst v23  }
0x17c: {  	[tilespmem:s10+$0x5100] =	vst v3  }
0x17d: {  	[tilespmem:s5+$0x5100] =	vst v4  }
0x17e: {  	[tilespmem:s1+$0x5100] =	vst v5  }
0x17f: {  	[tilespmem:s17+$0x5100] =	vst v7  }
0x180: {  	[tilespmem:s11+$0x5100] =	vst v8  }
0x181: {  	v3 =	vadd.s32 s19, v0;
	[tilespmem:s12+$0x5100] =	vst v9  }
0x182: {  	[tilespmem:s20+$0x5100] =	vst v12  }
0x183: {  	[tilespmem:s28+$0x10] =	vst v6  }
0x184: {  	[tilespmem:s28+$0x90] =	vst v10  }
0x185: {  	v33 =	vld.idx.msk [tilespmem:v17+s16+$0x0], $0xffff;
	[tilespmem:s22+$0x5100] =	vst v13  }
0x186: {  	v32 =	vadd.s32 s31, v1;
	v35 =	vadd.s32 s0, v1;
	s0 =	sadd.s32 $0x200, s28;
	[tilespmem:s28+$0xFFFFFF10] =	vst v14;
	v3 =	vld.idx.msk [tilespmem:v3+s16+$0x0], $0xffff  }
0x187: {  	s4 =	sadd.s32 $0x9, s29;
	v34 =	vld.idx.msk [tilespmem:v19+s16+$0x0], $0xffff;
	[tilespmem:s0+$0xFFFFFF00] =	vst v2  }
0x188: {  	v37 =	vld.idx.msk [tilespmem:v20+s16+$0x0], $0xffff;
	v36 =	vadd.s32 s4, v0;
	[tilespmem:s0+$0xFFFFFF20] =	vst v15  }
0x189: {  	v31 =	vadd.s32 s19, v1;
	v38 =	vld.idx.msk [tilespmem:v18+s16+$0x0], $0xffff;
	[tilespmem:s0+$0xFFFFFF40] =	vst v16  }
0x18a: {  	v39 =	vadd.s32 s14, v1;
	v11 =	vld.idx.msk [tilespmem:v11+s16+$0x0], $0xffff;
	[tilespmem:s0+$0xFFFFFF60] =	vst v33  }
0x18b: {  	s30 =	sadd.s32 $0xA, s29;
	v5 =	vld.idx.msk [tilespmem:v32+s16+$0x0], $0xffff;
	[tilespmem:s0+$0xE0] =	vst v3;
	v3 =	vadd.s32 s3, v1  }
0x18c: {  	s14 =	sadd.s32 $0xD, s29;
	v43 =	vadd.s32 s30, v0;
	v41 =	vld.idx.msk [tilespmem:v35+s16+$0x0], $0xffff;
	[tilespmem:s0+$0xFFFFFFA0] =	vst v34  }
0x18d: {  	s31 =	sadd.s32 $0x200, s26;
	s17 =	sadd.s32 $0xE, s29;
	v48 =	vadd.s32 s14, v0;
	[tilespmem:s0+$0xFFFFFFC0] =	vst v37;
	v9 =	vld.idx.msk [tilespmem:v36+s16+$0x0], $0xffff  }
0x18e: {  	s10 =	sadd.s32 $0xFFFFFE40, s31;
	v50 =	vadd.s32 s17, v0;
	[tilespmem:s0+$0xFFFFFFE0] =	vst v38;
	v4 =	vld.idx.msk [tilespmem:v31+s16+$0x0], $0xffff  }
0x18f: {  	v42 =	vadd.s32 s13, v1;
	s11 =	sadd.s32 $0xFFFFFE60, s31;
	s12 =	sor.u32 $0x30, s10;
	[tilespmem:s0+$0xFFFFFF80] =	vst v11;
	v13 =	vld.idx.msk [tilespmem:v39+s16+$0x0], $0xffff  }
0x190: {  	s20 =	sadd.s32 $0xC, s29;
	v44 =	vadd.s32 s4, v1;
	s4 =	sor.u32 $0x50, s11;
	[tilespmem:s12+$0x5100] =	vst v5;
	v3 =	vld.idx.msk [tilespmem:v3+s16+$0x0], $0xffff  }
0x191: {  	s13 =	sadd.s32 $0x8, s29;
	v52 =	vadd.s32 s20, v0;
	v7 =	vld.idx.msk [tilespmem:v43+s16+$0x0], $0xffff;
	[tilespmem:s4+$0x5100] =	vst v41  }
0x192: {  	s6 =	sadd.s32 $0xB, s29;
	s9 =	sor.u32 $0x70, s31;
	v47 =	vadd.s32 s13, v0;
	s15 =	sadd.s32 $0xFFFFFEC0, s31;
	v6 =	vld.idx.msk [tilespmem:v48+s16+$0x0], $0xffff;
	[tilespmem:s0+$0x20] =	vst v9  }
0x193: {  	v45 =	vadd.s32 s6, v0;
	v55 =	vld.idx.msk [tilespmem:v50+s16+$0x0], $0xffff;
	s4 =	sor.u32 $0x30, s15;
	[tilespmem:s9+$0x5100] =	vst v4;
	s9 =	sadd.s32 $0xFFFFFE80, s31  }
0x194: {  	v54 =	vadd.s32 s2, v1;
	v8 =	vld.idx.msk [tilespmem:v42+s16+$0x0], $0xffff;
	[tilespmem:s4+$0x5100] =	vst v13;
	s9 =	sor.u32 $0x70, s9  }
0x195: {  	v49 =	vadd.s32 s30, v1;
	[tilespmem:s9+$0x5100] =	vst v3;
	v3 =	vld.idx.msk [tilespmem:v44+s16+$0x0], $0xffff  }
0x196: {  	v59 =	vadd.s32 s17, v1;
	v58 =	vld.idx.msk [tilespmem:v52+s16+$0x0], $0xffff;
	[tilespmem:s0+$0x40] =	vst v7  }
0x197: {  	v40 =	vadd.s32 s8, v1;
	s19 =	sadd.s32 $0xFFFFFF00, s31;
	v5 =	vld.idx.msk [tilespmem:v47+s16+$0x0], $0xffff;
	[tilespmem:s0+$0xA0] =	vst v6  }
0x198: {  	s21 =	sadd.s32 $0xFFFFFF40, s31;
	v56 =	vadd.s32 s13, v1;
	s4 =	sor.u32 $0x70, s19;
	[tilespmem:s0+$0xC0] =	vst v55;
	v4 =	vld.idx.msk [tilespmem:v45+s16+$0x0], $0xffff  }
0x199: {  	v51 =	vadd.s32 s6, v1;
	v62 =	vld.idx.msk [tilespmem:v54+s16+$0x0], $0xffff;
	[tilespmem:s4+$0x5100] =	vst v8;
	s4 =	sor.u32 $0x30, s21  }
0x19a: {  	v53 =	vadd.s32 s14, v1;
	[tilespmem:s4+$0x5100] =	vst v3;
	v3 =	vld.idx.msk [tilespmem:v49+s16+$0x0], $0xffff  }
0x19b: {  	v60 =	vadd.s32 s20, v1;
	[tilespmem:s0+$0x80] =	vst v58;
	v63 =	vld.idx.msk [tilespmem:v59+s16+$0x0], $0xffff  }
0x19c: {  	v61 =	vadd.s32 s29, v1;
	v46 =	vld.idx.msk [tilespmem:v40+s16+$0x0], $0xffff;
	[tilespmem:s0+$0x0] =	vst v5  }
0x19d: {  	s22 =	sadd.s32 $0xFFFFFF60, s31;
	[tilespmem:s0+$0x60] =	vst v4;
	v4 =	vld.idx.msk [tilespmem:v56+s16+$0x0], $0xffff  }
0x19e: {  	s1 =	sadd.s32 $0xFFFFFFE0, s31;
	s2 =	sor.u32 $0x50, s22;
	[tilespmem:s0+$0xFFFFFF90] =	vst v62;
	v57 =	vld.idx.msk [tilespmem:v51+s16+$0x0], $0xffff  }
0x19f: {  	s18 =	sadd.s32 $0xFFFFFEE0, s31;
	s1 =	sor.u32 $0x50, s1;
	[tilespmem:s2+$0x5100] =	vst v3;
	v3 =	vld.idx.msk [tilespmem:v53+s16+$0x0], $0xffff  }
0x1a0: {  	v5 =	vld.idx.msk [tilespmem:v60+s16+$0x0], $0xffff;
	[tilespmem:s1+$0x5100] =	vst v63;
	s9 =	sor.u32 $0x50, s18  }
0x1a1: {  	s26 =	sadd.s32 $0xFFFFFF80, s31;
	v2 =	vld.idx.msk [tilespmem:v61+s16+$0x0], $0xffff;
	[tilespmem:s9+$0x5100] =	vst v46  }
0x1a2: {  	s28 =	sadd.s32 $0xFFFFFFC0, s31;
	[tilespmem:s0+$0x10] =	vst v4;
	s2 =	sor.u32 $0x70, s26  }
0x1a3: {  	[tilespmem:s2+$0x5100] =	vst v57;
	s2 =	sor.u32 $0x30, s28  }
0x1a4: {  	[tilespmem:s2+$0x5100] =	vst v3  }
0x1a5: {  	s1 =	rddreg [dreg:$0xc];
	[tilespmem:s0+$0x90] =	vst v5  }
0x1a6: {  	[tilespmem:s0+$0xFFFFFF10] =	vst v2;
	s1 =	sshll.u32 s1, $0x9  }
0x1a7: {  	s29 =	simm.s32 $0x0;
	s0 =	rddreg [dreg:$0x4];
	s1 =	sand.u32 $0x1FFFFE00, s1  }
0x1a8: {  	s30 =	simm.s32 $0x5100;
	s31 =	simm.s32 $0x4;
	s0 =	sadd.s32 s0, s1  }
0x1a9: {  	[hbm4b:s0+s29] =	stream.linear.scatter [tilespmem:s30], [sflag:$0x4], $0x1000, $0x38;
	[tilespmem:$0x7100] =	vst v63  }
0x1aa: {  	_ =	swait.ge [sflag:s31], $0x1000  }
0x1ab: {  	s22 =	smov.u32 s7;
	[sflag:s31] =	ssyncset.done $0x0  }
0x1ac: {  	s7 =	smov.u32 s24;
	s24 =	rddreg [dreg:$0x5];
	[sflag:s31] =	ssyncadd.s32 $0xFFFFF000  }
.LBB2_8:
0x1ad: {  	s0 =	rddreg [dreg:$0x7]  }
0x1ae: {  	p1 =	sge.u32 s25, s0  }
.Ltmp7:
0x1af: {  	_ = 	snop;
	(pc) =	sbr.rel @p1 .LBB2_14-.Ltmp7, $1  }
0x1b0: {  	_ =	sdelay $0x3  }
0x1b1: {  	s0 =	sadd.s32 $0x2, s25  }
0x1b2: {  	s1 =	simm.s32 $0x2;
	p1 =	sge.u32 s0, s24  }
0x1b3: {  	_ =	swait.ge [sflag:s1], $0x2000;
	s0 =	sadd.s32 @!p1 s7, s0  }
0x1b4: {  	s31 =	simm.s32 $0x2400;
	[sflag:s1] =	ssyncset.done $0x0;
	s0 =	sshll.u32 @!p1 s0, $0x7  }
0x1b5: {  	s2 =	simm.s32 @!p1 $0x7A1400;
	s3 =	simm.s32 @!p1 $0x0;
	s0 =	sand.u32 @!p1 $0x1FFFFF80, s0  }
0x1b6: {  	[sflag:s1] =	ssyncadd.s32 $0xFFFFE000;
	s1 =	simm.s32 @!p1 $0x400;
	s0 =	sadd.s32 @!p1 s22, s0  }
0x1b7: {  	[tilespmem:s3], [sflag:$0x1] =	stream.strided.gather @!p1 [hbm4b:s0+s1], $0x2000, s2, s1, $0x38;
	[tilespmem:$0x7100] =	vst v63  }
0x1b8: {  	v2 =	vld [tilespmem:s31+$0x300]  }
0x1b9: {  	v3 =	vld [tilespmem:s31+$0x380]  }
0x1ba: {  	v4 =	vld [tilespmem:s31+$0xFFFFFC80]  }
0x1bb: {  	v5 =	vld [tilespmem:s31+$0xFFFFFD00]  }
0x1bc: {  	v6 =	vld [tilespmem:s31+$0xFFFFFD80]  }
0x1bd: {  	v7 =	vld [tilespmem:s31+$0xFFFFFE00]  }
0x1be: {  	v8 =	vld [tilespmem:s31+$0xFFFFFE80]  }
0x1bf: {  	v10 =	vld [tilespmem:s31+$0xFFFFFF80]  }
0x1c0: {  	v11 =	vld [tilespmem:s31+$0x0]  }
0x1c1: {  	v12 =	vld [tilespmem:s31+$0x80]  }
0x1c2: {  	v13 =	vld [tilespmem:s31+$0x100]  }
0x1c3: {  	v14 =	vld [tilespmem:s31+$0x180]  }
0x1c4: {  	v18 =	vld [tilespmem:s31+$0x200]  }
0x1c5: {  	s28 =	simm.s32 $0x4220;
	v2 =	vpack.i.f32.bf16 v3, v2;
	v3 =	vld [tilespmem:s31+$0xFFFFFF00]  }
0x1c6: {  	v5 =	vpack.i.f32.bf16 v6, v5;
	v6 =	vld [tilespmem:s31+$0x280];
	[tilespmem:s28+$0x198] =	vst v2  }
0x1c7: {  	[tilespmem:s28+$0xFFFFFE68] =	vst v5;
	v5 =	vld [tilespmem:s31+$0xFFFFFC00]  }
0x1c8: {  	v2 =	vld [tilespmem:s31+$0x310]  }
0x1c9: {  	v9 =	vld [tilespmem:s31+$0x390]  }
0x1ca: {  	v7 =	vpack.i.f32.bf16 v8, v7;
	v8 =	vld [tilespmem:s31+$0xFFFFFD10]  }
0x1cb: {  	v13 =	vpack.i.f32.bf16 v14, v13;
	[tilespmem:s28+$0xFFFFFEF0] =	vst v7;
	v7 =	vld [tilespmem:s31+$0xFFFFFD90]  }
0x1cc: {  	[tilespmem:s28+$0x88] =	vst v13;
	v19 =	vld [tilespmem:s31+$0xFFFFFE10];
	v3 =	vpack.i.f32.bf16 v10, v3  }
0x1cd: {  	v25 =	vld [tilespmem:s31+$0x110];
	v6 =	vpack.i.f32.bf16 v6, v18;
	[tilespmem:s28+$0xFFFFFF78] =	vst v3  }
0x1ce: {  	[tilespmem:s28+$0x110] =	vst v6;
	v6 =	vld [tilespmem:s31+$0x190];
	v2 =	vpack.i.f32.bf16 v9, v2  }
0x1cf: {  	v21 =	vld [tilespmem:s31+$0xFFFFFF10];
	[tilespmem:s28+$0x1A8] =	vst v2  }
0x1d0: {  	v2 =	vld [tilespmem:s31+$0x320]  }
0x1d1: {  	v4 =	vpack.i.f32.bf16 v4, v5;
	v15 =	vld [tilespmem:s31+$0x3A0]  }
0x1d2: {  	[tilespmem:s28+$0xFFFFFDE0] =	vst v4;
	v22 =	vld [tilespmem:s31+$0xFFFFFF90]  }
0x1d3: {  	v20 =	vld [tilespmem:s31+$0xFFFFFC10]  }
0x1d4: {  	v7 =	vpack.i.f32.bf16 v7, v8;
	v3 =	vld [tilespmem:s31+$0xFFFFFC90]  }
0x1d5: {  	v26 =	vld [tilespmem:s31+$0x210];
	[tilespmem:s28+$0xFFFFFE78] =	vst v7;
	v6 =	vpack.i.f32.bf16 v6, v25  }
0x1d6: {  	v29 =	vld [tilespmem:s31+$0xFFFFFD20];
	[tilespmem:s28+$0x98] =	vst v6;
	v2 =	vpack.i.f32.bf16 v15, v2  }
0x1d7: {  	v33 =	vld [tilespmem:s31+$0x120];
	[tilespmem:s28+$0x1B8] =	vst v2  }
0x1d8: {  	v5 =	vld [tilespmem:s31+$0x330]  }
0x1d9: {  	v3 =	vpack.i.f32.bf16 v3, v20;
	v4 =	vld [tilespmem:s31+$0x3B0]  }
0x1da: {  	[tilespmem:s28+$0xFFFFFDF0] =	vst v3;
	v3 =	vld [tilespmem:s31+$0x290]  }
0x1db: {  	v2 =	vld [tilespmem:s31+$0xFFFFFE90]  }
0x1dc: {  	v11 =	vpack.i.f32.bf16 v12, v11;
	v27 =	vld [tilespmem:s31+$0xFFFFFC20]  }
0x1dd: {  	[tilespmem:s28+$0x0] =	vst v11;
	v28 =	vld [tilespmem:s31+$0xFFFFFCA0]  }
0x1de: {  	v4 =	vpack.i.f32.bf16 v4, v5;
	v5 =	vld [tilespmem:s31+$0x10]  }
0x1df: {  	[tilespmem:s28+$0x1C8] =	vst v4;
	v4 =	vld [tilespmem:s31+$0x90]  }
0x1e0: {  	v23 =	vld [tilespmem:s31+$0x340]  }
0x1e1: {  	v3 =	vpack.i.f32.bf16 v3, v26;
	v24 =	vld [tilespmem:s31+$0x3C0]  }
0x1e2: {  	v2 =	vpack.i.f32.bf16 v2, v19;
	[tilespmem:s28+$0x120] =	vst v3;
	v3 =	vld [tilespmem:s31+$0x1A0]  }
0x1e3: {  	[tilespmem:s28+$0xFFFFFF00] =	vst v2;
	v2 =	vld [tilespmem:s31+$0xFFFFFDA0]  }
0x1e4: {  	v30 =	vld [tilespmem:s31+$0xFFFFFE20];
	v4 =	vpack.i.f32.bf16 v4, v5  }
0x1e5: {  	v31 =	vld [tilespmem:s31+$0xFFFFFEA0];
	[tilespmem:s28+$0x10] =	vst v4  }
0x1e6: {  	v13 =	vpack.i.f32.bf16 v24, v23;
	v32 =	vld [tilespmem:s31+$0x20]  }
0x1e7: {  	[tilespmem:s28+$0x1D8] =	vst v13;
	v6 =	vld [tilespmem:s31+$0xA0]  }
0x1e8: {  	v2 =	vpack.i.f32.bf16 v2, v29;
	v8 =	vld [tilespmem:s31+$0x350]  }
0x1e9: {  	[tilespmem:s28+$0xFFFFFE88] =	vst v2;
	v7 =	vld [tilespmem:s31+$0x3D0]  }
0x1ea: {  	v37 =	vld [tilespmem:s31+$0xFFFFFD30];
	v13 =	vpack.i.f32.bf16 v28, v27  }
0x1eb: {  	v38 =	vld [tilespmem:s31+$0xFFFFFDB0];
	[tilespmem:s28+$0xFFFFFE00] =	vst v13  }
0x1ec: {  	v11 =	vpack.i.f32.bf16 v22, v21;
	v36 =	vld [tilespmem:s31+$0xFFFFFC30]  }
0x1ed: {  	[tilespmem:s28+$0xFFFFFF88] =	vst v11;
	v2 =	vld [tilespmem:s31+$0xFFFFFCB0];
	v6 =	vpack.i.f32.bf16 v6, v32  }
0x1ee: {  	v7 =	vpack.i.f32.bf16 v7, v8;
	v8 =	vld [tilespmem:s31+$0xFFFFFF20];
	[tilespmem:s28+$0x20] =	vst v6  }
0x1ef: {  	[tilespmem:s28+$0x1E8] =	vst v7;
	v7 =	vld [tilespmem:s31+$0xFFFFFFA0]  }
0x1f0: {  	v40 =	vld [tilespmem:s31+$0x30]  }
0x1f1: {  	v3 =	vpack.i.f32.bf16 v3, v33;
	v5 =	vld [tilespmem:s31+$0x360]  }
0x1f2: {  	[tilespmem:s28+$0xA8] =	vst v3;
	v2 =	vpack.i.f32.bf16 v2, v36;
	v4 =	vld [tilespmem:s31+$0x3E0]  }
0x1f3: {  	v3 =	vld [tilespmem:s31+$0xB0];
	[tilespmem:s28+$0xFFFFFE10] =	vst v2  }
0x1f4: {  	v11 =	vpack.i.f32.bf16 v31, v30;
	v42 =	vld [tilespmem:s31+$0xFFFFFC40]  }
0x1f5: {  	[tilespmem:s28+$0xFFFFFF10] =	vst v11;
	v43 =	vld [tilespmem:s31+$0xFFFFFCC0]  }
0x1f6: {  	v7 =	vpack.i.f32.bf16 v7, v8;
	v8 =	vld [tilespmem:s31+$0xFFFFFE30]  }
0x1f7: {  	v4 =	vpack.i.f32.bf16 v4, v5;
	v5 =	vld [tilespmem:s31+$0x220]  }
0x1f8: {  	[tilespmem:s28+$0xFFFFFF98] =	vst v7;
	v7 =	vld [tilespmem:s31+$0xFFFFFEB0]  }
0x1f9: {  	[tilespmem:s28+$0x1F8] =	vst v4;
	v4 =	vld [tilespmem:s31+$0x2A0]  }
0x1fa: {  	v39 =	vld [tilespmem:s31+$0xFFFFFF30]  }
0x1fb: {  	v6 =	vld [tilespmem:s31+$0xFFFFFFB0]  }
0x1fc: {  	v11 =	vpack.i.f32.bf16 v38, v37;
	v34 =	vld [tilespmem:s31+$0x370]  }
0x1fd: {  	[tilespmem:s28+$0xFFFFFE98] =	vst v11;
	v35 =	vld [tilespmem:s31+$0x3F0]  }
0x1fe: {  	v7 =	vpack.i.f32.bf16 v7, v8;
	v8 =	vld [tilespmem:s31+$0xFFFFFD40]  }
0x1ff: {  	v4 =	vpack.i.f32.bf16 v4, v5;
	v5 =	vld [tilespmem:s31+$0x130]  }
0x200: {  	[tilespmem:s28+$0xFFFFFF20] =	vst v7;
	v7 =	vld [tilespmem:s31+$0xFFFFFDC0]  }
0x201: {  	[tilespmem:s28+$0x130] =	vst v4;
	v4 =	vld [tilespmem:s31+$0x1B0]  }
0x202: {  	v6 =	vpack.i.f32.bf16 v6, v39;
	v44 =	vld [tilespmem:s31+$0xFFFFFE40]  }
0x203: {  	[tilespmem:s28+$0xFFFFFFA8] =	vst v6;
	v6 =	vld [tilespmem:s31+$0xFFFFFEC0]  }
0x204: {  	v41 =	vld [tilespmem:s31+$0x230]  }
0x205: {  	v3 =	vpack.i.f32.bf16 v3, v40;
	v2 =	vld [tilespmem:s31+$0x2B0]  }
0x206: {  	[tilespmem:s28+$0x30] =	vst v3;
	v11 =	vpack.i.f32.bf16 v43, v42;
	v45 =	vld [tilespmem:s31+$0xFFFFFF40]  }
0x207: {  	[tilespmem:s28+$0xFFFFFE20] =	vst v11;
	v3 =	vld [tilespmem:s31+$0xFFFFFFC0]  }
0x208: {  	v7 =	vpack.i.f32.bf16 v7, v8;
	v8 =	vld [tilespmem:s31+$0xFFFFFC50]  }
0x209: {  	v4 =	vpack.i.f32.bf16 v4, v5;
	v5 =	vld [tilespmem:s31+$0x40]  }
0x20a: {  	[tilespmem:s28+$0xFFFFFEA8] =	vst v7;
	v7 =	vld [tilespmem:s31+$0xFFFFFCD0]  }
0x20b: {  	[tilespmem:s28+$0xB8] =	vst v4;
	v4 =	vld [tilespmem:s31+$0xC0]  }
0x20c: {  	v6 =	vpack.i.f32.bf16 v6, v44;
	v49 =	vld [tilespmem:s31+$0xFFFFFD50]  }
0x20d: {  	[tilespmem:s28+$0xFFFFFF30] =	vst v6;
	v6 =	vld [tilespmem:s31+$0xFFFFFDD0]  }
0x20e: {  	v2 =	vpack.i.f32.bf16 v2, v41;
	v46 =	vld [tilespmem:s31+$0x140]  }
0x20f: {  	[tilespmem:s28+$0x140] =	vst v2;
	v2 =	vld [tilespmem:s31+$0x1C0]  }
0x210: {  	v3 =	vpack.i.f32.bf16 v3, v45;
	v50 =	vld [tilespmem:s31+$0xFFFFFE50]  }
0x211: {  	[tilespmem:s28+$0xFFFFFFB8] =	vst v3;
	v3 =	vld [tilespmem:s31+$0xFFFFFED0]  }
0x212: {  	v47 =	vld [tilespmem:s31+$0x240]  }
0x213: {  	v48 =	vld [tilespmem:s31+$0x2C0];
	v7 =	vpack.i.f32.bf16 v7, v8  }
0x214: {  	v4 =	vpack.i.f32.bf16 v4, v5;
	v5 =	vld [tilespmem:s31+$0xFFFFFF50];
	[tilespmem:s28+$0xFFFFFE30] =	vst v7  }
0x215: {  	[tilespmem:s28+$0x40] =	vst v4;
	v4 =	vld [tilespmem:s31+$0xFFFFFFD0]  }
0x216: {  	v6 =	vpack.i.f32.bf16 v6, v49;
	v54 =	vld [tilespmem:s31+$0xFFFFFC60]  }
0x217: {  	[tilespmem:s28+$0xFFFFFEB8] =	vst v6;
	v6 =	vld [tilespmem:s31+$0xFFFFFCE0]  }
0x218: {  	v2 =	vpack.i.f32.bf16 v2, v46;
	v51 =	vld [tilespmem:s31+$0x50]  }
0x219: {  	[tilespmem:s28+$0xC8] =	vst v2;
	v2 =	vld [tilespmem:s31+$0xD0]  }
0x21a: {  	v3 =	vpack.i.f32.bf16 v3, v50;
	v55 =	vld [tilespmem:s31+$0xFFFFFD60]  }
0x21b: {  	[tilespmem:s28+$0xFFFFFF40] =	vst v3;
	v3 =	vld [tilespmem:s31+$0xFFFFFDE0]  }
0x21c: {  	v11 =	vpack.i.f32.bf16 v48, v47;
	v52 =	vld [tilespmem:s31+$0x150]  }
0x21d: {  	[tilespmem:s28+$0x150] =	vst v11;
	v53 =	vld [tilespmem:s31+$0x1D0]  }
0x21e: {  	v8 =	vld [tilespmem:s31+$0x250]  }
0x21f: {  	v7 =	vld [tilespmem:s31+$0x2D0]  }
0x220: {  	v4 =	vpack.i.f32.bf16 v4, v5;
	v5 =	vld [tilespmem:s31+$0xFFFFFE60]  }
0x221: {  	v6 =	vpack.i.f32.bf16 v6, v54;
	[tilespmem:s28+$0xFFFFFFC8] =	vst v4;
	v4 =	vld [tilespmem:s31+$0xFFFFFEE0]  }
0x222: {  	v2 =	vpack.i.f32.bf16 v2, v51;
	[tilespmem:s28+$0xFFFFFE40] =	vst v6;
	v56 =	vld [tilespmem:s31+$0xFFFFFF60]  }
0x223: {  	[tilespmem:s28+$0x50] =	vst v2;
	v2 =	vld [tilespmem:s31+$0xFFFFFFE0]  }
0x224: {  	v3 =	vpack.i.f32.bf16 v3, v55;
	v60 =	vld [tilespmem:s31+$0xFFFFFC70]  }
0x225: {  	[tilespmem:s28+$0xFFFFFEC8] =	vst v3;
	v3 =	vld [tilespmem:s31+$0xFFFFFCF0]  }
0x226: {  	v57 =	vld [tilespmem:s31+$0x60]  }
0x227: {  	v11 =	vpack.i.f32.bf16 v53, v52;
	v58 =	vld [tilespmem:s31+$0xE0]  }
0x228: {  	[tilespmem:s28+$0xD8] =	vst v11;
	v16 =	vld [tilespmem:s31+$0xFFFFFD70]  }
0x229: {  	v7 =	vpack.i.f32.bf16 v7, v8;
	v8 =	vld [tilespmem:s31+$0x160]  }
0x22a: {  	[tilespmem:s28+$0x160] =	vst v7;
	v7 =	vld [tilespmem:s31+$0x1E0]  }
0x22b: {  	v59 =	vld [tilespmem:s31+$0x260]  }
0x22c: {  	v6 =	vld [tilespmem:s31+$0x2E0];
	v4 =	vpack.i.f32.bf16 v4, v5  }
0x22d: {  	[tilespmem:s28+$0xFFFFFF50] =	vst v4;
	v4 =	vld [tilespmem:s31+$0xFFFFFDF0]  }
0x22e: {  	v2 =	vpack.i.f32.bf16 v2, v56;
	v61 =	vld [tilespmem:s31+$0xFFFFFE70]  }
0x22f: {  	v5 =	vpack.i.f32.bf16 v35, v34;
	[tilespmem:s28+$0xFFFFFFD8] =	vst v2;
	v62 =	vld [tilespmem:s31+$0xFFFFFEF0]  }
0x230: {  	[tilespmem:s28+$0x208] =	vst v5;
	v2 =	vpack.i.f32.bf16 v58, v57;
	v63 =	vld [tilespmem:s31+$0xFFFFFF70]  }
0x231: {  	[tilespmem:s28+$0x60] =	vst v2;
	v2 =	vpack.i.f32.bf16 v7, v8;
	v7 =	vld [tilespmem:s31+$0xFFFFFFF0]  }
0x232: {  	[tilespmem:s28+$0xE8] =	vst v2;
	v5 =	vpack.i.f32.bf16 v6, v59;
	v2 =	vld [tilespmem:s31+$0x70]  }
0x233: {  	v3 =	vpack.i.f32.bf16 v3, v60;
	[tilespmem:s28+$0x170] =	vst v5;
	v5 =	vld [tilespmem:s31+$0xF0]  }
0x234: {  	[tilespmem:s28+$0xFFFFFE50] =	vst v3;
	v3 =	vld [tilespmem:s31+$0x170];
	v4 =	vpack.i.f32.bf16 v4, v16  }
0x235: {  	v6 =	vld [tilespmem:s31+$0x1F0];
	[tilespmem:s28+$0xFFFFFED8] =	vst v4;
	v4 =	vpack.i.f32.bf16 v62, v61  }
0x236: {  	s29 =	simm.s32 $0x0;
	[tilespmem:s28+$0xFFFFFF60] =	vst v4;
	v7 =	vpack.i.f32.bf16 v7, v63;
	v4 =	vld [tilespmem:s31+$0x270]  }
0x237: {  	s25 =	simm.s32 $0x1E0;
	s26 =	simm.s32 $0x6200;
	s30 =	simm.s32 $0x2C00;
	[tilespmem:s28+$0xFFFFFFE8] =	vst v7;
	v7 =	vld [tilespmem:s31+$0x2F0]  }
.LBB2_10:
0x238: {  	v8 =	vld [tilespmem:s30+$0x300];
	v2 =	vpack.i.f32.bf16 v5, v2  }
0x239: {  	v5 =	vld [tilespmem:s30+$0x380];
	[tilespmem:s28+$0x70] =	vst v2  }
0x23a: {  	v2 =	vld [tilespmem:s30+$0xFFFFFC80];
	v3 =	vpack.i.f32.bf16 v6, v3  }
0x23b: {  	v6 =	vld [tilespmem:s30+$0xFFFFFD00];
	[tilespmem:s28+$0xF8] =	vst v3  }
0x23c: {  	v3 =	vld [tilespmem:s30+$0xFFFFFD80];
	v4 =	vpack.i.f32.bf16 v7, v4  }
0x23d: {  	v7 =	vld [tilespmem:s30+$0xFFFFFE00];
	[tilespmem:s28+$0x180] =	vst v4  }
0x23e: {  	s28 =	sadd.s32 $0x440, s28;
	v4 =	vld [tilespmem:s30+$0xFFFFFE80];
	v5 =	vpack.i.f32.bf16 v5, v8  }
0x23f: {  	v8 =	vld [tilespmem:s30+$0xFFFFFF00];
	[tilespmem:s28+$0x198] =	vst v5  }
0x240: {  	s29 =	sadd.s32 $0x8, s29;
	v5 =	vld [tilespmem:s30+$0x310]  }
0x241: {  	p1 =	slt.u32 s29, $0x18;
	v3 =	vpack.i.f32.bf16 v3, v6;
	v6 =	vld [tilespmem:s30+$0x390]  }
0x242: {  	[tilespmem:s28+$0xFFFFFE68] =	vst v3;
	v3 =	vld [tilespmem:s30+$0xFFFFFF80]  }
0x243: {  	v4 =	vpack.i.f32.bf16 v4, v7;
	v7 =	vld [tilespmem:s30+$0x0]  }
0x244: {  	[tilespmem:s28+$0xFFFFFEF0] =	vst v4;
	v4 =	vld [tilespmem:s30+$0x80]  }
0x245: {  	v9 =	vld [tilespmem:s30+$0x100]  }
0x246: {  	v10 =	vld [tilespmem:s30+$0x180];
	v5 =	vpack.i.f32.bf16 v6, v5  }
0x247: {  	v3 =	vpack.i.f32.bf16 v3, v8;
	v6 =	vld [tilespmem:s30+$0x200];
	[tilespmem:s28+$0x1A8] =	vst v5  }
0x248: {  	[tilespmem:s28+$0xFFFFFF78] =	vst v3;
	v3 =	vld [tilespmem:s30+$0x320]  }
0x249: {  	v4 =	vpack.i.f32.bf16 v4, v7;
	v5 =	vld [tilespmem:s30+$0x3A0]  }
0x24a: {  	[tilespmem:s28+$0x0] =	vst v4;
	v4 =	vld [tilespmem:s30+$0x280]  }
0x24b: {  	v7 =	vld [tilespmem:s30+$0xFFFFFC00];
	v8 =	vpack.i.f32.bf16 v10, v9  }
0x24c: {  	v9 =	vld [tilespmem:s30+$0xFFFFFD10];
	[tilespmem:s28+$0x88] =	vst v8  }
0x24d: {  	v8 =	vld [tilespmem:s30+$0xFFFFFD90]  }
0x24e: {  	v10 =	vld [tilespmem:s30+$0xFFFFFE10];
	v3 =	vpack.i.f32.bf16 v5, v3  }
0x24f: {  	v5 =	vld [tilespmem:s30+$0xFFFFFE90];
	v4 =	vpack.i.f32.bf16 v4, v6;
	[tilespmem:s28+$0x1B8] =	vst v3  }
0x250: {  	v2 =	vpack.i.f32.bf16 v2, v7;
	[tilespmem:s28+$0x110] =	vst v4;
	v3 =	vld [tilespmem:s30+$0x330]  }
0x251: {  	[tilespmem:s28+$0xFFFFFDE0] =	vst v2;
	v2 =	vld [tilespmem:s30+$0x3B0]  }
0x252: {  	v4 =	vld [tilespmem:s30+$0xFFFFFC10];
	v6 =	vpack.i.f32.bf16 v8, v9  }
0x253: {  	v7 =	vld [tilespmem:s30+$0xFFFFFC90];
	[tilespmem:s28+$0xFFFFFE78] =	vst v6  }
0x254: {  	v5 =	vpack.i.f32.bf16 v5, v10;
	v6 =	vld [tilespmem:s30+$0xFFFFFF10]  }
0x255: {  	[tilespmem:s28+$0xFFFFFF00] =	vst v5;
	v5 =	vld [tilespmem:s30+$0xFFFFFF90]  }
0x256: {  	v8 =	vld [tilespmem:s30+$0x10];
	v2 =	vpack.i.f32.bf16 v2, v3  }
0x257: {  	v3 =	vld [tilespmem:s30+$0x90];
	[tilespmem:s28+$0x1C8] =	vst v2  }
0x258: {  	v2 =	vpack.i.f32.bf16 v7, v4;
	v4 =	vld [tilespmem:s30+$0x340]  }
0x259: {  	[tilespmem:s28+$0xFFFFFDF0] =	vst v2;
	v2 =	vld [tilespmem:s30+$0x3C0]  }
0x25a: {  	v5 =	vpack.i.f32.bf16 v5, v6;
	v6 =	vld [tilespmem:s30+$0x110]  }
0x25b: {  	[tilespmem:s28+$0xFFFFFF88] =	vst v5;
	v5 =	vld [tilespmem:s30+$0x190]  }
0x25c: {  	v3 =	vpack.i.f32.bf16 v3, v8;
	v7 =	vld [tilespmem:s30+$0x210]  }
0x25d: {  	[tilespmem:s28+$0x10] =	vst v3;
	v3 =	vld [tilespmem:s30+$0x290]  }
0x25e: {  	v8 =	vld [tilespmem:s30+$0xFFFFFC20];
	v2 =	vpack.i.f32.bf16 v2, v4  }
0x25f: {  	v4 =	vld [tilespmem:s30+$0xFFFFFCA0];
	[tilespmem:s28+$0x1D8] =	vst v2  }
0x260: {  	v2 =	vpack.i.f32.bf16 v5, v6;
	v5 =	vld [tilespmem:s30+$0x350]  }
0x261: {  	[tilespmem:s28+$0x98] =	vst v2;
	v2 =	vld [tilespmem:s30+$0x3D0]  }
0x262: {  	v6 =	vld [tilespmem:s30+$0xFFFFFD20];
	v3 =	vpack.i.f32.bf16 v3, v7  }
0x263: {  	v7 =	vld [tilespmem:s30+$0xFFFFFDA0];
	[tilespmem:s28+$0x120] =	vst v3  }
0x264: {  	v3 =	vpack.i.f32.bf16 v4, v8;
	v4 =	vld [tilespmem:s30+$0xFFFFFE20]  }
0x265: {  	[tilespmem:s28+$0xFFFFFE00] =	vst v3;
	v3 =	vld [tilespmem:s30+$0xFFFFFEA0]  }
0x266: {  	v8 =	vld [tilespmem:s30+$0xFFFFFF20];
	v2 =	vpack.i.f32.bf16 v2, v5  }
0x267: {  	v5 =	vld [tilespmem:s30+$0xFFFFFFA0];
	[tilespmem:s28+$0x1E8] =	vst v2  }
0x268: {  	v2 =	vpack.i.f32.bf16 v7, v6;
	v6 =	vld [tilespmem:s30+$0x360]  }
0x269: {  	[tilespmem:s28+$0xFFFFFE88] =	vst v2;
	v2 =	vld [tilespmem:s30+$0x3E0]  }
0x26a: {  	v3 =	vpack.i.f32.bf16 v3, v4;
	v4 =	vld [tilespmem:s30+$0x20]  }
0x26b: {  	[tilespmem:s28+$0xFFFFFF10] =	vst v3;
	v3 =	vld [tilespmem:s30+$0xA0]  }
0x26c: {  	v5 =	vpack.i.f32.bf16 v5, v8;
	v7 =	vld [tilespmem:s30+$0x120]  }
0x26d: {  	[tilespmem:s28+$0xFFFFFF98] =	vst v5;
	v5 =	vld [tilespmem:s30+$0x1A0]  }
0x26e: {  	v8 =	vld [tilespmem:s30+$0x220];
	v2 =	vpack.i.f32.bf16 v2, v6  }
0x26f: {  	v6 =	vld [tilespmem:s30+$0x2A0];
	[tilespmem:s28+$0x1F8] =	vst v2  }
0x270: {  	v2 =	vpack.i.f32.bf16 v3, v4;
	v3 =	vld [tilespmem:s30+$0x370]  }
0x271: {  	[tilespmem:s28+$0x20] =	vst v2;
	v2 =	vld [tilespmem:s30+$0x3F0]  }
0x272: {  	v4 =	vld [tilespmem:s30+$0xFFFFFC30];
	v5 =	vpack.i.f32.bf16 v5, v7  }
0x273: {  	v7 =	vld [tilespmem:s30+$0xFFFFFCB0];
	[tilespmem:s28+$0xA8] =	vst v5  }
0x274: {  	v5 =	vld [tilespmem:s30+$0xFFFFFD30];
	v6 =	vpack.i.f32.bf16 v6, v8  }
0x275: {  	v8 =	vld [tilespmem:s30+$0xFFFFFDB0];
	[tilespmem:s28+$0x130] =	vst v6  }
0x276: {  	v6 =	vld [tilespmem:s30+$0xFFFFFE30];
	v2 =	vpack.i.f32.bf16 v2, v3  }
0x277: {  	s2 =	simm.s32 $0x0;
	v3 =	vld [tilespmem:s30+$0xFFFFFEB0];
	[tilespmem:s28+$0x208] =	vst v2  }
0x278: {  	v2 =	vpack.i.f32.bf16 v7, v4;
	v4 =	vld [tilespmem:s30+$0xFFFFFF30]  }
0x279: {  	[tilespmem:s28+$0xFFFFFE10] =	vst v2;
	v2 =	vld [tilespmem:s30+$0xFFFFFFB0]  }
0x27a: {  	v5 =	vpack.i.f32.bf16 v8, v5;
	v7 =	vld [tilespmem:s30+$0x30]  }
0x27b: {  	[tilespmem:s28+$0xFFFFFE98] =	vst v5;
	v5 =	vld [tilespmem:s30+$0xB0]  }
0x27c: {  	v3 =	vpack.i.f32.bf16 v3, v6;
	v6 =	vld [tilespmem:s30+$0x130]  }
0x27d: {  	[tilespmem:s28+$0xFFFFFF20] =	vst v3;
	v3 =	vld [tilespmem:s30+$0x1B0]  }
0x27e: {  	v2 =	vpack.i.f32.bf16 v2, v4;
	v4 =	vld [tilespmem:s30+$0x230]  }
0x27f: {  	[tilespmem:s28+$0xFFFFFFA8] =	vst v2;
	v2 =	vld [tilespmem:s30+$0x2B0]  }
0x280: {  	v8 =	vld [tilespmem:s30+$0xFFFFFC40];
	v5 =	vpack.i.f32.bf16 v5, v7  }
0x281: {  	v7 =	vld [tilespmem:s30+$0xFFFFFCC0];
	[tilespmem:s28+$0x30] =	vst v5  }
0x282: {  	v5 =	vld [tilespmem:s30+$0xFFFFFD40];
	v3 =	vpack.i.f32.bf16 v3, v6  }
0x283: {  	v6 =	vld [tilespmem:s30+$0xFFFFFDC0];
	[tilespmem:s28+$0xB8] =	vst v3  }
0x284: {  	v3 =	vld [tilespmem:s30+$0xFFFFFE40];
	v2 =	vpack.i.f32.bf16 v2, v4  }
0x285: {  	v4 =	vld [tilespmem:s30+$0xFFFFFEC0];
	[tilespmem:s28+$0x140] =	vst v2  }
0x286: {  	v2 =	vpack.i.f32.bf16 v7, v8;
	v7 =	vld [tilespmem:s30+$0xFFFFFF40]  }
0x287: {  	[tilespmem:s28+$0xFFFFFE20] =	vst v2;
	v2 =	vld [tilespmem:s30+$0xFFFFFFC0]  }
0x288: {  	v5 =	vpack.i.f32.bf16 v6, v5;
	v6 =	vld [tilespmem:s30+$0x40]  }
0x289: {  	[tilespmem:s28+$0xFFFFFEA8] =	vst v5;
	v5 =	vld [tilespmem:s30+$0xC0]  }
0x28a: {  	v3 =	vpack.i.f32.bf16 v4, v3;
	v4 =	vld [tilespmem:s30+$0x140]  }
0x28b: {  	[tilespmem:s28+$0xFFFFFF30] =	vst v3;
	v3 =	vld [tilespmem:s30+$0x1C0]  }
0x28c: {  	v2 =	vpack.i.f32.bf16 v2, v7;
	v7 =	vld [tilespmem:s30+$0x240]  }
0x28d: {  	[tilespmem:s28+$0xFFFFFFB8] =	vst v2;
	v2 =	vld [tilespmem:s30+$0x2C0]  }
0x28e: {  	v8 =	vld [tilespmem:s30+$0xFFFFFC50];
	v5 =	vpack.i.f32.bf16 v5, v6  }
0x28f: {  	v6 =	vld [tilespmem:s30+$0xFFFFFCD0];
	[tilespmem:s28+$0x40] =	vst v5  }
0x290: {  	v5 =	vld [tilespmem:s30+$0xFFFFFD50];
	v3 =	vpack.i.f32.bf16 v3, v4  }
0x291: {  	v4 =	vld [tilespmem:s30+$0xFFFFFDD0];
	[tilespmem:s28+$0xC8] =	vst v3  }
0x292: {  	v3 =	vld [tilespmem:s30+$0xFFFFFE50];
	v2 =	vpack.i.f32.bf16 v2, v7  }
0x293: {  	v7 =	vld [tilespmem:s30+$0xFFFFFED0];
	[tilespmem:s28+$0x150] =	vst v2  }
0x294: {  	v2 =	vpack.i.f32.bf16 v6, v8;
	v6 =	vld [tilespmem:s30+$0xFFFFFF50]  }
0x295: {  	[tilespmem:s28+$0xFFFFFE30] =	vst v2;
	v2 =	vld [tilespmem:s30+$0xFFFFFFD0]  }
0x296: {  	v4 =	vpack.i.f32.bf16 v4, v5;
	v5 =	vld [tilespmem:s30+$0x50]  }
0x297: {  	[tilespmem:s28+$0xFFFFFEB8] =	vst v4;
	v4 =	vld [tilespmem:s30+$0xD0]  }
0x298: {  	v3 =	vpack.i.f32.bf16 v7, v3;
	v7 =	vld [tilespmem:s30+$0x150]  }
0x299: {  	[tilespmem:s28+$0xFFFFFF40] =	vst v3;
	v3 =	vld [tilespmem:s30+$0x1D0]  }
0x29a: {  	v2 =	vpack.i.f32.bf16 v2, v6;
	v6 =	vld [tilespmem:s30+$0x250]  }
0x29b: {  	[tilespmem:s28+$0xFFFFFFC8] =	vst v2;
	v2 =	vld [tilespmem:s30+$0x2D0]  }
0x29c: {  	v8 =	vld [tilespmem:s30+$0xFFFFFC60];
	v4 =	vpack.i.f32.bf16 v4, v5  }
0x29d: {  	v5 =	vld [tilespmem:s30+$0xFFFFFCE0];
	[tilespmem:s28+$0x50] =	vst v4  }
0x29e: {  	v4 =	vld [tilespmem:s30+$0xFFFFFD60];
	v3 =	vpack.i.f32.bf16 v3, v7  }
0x29f: {  	v7 =	vld [tilespmem:s30+$0xFFFFFDE0];
	[tilespmem:s28+$0xD8] =	vst v3  }
0x2a0: {  	v3 =	vld [tilespmem:s30+$0xFFFFFE60];
	v2 =	vpack.i.f32.bf16 v2, v6  }
0x2a1: {  	v6 =	vld [tilespmem:s30+$0xFFFFFEE0];
	[tilespmem:s28+$0x160] =	vst v2  }
0x2a2: {  	v2 =	vpack.i.f32.bf16 v5, v8;
	v5 =	vld [tilespmem:s30+$0xFFFFFF60]  }
0x2a3: {  	[tilespmem:s28+$0xFFFFFE40] =	vst v2;
	v2 =	vld [tilespmem:s30+$0xFFFFFFE0]  }
0x2a4: {  	v4 =	vpack.i.f32.bf16 v7, v4;
	v7 =	vld [tilespmem:s30+$0x60]  }
0x2a5: {  	[tilespmem:s28+$0xFFFFFEC8] =	vst v4;
	v4 =	vld [tilespmem:s30+$0xE0]  }
0x2a6: {  	v3 =	vpack.i.f32.bf16 v6, v3;
	v6 =	vld [tilespmem:s30+$0x160]  }
0x2a7: {  	[tilespmem:s28+$0xFFFFFF50] =	vst v3;
	v3 =	vld [tilespmem:s30+$0x1E0]  }
0x2a8: {  	v2 =	vpack.i.f32.bf16 v2, v5;
	v5 =	vld [tilespmem:s30+$0x260]  }
0x2a9: {  	[tilespmem:s28+$0xFFFFFFD8] =	vst v2;
	v2 =	vld [tilespmem:s30+$0x2E0]  }
0x2aa: {  	v8 =	vld [tilespmem:s30+$0xFFFFFC70];
	v4 =	vpack.i.f32.bf16 v4, v7  }
0x2ab: {  	v7 =	vld [tilespmem:s30+$0xFFFFFCF0];
	[tilespmem:s28+$0x60] =	vst v4  }
0x2ac: {  	v4 =	vld [tilespmem:s30+$0xFFFFFD70];
	v3 =	vpack.i.f32.bf16 v3, v6  }
0x2ad: {  	v6 =	vld [tilespmem:s30+$0xFFFFFDF0];
	[tilespmem:s28+$0xE8] =	vst v3  }
0x2ae: {  	v3 =	vld [tilespmem:s30+$0xFFFFFE70];
	v2 =	vpack.i.f32.bf16 v2, v5  }
0x2af: {  	v9 =	vld [tilespmem:s30+$0xFFFFFEF0];
	[tilespmem:s28+$0x170] =	vst v2  }
0x2b0: {  	v2 =	vpack.i.f32.bf16 v7, v8;
	v7 =	vld [tilespmem:s30+$0xFFFFFF70]  }
0x2b1: {  	[tilespmem:s28+$0xFFFFFE50] =	vst v2;
	v8 =	vld [tilespmem:s30+$0xFFFFFFF0]  }
0x2b2: {  	v4 =	vpack.i.f32.bf16 v6, v4;
	v2 =	vld [tilespmem:s30+$0x70]  }
.Ltmp8:
0x2b3: {  	[tilespmem:s28+$0xFFFFFED8] =	vst v4;
	v5 =	vld [tilespmem:s30+$0xF0];
	(pc) =	sbr.rel @p1 .LBB2_10-.Ltmp8, $4  }
0x2b4: {  	v4 =	vpack.i.f32.bf16 v9, v3;
	v3 =	vld [tilespmem:s30+$0x170]  }
0x2b5: {  	[tilespmem:s28+$0xFFFFFF60] =	vst v4;
	v6 =	vld [tilespmem:s30+$0x1F0]  }
0x2b6: {  	v7 =	vpack.i.f32.bf16 v8, v7;
	v4 =	vld [tilespmem:s30+$0x270]  }
0x2b7: {  	[tilespmem:s28+$0xFFFFFFE8] =	vst v7;
	v7 =	vld [tilespmem:s30+$0x2F0];
	s30 =	sadd.s32 $0x800, s30  }
0x2b8: {  	_ = 	snop  }
0x2b9: {  	v8 =	vadd.s32 s2, v0;
	s0 =	simm.s32 $0x1  }
0x2ba: {  	v2 =	vpack.i.f32.bf16 v5, v2;
	s9 =	simm.s32 $0xF;
	v5 =	vadd.s32 s0, v0  }
0x2bb: {  	s10 =	simm.s32 $0x8;
	[tilespmem:s28+$0x70] =	vst v2;
	v9 =	vadd.s32 s9, v0;
	v2 =	vpack.i.f32.bf16 v6, v3  }
0x2bc: {  	s11 =	simm.s32 $0x9;
	v10 =	vadd.s32 s10, v0;
	[tilespmem:s28+$0xF8] =	vst v2;
	v2 =	vpack.i.f32.bf16 v7, v4  }
0x2bd: {  	s12 =	simm.s32 $0xA;
	v12 =	vadd.s32 s11, v0;
	[tilespmem:s28+$0x180] =	vst v2  }
0x2be: {  	s13 =	simm.s32 $0xB;
	v13 =	vadd.s32 s12, v0;
	v11 =	vld.idx.msk [tilespmem:v8+s16+$0x0], $0xffff  }
0x2bf: {  	s14 =	simm.s32 $0xC;
	v14 =	vadd.s32 s13, v0;
	v5 =	vld.idx.msk [tilespmem:v5+s16+$0x0], $0xffff  }
0x2c0: {  	s15 =	simm.s32 $0xD;
	v15 =	vadd.s32 s14, v0;
	v9 =	vld.idx.msk [tilespmem:v9+s16+$0x0], $0xffff  }
0x2c1: {  	s1 =	simm.s32 $0x2;
	v16 =	vadd.s32 s15, v0;
	v10 =	vld.idx.msk [tilespmem:v10+s16+$0x0], $0xffff  }
0x2c2: {  	s5 =	simm.s32 $0x5;
	v3 =	vadd.s32 s1, v0;
	v12 =	vld.idx.msk [tilespmem:v12+s16+$0x0], $0xffff  }
0x2c3: {  	s3 =	simm.s32 $0x3;
	v6 =	vadd.s32 s5, v0;
	v13 =	vld.idx.msk [tilespmem:v13+s16+$0x0], $0xffff  }
0x2c4: {  	s6 =	simm.s32 $0x6;
	v4 =	vadd.s32 s3, v0;
	v14 =	vld.idx.msk [tilespmem:v14+s16+$0x0], $0xffff  }
0x2c5: {  	s4 =	simm.s32 $0x4;
	v7 =	vadd.s32 s6, v0;
	v15 =	vld.idx.msk [tilespmem:v15+s16+$0x0], $0xffff  }
0x2c6: {  	s8 =	simm.s32 $0x7;
	v2 =	vadd.s32 s4, v0;
	v16 =	vld.idx.msk [tilespmem:v16+s16+$0x0], $0xffff  }
0x2c7: {  	v8 =	vadd.s32 s8, v0;
	v3 =	vld.idx.msk [tilespmem:v3+s16+$0x0], $0xffff  }
0x2c8: {  	v17 =	vadd.s32 s9, v1;
	v6 =	vld.idx.msk [tilespmem:v6+s16+$0x0], $0xffff  }
0x2c9: {  	v18 =	vadd.s32 s0, v1;
	v4 =	vld.idx.msk [tilespmem:v4+s16+$0x0], $0xffff;
	[tilespmem:s26+$0xE0] =	vst v9  }
0x2ca: {  	v19 =	vadd.s32 s1, v1;
	v7 =	vld.idx.msk [tilespmem:v7+s16+$0x0], $0xffff;
	[tilespmem:s26+$0xFFFFFF20] =	vst v5  }
0x2cb: {  	v20 =	vadd.s32 s3, v1;
	v2 =	vld.idx.msk [tilespmem:v2+s16+$0x0], $0xffff;
	[tilespmem:s26+$0x20] =	vst v12  }
0x2cc: {  	v21 =	vadd.s32 s4, v1;
	v8 =	vld.idx.msk [tilespmem:v8+s16+$0x0], $0xffff;
	[tilespmem:s26+$0x80] =	vst v15  }
0x2cd: {  	v5 =	vadd.s32 s5, v1;
	[tilespmem:s26+$0xA0] =	vst v16;
	v9 =	vld.idx.msk [tilespmem:v17+s16+$0x0], $0xffff  }
0x2ce: {  	s30 =	simm.s32 $0x11;
	v12 =	vadd.s32 s15, v1;
	v17 =	vld.idx.msk [tilespmem:v18+s16+$0x0], $0xffff;
	[tilespmem:s26+$0xFFFFFF40] =	vst v3  }
0x2cf: {  	s31 =	simm.s32 $0x12;
	v15 =	vadd.s32 s30, v0;
	v19 =	vld.idx.msk [tilespmem:v19+s16+$0x0], $0xffff;
	[tilespmem:s26+$0xFFFFFF60] =	vst v4  }
0x2d0: {  	v16 =	vadd.s32 s31, v0;
	v20 =	vld.idx.msk [tilespmem:v20+s16+$0x0], $0xffff;
	[tilespmem:s26+$0xFFFFFF80] =	vst v2  }
0x2d1: {  	s5 =	simm.s32 $0xE;
	v18 =	vadd.s32 s6, v1;
	[tilespmem:s26+$0xFFFFFFA0] =	vst v6;
	v21 =	vld.idx.msk [tilespmem:v21+s16+$0x0], $0xffff  }
0x2d2: {  	v22 =	vadd.s32 s5, v0;
	v3 =	vld.idx.msk [tilespmem:v5+s16+$0x0], $0xffff  }
0x2d3: {  	v6 =	vadd.s32 s10, v1;
	v12 =	vld.idx.msk [tilespmem:v12+s16+$0x0], $0xffff  }
0x2d4: {  	[tilespmem:s26+$0xFFFFFFC0] =	vst v7;
	v7 =	vadd.s32 s11, v1;
	v15 =	vld.idx.msk [tilespmem:v15+s16+$0x0], $0xffff  }
0x2d5: {  	v2 =	vadd.s32 s8, v1;
	v16 =	vld.idx.msk [tilespmem:v16+s16+$0x0], $0xffff  }
0x2d6: {  	[tilespmem:s26+$0x0] =	vst v10;
	s6 =	sor.u32 $0x70, s25;
	v4 =	vld.idx.msk [tilespmem:v18+s16+$0x0], $0xffff;
	v18 =	vadd.s32 s12, v1  }
0x2d7: {  	s18 =	simm.s32 $0x160;
	s19 =	simm.s32 $0x1A0;
	s20 =	simm.s32 $0x1C0;
	[tilespmem:s6+$0x6100] =	vst v9;
	v9 =	vadd.s32 s13, v1;
	v22 =	vld.idx.msk [tilespmem:v22+s16+$0x0], $0xffff  }
0x2d8: {  	v23 =	vadd.s32 s2, v1;
	s2 =	simm.s32 $0x14;
	s29 =	simm.s32 $0x20;
	s9 =	simm.s32 $0x40;
	[tilespmem:s26+$0x40] =	vst v13;
	v13 =	vadd.s32 s5, v1;
	v6 =	vld.idx.msk [tilespmem:v6+s16+$0x0], $0xffff  }
0x2d9: {  	s0 =	simm.s32 $0x17;
	s20 =	sor.u32 $0x50, s20;
	s8 =	simm.s32 $0x20;
	[tilespmem:s26+$0xFFFFFFE0] =	vst v8;
	v7 =	vld.idx.msk [tilespmem:v7+s16+$0x0], $0xffff  }
0x2da: {  	s28 =	simm.s32 $0x10;
	[tilespmem:s26+$0x60] =	vst v14;
	s21 =	sor.u32 $0x30, s8;
	s13 =	simm.s32 $0xE0;
	v5 =	vld.idx.msk [tilespmem:v2+s16+$0x0], $0xffff;
	v2 =	vadd.s32 s14, v1  }
0x2db: {  	s10 =	simm.s32 $0x60;
	[tilespmem:s21+$0x6100] =	vst v17;
	s1 =	sor.u32 $0x70, s13;
	s13 =	simm.s32 $0x13;
	v8 =	vld.idx.msk [tilespmem:v18+s16+$0x0], $0xffff;
	v18 =	vadd.s32 s28, v0  }
0x2dc: {  	s17 =	sor.u32 $0x50, s9;
	s3 =	simm.s32 $0x15;
	s4 =	sor.u32 $0x70, s10;
	v17 =	vadd.s32 s13, v0;
	v9 =	vld.idx.msk [tilespmem:v9+s16+$0x0], $0xffff;
	[tilespmem:s26+$0xC0] =	vst v22  }
0x2dd: {  	[tilespmem:s26+$0xFFFFFF00] =	vst v11;
	v11 =	vadd.s32 s2, v0;
	s11 =	simm.s32 $0xA0;
	s12 =	simm.s32 $0xC0;
	s14 =	simm.s32 $0x120;
	v14 =	vld.idx.msk [tilespmem:v13+s16+$0x0], $0xffff  }
0x2de: {  	s5 =	sor.u32 $0x50, s12;
	[tilespmem:s17+$0x6100] =	vst v19;
	v19 =	vadd.s32 s3, v0;
	s12 =	sor.u32 $0x30, s14;
	s14 =	simm.s32 $0x16;
	v13 =	vld.idx.msk [tilespmem:v23+s16+$0x0], $0xffff  }
0x2df: {  	s15 =	simm.s32 $0x140;
	s10 =	sor.u32 $0x30, s11;
	s11 =	sor.u32 $0x70, s18;
	[tilespmem:s4+$0x6100] =	vst v20;
	v20 =	vadd.s32 s14, v0;
	v10 =	vld.idx.msk [tilespmem:v2+s16+$0x0], $0xffff  }
0x2e0: {  	s8 =	sor.u32 $0x50, s15;
	s17 =	sor.u32 $0x30, s19;
	s19 =	simm.s32 $0x1F;
	[tilespmem:s26+$0xFFFFFF90] =	vst v21;
	v2 =	vld.idx.msk [tilespmem:v18+s16+$0x0], $0xffff;
	v18 =	vadd.s32 s0, v0  }
.LBB2_12:
0x2e1: {  	p1 =	slt.u32 s29, $0x70;
	v17 =	vld.idx.msk [tilespmem:v17+s16+$0x0], $0xffff;
	s18 =	sadd.s32 $0x8, s28;
	v21 =	vadd.s32 s19, v0;
	[tilespmem:s10+$0x6100] =	vst v3  }
0x2e2: {  	s15 =	sadd.s32 $0x9, s28;
	v3 =	vld.idx.msk [tilespmem:v11+s16+$0x0], $0xffff;
	v11 =	vadd.s32 s18, v0;
	[tilespmem:s5+$0x6100] =	vst v4  }
0x2e3: {  	s4 =	sadd.s32 $0xA, s28;
	v4 =	vld.idx.msk [tilespmem:v19+s16+$0x0], $0xffff;
	v19 =	vadd.s32 s15, v0;
	[tilespmem:s1+$0x6100] =	vst v5  }
0x2e4: {  	s10 =	sadd.s32 $0xB, s28;
	v5 =	vld.idx.msk [tilespmem:v20+s16+$0x0], $0xffff;
	v20 =	vadd.s32 s4, v0;
	[tilespmem:s26+$0x10] =	vst v6  }
0x2e5: {  	s5 =	sadd.s32 $0xC, s28;
	v6 =	vld.idx.msk [tilespmem:v18+s16+$0x0], $0xffff;
	v18 =	vadd.s32 s10, v0;
	[tilespmem:s12+$0x6100] =	vst v7  }
0x2e6: {  	s1 =	sadd.s32 $0xD, s28;
	v7 =	vadd.s32 s5, v0;
	v21 =	vld.idx.msk [tilespmem:v21+s16+$0x0], $0xffff;
	[tilespmem:s8+$0x6100] =	vst v8  }
0x2e7: {  	v8 =	vld.idx.msk [tilespmem:v11+s16+$0x0], $0xffff;
	v11 =	vadd.s32 s1, v0;
	[tilespmem:s11+$0x6100] =	vst v9  }
0x2e8: {  	v9 =	vld.idx.msk [tilespmem:v19+s16+$0x0], $0xffff;
	v19 =	vadd.s32 s19, v1;
	[tilespmem:s26+$0x90] =	vst v10  }
0x2e9: {  	v10 =	vadd.s32 s30, v1;
	v20 =	vld.idx.msk [tilespmem:v20+s16+$0x0], $0xffff;
	[tilespmem:s17+$0x6100] =	vst v12  }
0x2ea: {  	v12 =	vadd.s32 s31, v1;
	v18 =	vld.idx.msk [tilespmem:v18+s16+$0x0], $0xffff;
	[tilespmem:s20+$0x6100] =	vst v14  }
0x2eb: {  	v14 =	vadd.s32 s13, v1;
	v22 =	vld.idx.msk [tilespmem:v7+s16+$0x0], $0xffff;
	[tilespmem:s26+$0xFFFFFF10] =	vst v13;
	s26 =	sadd.s32 $0x200, s26  }
0x2ec: {  	v7 =	vadd.s32 s2, v1;
	v11 =	vld.idx.msk [tilespmem:v11+s16+$0x0], $0xffff;
	[tilespmem:s26+$0xE0] =	vst v21  }
0x2ed: {  	v13 =	vadd.s32 s3, v1;
	[tilespmem:s26+$0xFFFFFF20] =	vst v15;
	v15 =	vld.idx.msk [tilespmem:v19+s16+$0x0], $0xffff  }
0x2ee: {  	s2 =	sadd.s32 $0xE, s28;
	v19 =	vld.idx.msk [tilespmem:v10+s16+$0x0], $0xffff;
	[tilespmem:s26+$0xFFFFFF40] =	vst v16;
	v10 =	vadd.s32 s14, v1  }
0x2ef: {  	v16 =	vld.idx.msk [tilespmem:v12+s16+$0x0], $0xffff;
	[tilespmem:s26+$0xFFFFFF60] =	vst v17;
	v12 =	vadd.s32 s2, v0  }
0x2f0: {  	v21 =	vld.idx.msk [tilespmem:v14+s16+$0x0], $0xffff;
	[tilespmem:s26+$0xFFFFFF80] =	vst v3;
	v14 =	vadd.s32 s0, v1  }
0x2f1: {  	s25 =	sadd.s32 $0x200, s25;
	v23 =	vld.idx.msk [tilespmem:v7+s16+$0x0], $0xffff;
	[tilespmem:s26+$0xFFFFFFA0] =	vst v4;
	v7 =	vadd.s32 s18, v1  }
0x2f2: {  	s6 =	sor.u32 $0x70, s25;
	s3 =	sadd.s32 $0xFFFFFE60, s25;
	s0 =	sadd.s32 $0xFFFFFE40, s25;
	v3 =	vld.idx.msk [tilespmem:v13+s16+$0x0], $0xffff;
	[tilespmem:s26+$0xFFFFFFC0] =	vst v5;
	v13 =	vadd.s32 s15, v1  }
0x2f3: {  	s9 =	sadd.s32 $0xFFFFFEC0, s25;
	s8 =	sadd.s32 $0xFFFFFE80, s25;
	s11 =	sadd.s32 $0xFFFFFEE0, s25;
	v4 =	vld.idx.msk [tilespmem:v10+s16+$0x0], $0xffff;
	v10 =	vadd.s32 s4, v1;
	[tilespmem:s6+$0x6100] =	vst v15  }
0x2f4: {  	s13 =	sadd.s32 $0xFFFFFF60, s25;
	s4 =	sadd.s32 $0xFFFFFF00, s25;
	s6 =	sadd.s32 $0xFFFFFF40, s25;
	v15 =	vadd.s32 s10, v1;
	[tilespmem:s26+$0xFFFFFFE0] =	vst v6;
	v17 =	vld.idx.msk [tilespmem:v12+s16+$0x0], $0xffff  }
0x2f5: {  	s14 =	sadd.s32 $0xFFFFFF80, s25;
	s18 =	sadd.s32 $0xFFFFFFE0, s25;
	s15 =	sadd.s32 $0xFFFFFFC0, s25;
	v12 =	vadd.s32 s5, v1;
	v5 =	vld.idx.msk [tilespmem:v14+s16+$0x0], $0xffff;
	[tilespmem:s26+$0x0] =	vst v8  }
0x2f6: {  	s21 =	sor.u32 $0x70, s8;
	s19 =	sor.u32 $0x50, s3;
	s0 =	sor.u32 $0x30, s0;
	v14 =	vadd.s32 s1, v1;
	v6 =	vld.idx.msk [tilespmem:v7+s16+$0x0], $0xffff;
	[tilespmem:s26+$0x20] =	vst v9  }
0x2f7: {  	s10 =	sor.u32 $0x30, s9;
	s5 =	sor.u32 $0x50, s11;
	s1 =	sor.u32 $0x70, s4;
	v7 =	vld.idx.msk [tilespmem:v13+s16+$0x0], $0xffff;
	[tilespmem:s26+$0x40] =	vst v20;
	v13 =	vadd.s32 s2, v1  }
0x2f8: {  	s8 =	sor.u32 $0x50, s13;
	s12 =	sor.u32 $0x30, s6;
	s11 =	sor.u32 $0x70, s14;
	v20 =	vadd.s32 s28, v1;
	v8 =	vld.idx.msk [tilespmem:v10+s16+$0x0], $0xffff;
	[tilespmem:s26+$0x60] =	vst v18  }
0x2f9: {  	s30 =	sadd.s32 $0x1, s29;
	s20 =	sor.u32 $0x50, s18;
	s17 =	sor.u32 $0x30, s15;
	v18 =	vadd.s32 s29, v0;
	v9 =	vld.idx.msk [tilespmem:v15+s16+$0x0], $0xffff;
	[tilespmem:s26+$0x80] =	vst v22  }
0x2fa: {  	s31 =	sadd.s32 $0x2, s29;
	s28 =	smov.u32 s29;
	v15 =	vadd.s32 s30, v0;
	v10 =	vld.idx.msk [tilespmem:v12+s16+$0x0], $0xffff;
	[tilespmem:s26+$0xA0] =	vst v11  }
0x2fb: {  	s13 =	sadd.s32 $0x3, s29;
	v22 =	vadd.s32 s31, v0;
	v12 =	vld.idx.msk [tilespmem:v14+s16+$0x0], $0xffff;
	[tilespmem:s26+$0xC0] =	vst v17  }
.Ltmp9:
0x2fc: {  	s2 =	sadd.s32 $0x4, s29;
	v17 =	vadd.s32 s13, v0;
	[tilespmem:s26+$0xFFFFFF00] =	vst v2;
	v14 =	vld.idx.msk [tilespmem:v13+s16+$0x0], $0xffff;
	(pc) =	sbr.rel @p1 .LBB2_12-.Ltmp9, $4  }
0x2fd: {  	s3 =	sadd.s32 $0x5, s29;
	v11 =	vadd.s32 s2, v0;
	v13 =	vld.idx.msk [tilespmem:v20+s16+$0x0], $0xffff;
	[tilespmem:s0+$0x6100] =	vst v19  }
0x2fe: {  	s14 =	sadd.s32 $0x6, s29;
	v19 =	vadd.s32 s3, v0;
	v2 =	vld.idx.msk [tilespmem:v18+s16+$0x0], $0xffff;
	[tilespmem:s19+$0x6100] =	vst v16  }
0x2ff: {  	v20 =	vadd.s32 s14, v0;
	s0 =	sadd.s32 $0x7, s29;
	v15 =	vld.idx.msk [tilespmem:v15+s16+$0x0], $0xffff;
	[tilespmem:s21+$0x6100] =	vst v21  }
0x300: {  	s29 =	sadd.s32 $0x10, s29;
	v18 =	vadd.s32 s0, v0;
	s19 =	sadd.s32 $0xF, s28;
	v16 =	vld.idx.msk [tilespmem:v22+s16+$0x0], $0xffff;
	[tilespmem:s26+$0xFFFFFF90] =	vst v23  }
0x301: {  	[tilespmem:s10+$0x6100] =	vst v3  }
0x302: {  	[tilespmem:s5+$0x6100] =	vst v4  }
0x303: {  	[tilespmem:s1+$0x6100] =	vst v5  }
0x304: {  	[tilespmem:s12+$0x6100] =	vst v7  }
0x305: {  	[tilespmem:s8+$0x6100] =	vst v8  }
0x306: {  	v3 =	vadd.s32 s19, v0;
	[tilespmem:s11+$0x6100] =	vst v9  }
0x307: {  	[tilespmem:s17+$0x6100] =	vst v12  }
0x308: {  	[tilespmem:s20+$0x6100] =	vst v14  }
0x309: {  	[tilespmem:s26+$0x10] =	vst v6  }
0x30a: {  	v30 =	vld.idx.msk [tilespmem:v17+s16+$0x0], $0xffff;
	[tilespmem:s26+$0x90] =	vst v10  }
0x30b: {  	v32 =	vadd.s32 s30, v1;
	s8 =	sadd.s32 $0x200, s26;
	[tilespmem:s26+$0xFFFFFF10] =	vst v13;
	v3 =	vld.idx.msk [tilespmem:v3+s16+$0x0], $0xffff  }
0x30c: {  	s4 =	sadd.s32 $0x9, s28;
	v33 =	vld.idx.msk [tilespmem:v19+s16+$0x0], $0xffff;
	v35 =	vadd.s32 s31, v1;
	[tilespmem:s8+$0xFFFFFF00] =	vst v2  }
0x30d: {  	v34 =	vld.idx.msk [tilespmem:v20+s16+$0x0], $0xffff;
	v31 =	vadd.s32 s4, v0;
	[tilespmem:s8+$0xFFFFFF20] =	vst v15  }
0x30e: {  	v37 =	vld.idx.msk [tilespmem:v18+s16+$0x0], $0xffff;
	v38 =	vadd.s32 s3, v1;
	s15 =	sadd.s32 $0xC, s28;
	[tilespmem:s8+$0xFFFFFF40] =	vst v16  }
0x30f: {  	v11 =	vld.idx.msk [tilespmem:v11+s16+$0x0], $0xffff;
	v52 =	vadd.s32 s15, v0;
	[tilespmem:s8+$0xFFFFFF60] =	vst v30  }
0x310: {  	s26 =	sadd.s32 $0xA, s28;
	v39 =	vld.idx.msk [tilespmem:v32+s16+$0x0], $0xffff;
	[tilespmem:s8+$0xE0] =	vst v3;
	v3 =	vadd.s32 s13, v1  }
0x311: {  	v36 =	vadd.s32 s26, v0;
	[tilespmem:s8+$0xFFFFFFA0] =	vst v33;
	v41 =	vld.idx.msk [tilespmem:v35+s16+$0x0], $0xffff  }
0x312: {  	v29 =	vadd.s32 s19, v1;
	s29 =	sadd.s32 $0x200, s25;
	s11 =	sadd.s32 $0xD, s28;
	[tilespmem:s8+$0xFFFFFFC0] =	vst v34;
	v6 =	vld.idx.msk [tilespmem:v31+s16+$0x0], $0xffff  }
0x313: {  	s12 =	sadd.s32 $0xE, s28;
	s9 =	sadd.s32 $0xFFFFFE40, s29;
	v48 =	vadd.s32 s11, v0;
	[tilespmem:s8+$0xFFFFFFE0] =	vst v37;
	v45 =	vld.idx.msk [tilespmem:v38+s16+$0x0], $0xffff  }
0x314: {  	v42 =	vadd.s32 s0, v1;
	s10 =	sadd.s32 $0xFFFFFE60, s29;
	v50 =	vadd.s32 s12, v0;
	s0 =	sor.u32 $0x30, s9;
	[tilespmem:s8+$0xFFFFFF80] =	vst v11;
	v59 =	vld.idx.msk [tilespmem:v52+s16+$0x0], $0xffff  }
0x315: {  	v43 =	vadd.s32 s4, v1;
	s4 =	sor.u32 $0x50, s10;
	[tilespmem:s0+$0x6100] =	vst v39;
	v3 =	vld.idx.msk [tilespmem:v3+s16+$0x0], $0xffff  }
0x316: {  	s31 =	sadd.s32 $0xB, s28;
	v60 =	vadd.s32 s15, v1;
	s9 =	sadd.s32 $0xFFFFFEC0, s29;
	v12 =	vld.idx.msk [tilespmem:v36+s16+$0x0], $0xffff;
	[tilespmem:s4+$0x6100] =	vst v41  }
0x317: {  	v44 =	vadd.s32 s31, v0;
	s9 =	sor.u32 $0x30, s9;
	v4 =	vld.idx.msk [tilespmem:v29+s16+$0x0], $0xffff;
	[tilespmem:s8+$0x20] =	vst v6  }
0x318: {  	s6 =	sadd.s32 $0xFFFFFE80, s29;
	v46 =	vadd.s32 s26, v1;
	v5 =	vld.idx.msk [tilespmem:v48+s16+$0x0], $0xffff;
	[tilespmem:s9+$0x6100] =	vst v45  }
0x319: {  	v40 =	vadd.s32 s14, v1;
	s6 =	sor.u32 $0x70, s6;
	v54 =	vld.idx.msk [tilespmem:v50+s16+$0x0], $0xffff;
	s13 =	sadd.s32 $0x8, s28;
	[tilespmem:s8+$0x80] =	vst v59  }
0x31a: {  	v49 =	vld.idx.msk [tilespmem:v42+s16+$0x0], $0xffff;
	[tilespmem:s6+$0x6100] =	vst v3;
	v3 =	vadd.s32 s13, v0  }
0x31b: {  	s30 =	sor.u32 $0x70, s29;
	[tilespmem:s8+$0x40] =	vst v12;
	v63 =	vld.idx.msk [tilespmem:v60+s16+$0x0], $0xffff  }
0x31c: {  	v56 =	vadd.s32 s2, v1;
	[tilespmem:s30+$0x6100] =	vst v4;
	v4 =	vld.idx.msk [tilespmem:v44+s16+$0x0], $0xffff  }
0x31d: {  	v51 =	vadd.s32 s31, v1;
	s17 =	sadd.s32 $0xFFFFFF00, s29;
	[tilespmem:s8+$0xA0] =	vst v5;
	v12 =	vld.idx.msk [tilespmem:v46+s16+$0x0], $0xffff  }
0x31e: {  	v53 =	vadd.s32 s11, v1;
	v47 =	vld.idx.msk [tilespmem:v40+s16+$0x0], $0xffff;
	s9 =	sor.u32 $0x70, s17;
	[tilespmem:s8+$0xC0] =	vst v54  }
0x31f: {  	v55 =	vadd.s32 s12, v1;
	[tilespmem:s9+$0x6100] =	vst v49;
	v3 =	vld.idx.msk [tilespmem:v3+s16+$0x0], $0xffff  }
0x320: {  	s19 =	sadd.s32 $0xFFFFFF60, s29;
	v58 =	vadd.s32 s13, v1;
	v9 =	vld.idx.msk [tilespmem:v43+s16+$0x0], $0xffff;
	[tilespmem:s8+$0x90] =	vst v63  }
0x321: {  	v61 =	vadd.s32 s28, v1;
	s14 =	sadd.s32 $0xFFFFFEE0, s29;
	s20 =	sor.u32 $0x50, s19;
	[tilespmem:s8+$0x60] =	vst v4;
	v4 =	vld.idx.msk [tilespmem:v56+s16+$0x0], $0xffff  }
0x322: {  	[tilespmem:s20+$0x6100] =	vst v12;
	s6 =	sor.u32 $0x50, s14;
	v57 =	vld.idx.msk [tilespmem:v51+s16+$0x0], $0xffff  }
0x323: {  	s18 =	sadd.s32 $0xFFFFFF40, s29;
	v6 =	vld.idx.msk [tilespmem:v53+s16+$0x0], $0xffff;
	[tilespmem:s6+$0x6100] =	vst v47  }
0x324: {  	s6 =	sor.u32 $0x30, s18;
	[tilespmem:s8+$0x0] =	vst v3;
	v3 =	vld.idx.msk [tilespmem:v55+s16+$0x0], $0xffff  }
0x325: {  	s21 =	sadd.s32 $0xFFFFFF80, s29;
	[tilespmem:s6+$0x6100] =	vst v9;
	v62 =	vld.idx.msk [tilespmem:v58+s16+$0x0], $0xffff  }
0x326: {  	s25 =	sadd.s32 $0xFFFFFFC0, s29;
	v2 =	vld.idx.msk [tilespmem:v61+s16+$0x0], $0xffff;
	s0 =	sor.u32 $0x70, s21;
	[tilespmem:s8+$0xFFFFFF90] =	vst v4  }
0x327: {  	s1 =	sadd.s32 $0xFFFFFFE0, s29;
	[tilespmem:s0+$0x6100] =	vst v57;
	s0 =	sor.u32 $0x30, s25  }
0x328: {  	s26 =	sor.u32 $0x50, s1;
	[tilespmem:s0+$0x6100] =	vst v6  }
0x329: {  	[tilespmem:s26+$0x6100] =	vst v3  }
0x32a: {  	[tilespmem:s8+$0x10] =	vst v62  }
0x32b: {  	s31 =	simm.s32 $0x3;
	s0 =	rddreg [dreg:$0xc];
	[tilespmem:s8+$0xFFFFFF10] =	vst v2  }
0x32c: {  	s29 =	simm.s32 $0x0;
	s0 =	sshll.u32 s0, $0x9;
	s28 =	rddreg [dreg:$0x8]  }
.Ltmp10:
0x32d: {  	s30 =	simm.s32 $0x6100;
	s0 =	sadd.s32 s0, s28;
	(pc) =	sbr.rel .LBB2_14-.Ltmp10, $4  }
0x32e: {  	[hbm4b:s0+s29] =	stream.linear.scatter [tilespmem:s30], [sflag:$0x3], $0x1000, $0x38;
	[tilespmem:$0x7100] =	vst v63  }
0x32f: {  	_ =	swait.ge [sflag:s31], $0x1000  }
0x330: {  	[sflag:s31] =	ssyncset.done $0x0  }
0x331: {  	[sflag:s31] =	ssyncadd.s32 $0xFFFFF000  }
.LBB2_16:
0x332: {  	_ =	sfence.sel $0x180000  }
0x333: {  	[bflag:$0x0] =	sbarrier.arrive $0xFFFF  }
0x334: {  	_ =	strace $0x90000047  }
0x335: {  	s0 =	stileid.u32;
	[bflag:$0x2] =	sbarrier.arrive $0xFFFF  }
0x336: {  	p0 =	sne.s32 s0, $0x0;
	s0 =	rddreg [dreg:$0x3]  }
0x337: {  	s0 =	sadd.s32 @!p0 $0x100000, s0  }
0x338: {  	[sflag:s0] =	ssyncadd.tile.s32 @!p0 $0x1;
	_ =	shalt  }
.Lfunc_end2:
_tile_overlayer_lowered:
.L_overlay_start_2:
0x339: {  	(tag) =	ssettag $0x2  }
0x33a: {  	s0 =	rddreg [dreg:$0x0];
	s2 =	stileid.u32  }
0x33b: {  	s1 =	rddreg [dreg:$0x1];
	p0 =	sne.s32 s2, $0x0  }
0x33c: {  	s3 =	rddreg [dreg:$0x2];
	[bflag:$0x3] =	sbarrier.arrive $0xFFFF;
	s2 =	simm.s32 @!p0 $0x1C03  }
0x33d: {  	[timem:s3], [sflag:s2] =	dma.local @!p0 [hbm:s0], s1  }
0x33e: {  	s0 =	simm.s32 @!p0 $0x3  }
0x33f: {  	_ =	swait.ge @!p0 [sflag:s0], s1  }
0x340: {  	s1 =	ssub.s32 @!p0 $0x0, s1;
	[sflag:s0] =	ssyncset.done @!p0 $0x0  }
0x341: {  	[sflag:s0] =	ssyncadd.s32 @!p0 s1  }
0x342: {  	[bflag:$0x3] =	sbarrier.arrive $0xFFFF  }
0x343: {  	_ =	shalt  }

// kernel: kernel.8.cloned.1.call-start
scs
__scs_entry_jumppad:
0x0: {  	(pc) =	sbr.rel $0x88, $3  }
0x1: {  	(tag) =	ssettag $0x0;
	lr =	simm.s32 $0x1  }
0x2: {  	[smem:$0x3F9D] =	sst lr;
	_ =	strace $0xD0000000  }
0x3: {  	_ = 	snop  }
0x4: {  	_ = 	snop  }
0x5: {  	_ = 	snop  }
0x6: {  	_ = 	snop  }
0x7: {  	_ = 	snop  }
__scs_overlays_trampoline_lowered:
0x8: {  	[smem:$0x3FAC] =	sst s0  }
0x9: {  	[smem:$0x3FAD] =	sst s1  }
0xa: {  	[smem:$0x3FAE] =	sst s2  }
0xb: {  	[smem:$0x3FAF] =	sst s3  }
0xc: {  	[smem:$0x3FB0] =	sst s4  }
0xd: {  	[smem:$0x3FB1] =	sst s5  }
0xe: {  	[smem:$0x3FB2] =	sst s6  }
0xf: {  	[smem:$0x3FB3] =	sst s7  }
0x10: {  	[smem:$0x3FB4] =	sst s8  }
0x11: {  	[smem:$0x3FB5] =	sst s9;
	s0 =	simm.s32 @!p0 $0x0  }
0x12: {  	s1 =	sld [smem:$0x3F9B];
	s0 =	simm.s32 @p0 $0x1  }
0x13: {  	[smem:$0x3FB6] =	sst s0;
	s0 =	simm.s32 @!p1 $0x0  }
0x14: {  	s2 =	sld [smem:$0x3F9A];
	s0 =	simm.s32 @p1 $0x1  }
0x15: {  	[smem:$0x3FB7] =	sst s0;
	s0 =	simm.s32 @!p2 $0x0  }
0x16: {  	s3 =	sld [smem:$0x3FDB];
	s0 =	simm.s32 @p2 $0x1  }
0x17: {  	s4 =	simm.s32 $0x1BF5;
	[smem:$0x3FB9] =	sst s0  }
0x18: {  	s0 =	sld [smem:$0x3F9C];
	_ =	swait.ge [sflag:s4], $0x0  }
0x19: {  	s7 =	sld [smem:$0x3F9D]  }
0x1a: {  	s8 =	sadd.s32 $0xFFFFE003, lr  }
0x1b: {  	s9 =	sadd.s32 $0xFFFFFEF7, lr;
	s5 =	simm.s32 $0xFFFFFFFF;
	p2 =	slt.u32 s8, $0xFFFFF086  }
0x1c: {  	p1 =	slt.u32 s9, $0xF7A;
	s5 =	simm.s32 @!p2 $0x0  }
0x1d: {  	s5 =	simm.s32 @p1 $0x1;
	p0 =	seq.s32 s7, s2  }
0x1e: {  	s7 =	smul.u32 @!p0 $0xF7A, s2;
	p2 =	seq.s32 @!p0 s5, $0x0  }
0x1f: {  	s9 =	smul.u32 $0xF7A, s1;
	s8 =	simm.s32 @!p0 $0x1BF5;
	p2 =	por !p2, p0  }
0x20: {  	[sflag:s8] =	ssyncset.s32 @!p0 $0xFFFFF086;
	s6 =	sadd.s32 @!p0 s3, s7;
	s7 =	simm.s32 @!p0 $0x108  }
0x21: {  	s3 =	sadd.s32 s3, s9;
	s6 =	sadd.s32 @!p0 $0x88, s6;
	s7 =	simm.s32 @p2 $0x1082  }
0x22: {  	[simem:s7], [sflag:s8] =	dma.local @!p0 [hbm:s6], $0xF7A  }
0x23: {  	s9 =	sor.u32 $0xD0000000, s2;
	s6 =	simm.s32 $0x108;
	_ =	swait.ge @!p0 [sflag:s8], $0x0  }
0x24: {  	s3 =	sadd.s32 $0x88, s3;
	s6 =	simm.s32 @!p1 $0x1082;
	[sflag:s4] =	ssyncset.s32 $0xFFFFF086  }
0x25: {  	[simem:s6], [sflag:s4] =	dma.local [hbm:s3], $0xF7A  }
0x26: {  	[smem:$0x3F9D] =	sst s1;
	(tag) =	ssettag s2;
	_ =	strace s9  }
0x27: {  	s1 =	sld [smem:$0x3FAD]  }
0x28: {  	s2 =	sld [smem:$0x3FAE]  }
0x29: {  	s4 =	sld [smem:$0x3FB0]  }
0x2a: {  	p0 =	seq.s32 s5, $0x0;
	s5 =	sld [smem:$0x3FB1]  }
0x2b: {  	s6 =	sld [smem:$0x3FB2]  }
0x2c: {  	s7 =	sld [smem:$0x3FB3]  }
0x2d: {  	s3 =	simm.s32 $0x108;
	s8 =	sld [smem:$0x3FB4]  }
0x2e: {  	s3 =	simm.s32 @!p0 $0x1082;
	s9 =	sld [smem:$0x3FB5]  }
0x2f: {  	lr =	sadd.s32 s0, s3;
	s0 =	sld [smem:$0x3FAC]  }
0x30: {  	s3 =	sld [smem:$0x3FAF]  }
0x31: {  	[smem:$0x3FB8] =	sst s10  }
0x32: {  	s10 =	sld [smem:$0x3FB6];
	_ =	sdelay $0x3  }
0x33: {  	p0 =	seq.s32 s10, $0x1;
	s10 =	sld [smem:$0x3FB8];
	_ =	sdelay $0x3  }
0x34: {  	[smem:$0x3FB8] =	sst s10  }
0x35: {  	s10 =	sld [smem:$0x3FB7];
	_ =	sdelay $0x3  }
0x36: {  	p1 =	seq.s32 s10, $0x1;
	s10 =	sld [smem:$0x3FB8];
	_ =	sdelay $0x3  }
0x37: {  	[smem:$0x3FB8] =	sst s10  }
0x38: {  	s10 =	sld [smem:$0x3FB9]  }
0x39: {  	_ = 	snop;
	(pc) =	sbr.ind lr, $3  }
0x3a: {  	_ = 	snop  }
0x3b: {  	_ = 	snop  }
0x3c: {  	p2 =	seq.s32 s10, $0x1;
	s10 =	sld [smem:$0x3FB8]  }
0x3d: {  	_ =	shalt  }
0x3e: {  	_ =	shalt  }
0x3f: {  	_ =	shalt  }
0x40: {  	_ =	shalt  }
0x41: {  	_ =	shalt  }
0x42: {  	_ =	shalt  }
0x43: {  	_ =	shalt  }
0x44: {  	_ =	shalt  }
0x45: {  	_ =	shalt  }
0x46: {  	_ =	shalt  }
0x47: {  	_ =	shalt  }
0x48: {  	_ =	shalt  }
0x49: {  	_ =	shalt  }
0x4a: {  	_ =	shalt  }
0x4b: {  	_ =	shalt  }
0x4c: {  	_ =	shalt  }
0x4d: {  	_ =	shalt  }
0x4e: {  	_ =	shalt  }
0x4f: {  	_ =	shalt  }
0x50: {  	_ =	shalt  }
0x51: {  	_ =	shalt  }
0x52: {  	_ =	shalt  }
0x53: {  	_ =	shalt  }
0x54: {  	_ =	shalt  }
0x55: {  	_ =	shalt  }
0x56: {  	_ =	shalt  }
0x57: {  	_ =	shalt  }
0x58: {  	_ =	shalt  }
0x59: {  	_ =	shalt  }
0x5a: {  	_ =	shalt  }
0x5b: {  	_ =	shalt  }
0x5c: {  	_ =	shalt  }
0x5d: {  	_ =	shalt  }
0x5e: {  	_ =	shalt  }
0x5f: {  	_ =	shalt  }
0x60: {  	_ =	shalt  }
0x61: {  	_ =	shalt  }
0x62: {  	_ =	shalt  }
0x63: {  	_ =	shalt  }
0x64: {  	_ =	shalt  }
0x65: {  	_ =	shalt  }
0x66: {  	_ =	shalt  }
0x67: {  	_ =	shalt  }
0x68: {  	_ =	shalt  }
0x69: {  	_ =	shalt  }
0x6a: {  	_ =	shalt  }
0x6b: {  	_ =	shalt  }
0x6c: {  	_ =	shalt  }
0x6d: {  	_ =	shalt  }
0x6e: {  	_ =	shalt  }
0x6f: {  	_ =	shalt  }
0x70: {  	_ =	shalt  }
0x71: {  	_ =	shalt  }
0x72: {  	_ =	shalt  }
0x73: {  	_ =	shalt  }
0x74: {  	_ =	shalt  }
0x75: {  	_ =	shalt  }
0x76: {  	_ =	shalt  }
0x77: {  	_ =	shalt  }
0x78: {  	_ =	shalt  }
0x79: {  	_ =	shalt  }
0x7a: {  	_ =	shalt  }
0x7b: {  	_ =	shalt  }
0x7c: {  	_ =	shalt  }
0x7d: {  	_ =	shalt  }
0x7e: {  	_ =	shalt  }
0x7f: {  	_ =	shalt  }
0x80: {  	_ =	shalt  }
0x81: {  	_ =	shalt  }
0x82: {  	_ =	shalt  }
0x83: {  	_ =	shalt  }
0x84: {  	_ =	shalt  }
0x85: {  	_ =	shalt  }
0x86: {  	_ =	shalt  }
0x87: {  	_ =	shalt  }
.Lfunc_end0:
.L_simem_size_0:
called_computation.1_lowered:
.L_overlay_start_0:
0x88: {  	s2 =	sld [smem:$0x3FD9]  }
0x89: {  	s3 =	sld [smem:$0x3FFE];
	_ =	sdelay $0x1  }
0x8a: {  	s1 =	srdreg.scid  }
0x8b: {  	s0 =	sand.u32 $0x1, s1  }
0x8c: {  	s16 =	sshll.u32 s0, $0xA;
	s2 =	sadd.s32 s3, s2  }
0x8d: {  	s2 =	sadd.s32 s2, s16  }
0x8e: {  	[smem:$0x3FC4] =	sst s2  }
0x8f: {  	_ = 	snop  }
0x90: {  	(tm) =	ssettm $0x1  }
0x91: {  	s17 =	sld [smem:$0x3FFB];
	_ =	sdelay $0x3  }
0x92: {  	_ =	strace s17  }
0x93: {  	s2 =	sld [smem:$0x3FFC];
	_ =	sdelay $0x3  }
0x94: {  	_ =	strace s2  }
0x95: {  	s2 =	sld [smem:$0x3FFD];
	_ =	sdelay $0x3  }
0x96: {  	_ =	strace s2  }
0x97: {  	_ =	strace $0x8FFFFFFF  }
0x98: {  	s18 =	sld [smem:$0x3FDB];
	_ =	sdelay $0x1  }
0x99: {  	s19 =	simm.s32 $_scs_section_size  }
0x9a: {  	s4 =	simm.s32 $_size__tile_overlayer_lowered;
	s5 =	simm.s32 $_tile_overlayer_lowered  }
0x9b: {  	s22 =	simm.s32 $0x1BFF;
	s21 =	sshll.u32 s5, $0x1;
	s2 =	sadd.s32 s19, s18  }
0x9c: {  	s6 =	simm.s32 $0x0;
	s20 =	sshll.u32 s4, $0x1;
	s4 =	sadd.s32 s21, s2  }
0x9d: {  	[timem:s6], [sflag:s22] =	dma.local [hbm:s4], s20  }
0x9e: {  	_ =	swait.ge [sflag:s22], s20  }
0x9f: {  	s3 =	ssub.s32 $0x0, s20;
	[sflag:s22] =	ssyncset.done $0x0  }
0xa0: {  	[sflag:s22] =	ssyncadd.s32 s3;
	_ =	sdelay $0x1  }
0xa1: {  	s23 =	simm.s32 $0x1B8B  }
0xa2: {  	_ =	swait.ge [sflag:s23], $0x1  }
0xa3: {  	[sflag:s23] =	ssyncset.done $0x0  }
0xa4: {  	s25 =	simm.s32 $0x1B8E;
	s24 =	sld [smem:$0x3FFE];
	[sflag:s23] =	ssyncadd.s32 $0xFFFFFFFF  }
0xa5: {  	s26 =	simm.s32 $execute0_lowered;
	[smem:$0x3FD2] =	sst s25  }
0xa6: {  	s4 =	sshll.u32 s26, $0x1;
	_ =	strace $0x80000049;
	[dreg:$0x1] =	wrdreg $0xFFFFFFFF  }
0xa7: {  	s28 =	simm.s32 $_size_execute0_lowered;
	s2 =	sadd.s32 s2, s4;
	[dreg:$0x0] =	wrdreg $0x0  }
0xa8: {  	s4 =	sshll.u32 s28, $0x1;
	[dreg:$0x2] =	wrdreg s2  }
0xa9: {  	[dreg:$0x3] =	wrdreg s4  }
0xaa: {  	[dreg:$0x4] =	wrdreg $0xC0  }
0xab: {  	_ =	task [dreg:s6], $0x5FFFF  }
0xac: {  	[dreg:$0x1] =	wrdreg $0xFFFFFFFF  }
0xad: {  	[dreg:$0x0] =	wrdreg $0x60  }
0xae: {  	[dreg:$0x2] =	wrdreg s24  }
0xaf: {  	[dreg:$0x3] =	wrdreg $0x9  }
0xb0: {  	_ =	task.clear_ibuf [dreg:s6], $0x4FFFF;
	_ =	strace $0x90000049  }
0xb1: {  	s29 =	simm.s32 $0x9;
	_ =	strace $0x8000004B  }
0xb2: {  	_ =	swait.ge [sflag:s29], $0x1  }
0xb3: {  	[sflag:s29] =	ssyncadd.s32 $0xFFFFFFFF  }
0xb4: {  	_ =	strace $0x9000004B  }
0xb5: {  	_ =	sfence  }
0xb6: {  	s30 =	sld [smem:$0x0];
	_ =	sdelay $0x2  }
0xb7: {  	s31 =	sshll.u32 s1, $0xD;
	s1 =	sshrl.u32 s1, $0x2  }
0xb8: {  	s3 =	sand.u32 $0x4000, s31;
	s1 =	sadd.s32 s1, s30  }
0xb9: {  	s0 =	sor.u32 s3, s0;
	s1 =	sshll.u32 s1, $0x11  }
0xba: {  	s0 =	sor.u32 s1, s0  }
0xbb: {  	s0 =	sadd.s32 $0x8F2B, s0  }
0xbc: {  	[sflag:s0] =	ssyncadd.remote.s32 $0x1  }
0xbd: {  	_ =	sfence.sel $0xFFFF  }
0xbe: {  	[dreg:$0x0] =	wrdreg $0xFFFFFFFF;
	(pc) =	sbr.abs _section_cstart, $3  }
0xbf: {  	[dreg:$0x1] =	wrdreg $0xFFFFFFFF  }
0xc0: {  	_ =	task.clear_ibuf [dreg:s6], $0x2FFFF;
	_ =	strace $0x9FFFFFFF  }
0xc1: {  	(tm) =	ssettm $0x7FFFFFFF  }
tec
execute0_lowered:
.L_overlay_start_1:
0x0: {  	(tag) =	ssettag $0x1  }
0x1: {  	s1 =	srdreg.scid  }
0x2: {  	s0 =	stileid.u32;
	s4 =	rddreg [dreg:$0x0]  }
0x3: {  	s2 =	simm.s32 $0x0;
	s8 =	simm.s32 $0x80;
	s9 =	simm.s32 $0x6400  }
0x4: {  	s10 =	simm.s32 $0x48;
	s11 =	simm.s32 $0x7400;
	s12 =	simm.s32 $0x1  }
0x5: {  	s13 =	simm.s32 $0x7D00;
	s14 =	simm.s32 $0x8D00;
	s15 =	simm.s32 $0x2  }
0x6: {  	s16 =	simm.s32 $0x9600;
	s17 =	simm.s32 $0x0;
	s3 =	sand.u32 $0x1, s1  }
0x7: {  	s5 =	sshll.u32 s0, $0x8;
	[smem:$0x7FF] =	sst s2;
	s6 =	sshll.u32 s3, $0x7  }
0x8: {  	s1 =	rddreg [dreg:$0x1];
	_ =	strace $0x8000004A;
	s5 =	sor.u32 s6, s5  }
0x9: {  	s7 =	ssub.s32 $0x2, s3;
	s6 =	smul.u32 $0x19, s5;
	s5 =	sshll.u32 s5, $0x3  }
0xa: {  	s3 =	sadd.s32 $0x1000, s4;
	s31 =	sshrl.u32 s7, $0x1;
	s5 =	sadd.s32 s5, s4  }
0xb: {  	s7 =	ssub.s32 s7, s31;
	s6 =	sadd.s32 s6, s4;
	s5 =	sadd.s32 $0x3EAA00, s5  }
0xc: {  	s4 =	sadd.s32 $0x3D1A00, s6;
	s6 =	smax.u32 s7, $0x1;
	s7 =	simm.s32 $0x3  }
.LBB2_1:
0xd: {  	[tilespmem:s2], [sflag:$0x3] =	stream.linear.gather [hbm4b:s4+s2], $0x6400, $0x38;
	[tilespmem:$0xB600] =	vst v63  }
0xe: {  	_ =	swait.ge [sflag:s7], $0x6400  }
0xf: {  	[sflag:s7] =	ssyncset.done $0x0  }
0x10: {  	[sflag:s7] =	ssyncadd.s32 $0xFFFF9C00  }
0x11: {  	[tilespmem:s9], [sflag:$0x1] =	stream.indirect.gather [hbm4b:s3+s8], $0x20, s2, s8, $0xb8;
	[tilespmem:$0xB600] =	vst v63  }
0x12: {  	s18 =	simm.s32 $0x0  }
0x13: {  	[tilespmem:s11], [sflag:$0x1] =	stream.indirect.gather [hbm4b:s3+s10], $0x20, s8, s10, $0xb8;
	[tilespmem:$0xB600] =	vst v63  }
.LBB2_2:
0x14: {  	_ =	swait.ge [sflag:s12], $0x1000  }
0x15: {  	[sflag:s12] =	ssyncset.done $0x0  }
0x16: {  	s19 =	sshllo.u32 s18, $0x1;
	[sflag:s12] =	ssyncadd.s32 $0xFFFFF000  }
0x17: {  	s20 =	smul.u32 $0x320, s19;
	_ =	swait.ge [sflag:s12], $0x900  }
0x18: {  	[sflag:s12] =	ssyncset.done $0x0  }
0x19: {  	s20 =	sshra.s32 s20, $0x2;
	[sflag:s12] =	ssyncadd.s32 $0xFFFFF700  }
0x1a: {  	[tilespmem:s13], [sflag:$0x2] =	stream.indirect.gather [hbm4b:s3+s8], $0x20, s20, s8, $0xb8;
	[tilespmem:$0xB600] =	vst v63  }
0x1b: {  	s21 =	simm.s32 $0x6440;
	s20 =	sadd.s32 $0x80, s20  }
0x1c: {  	[tilespmem:s14], [sflag:$0x2] =	stream.indirect.gather [hbm4b:s3+s10], $0x20, s20, s10, $0xb8;
	[tilespmem:$0xB600] =	vst v63  }
0x1d: {  	v1 =	vld [tilespmem:s21+$0x20]  }
0x1e: {  	v4 =	vld [tilespmem:s21+$0x0]  }
0x1f: {  	v5 =	vld [tilespmem:s21+$0xFFFFFFE0]  }
0x20: {  	v10 =	vld [tilespmem:s21+$0xFFFFFFC0]  }
0x21: {  	v14 =	vld [tilespmem:s21+$0xFFFFFFD0];
	_ =	sdelay $0x1  }
0x22: {  	v7 =	vimm.f32 $0.0e+00;
	v3 =	vld [tilespmem:s21+$0xFFFFFFF0];
	v2 =	vunpack.i.u.bf16.f32 v4  }
0x23: {  	v0 =	vunpack.i.u.bf16.f32 v1;
	v1 =	vunpack.i.l.bf16.f32 v1;
	v8 =	vunpack.i.u.bf16.f32 v5  }
0x24: {  	v9 =	vunpack.i.l.bf16.f32 v5;
	v6 =	vunpack.i.l.bf16.f32 v4;
	v5 =	vunpack.i.l.bf16.f32 v10;
	v4 =	vld [tilespmem:s21+$0x10]  }
0x25: {  	v10 =	vunpack.i.u.bf16.f32 v10;
	v11 =	vunpack.i.u.bf16.f32 v14;
	v14 =	vunpack.i.l.bf16.f32 v14  }
0x26: {  	s20 =	simm.s32 $0x0;
	v12 =	vadd.f32 v5, v7;
	v13 =	vadd.f32 v10, v7;
	v5 =	vld [tilespmem:s21+$0x30];
	s21 =	simm.s32 $0x64C0;
	v10 =	vimm.f32 $0.0e+00  }
.LBB2_3:
0x27: {  	v15 =	vld [tilespmem:s21+$0x20];
	v7 =	vadd.f32 v14, v7;
	v10 =	vadd.f32 v11, v10;
	v11 =	vunpack.i.u.bf16.f32 v3  }
0x28: {  	v3 =	vunpack.i.l.bf16.f32 v3;
	v14 =	vld [tilespmem:s21+$0x0];
	v9 =	vadd.f32 v9, v12;
	v8 =	vadd.f32 v8, v13  }
0x29: {  	v12 =	vld [tilespmem:s21+$0xFFFFFFE0];
	v3 =	vadd.f32 v3, v7;
	v7 =	vadd.f32 v11, v10;
	v10 =	vunpack.i.u.bf16.f32 v4  }
0x2a: {  	v4 =	vunpack.i.l.bf16.f32 v4;
	v11 =	vld [tilespmem:s21+$0xFFFFFFC0];
	v6 =	vadd.f32 v6, v9;
	v2 =	vadd.f32 v2, v8  }
0x2b: {  	s20 =	sadd.s32 $0x4, s20;
	v16 =	vld [tilespmem:s21+$0xFFFFFFD0];
	v4 =	vadd.f32 v4, v3;
	v8 =	vadd.f32 v10, v7;
	v9 =	vunpack.i.u.bf16.f32 v5  }
0x2c: {  	p0 =	slt.u32 s20, $0xC4;
	v13 =	vadd.f32 v1, v6;
	v17 =	vadd.f32 v0, v2;
	v0 =	vunpack.i.l.bf16.f32 v5  }
.Ltmp0:
0x2d: {  	v3 =	vld [tilespmem:s21+$0xFFFFFFF0];
	v7 =	vadd.f32 v0, v4;
	v10 =	vadd.f32 v9, v8;
	(pc) =	sbr.rel @p0 .LBB2_3-.Ltmp0, $4  }
0x2e: {  	v1 =	vunpack.i.l.bf16.f32 v15;
	v2 =	vunpack.i.u.bf16.f32 v14;
	v0 =	vunpack.i.u.bf16.f32 v15  }
0x2f: {  	v6 =	vunpack.i.l.bf16.f32 v14;
	v8 =	vunpack.i.u.bf16.f32 v12;
	v9 =	vunpack.i.l.bf16.f32 v12;
	v4 =	vld [tilespmem:s21+$0x10]  }
0x30: {  	v5 =	vunpack.i.u.bf16.f32 v11;
	v12 =	vunpack.i.l.bf16.f32 v11;
	v11 =	vunpack.i.u.bf16.f32 v16  }
0x31: {  	v12 =	vadd.f32 v12, v13;
	v13 =	vadd.f32 v5, v17;
	v14 =	vunpack.i.l.bf16.f32 v16;
	v5 =	vld [tilespmem:s21+$0x30];
	s21 =	sadd.s32 $0x80, s21  }
0x32: {  	_ = 	snop  }
0x33: {  	v7 =	vadd.f32 v14, v7;
	v9 =	vadd.f32 v9, v12  }
0x34: {  	v10 =	vadd.f32 v11, v10;
	v11 =	vunpack.i.l.bf16.f32 v3;
	v8 =	vadd.f32 v8, v13  }
0x35: {  	v3 =	vunpack.i.u.bf16.f32 v3;
	v7 =	vadd.f32 v11, v7;
	v6 =	vadd.f32 v6, v9  }
0x36: {  	v3 =	vadd.f32 v3, v10;
	v2 =	vadd.f32 v2, v8;
	v8 =	vunpack.i.l.bf16.f32 v4  }
0x37: {  	v4 =	vunpack.i.u.bf16.f32 v4;
	v7 =	vadd.f32 v8, v7;
	v1 =	vadd.f32 v1, v6  }
0x38: {  	v3 =	vadd.f32 v4, v3;
	v0 =	vadd.f32 v0, v2;
	v2 =	vunpack.i.l.bf16.f32 v5  }
0x39: {  	s20 =	sshll.u32 s18, $0x7;
	v4 =	vunpack.i.u.bf16.f32 v5;
	v2 =	vadd.f32 v2, v7;
	v1 =	vmul.f32 $4.999999890e-03, v1  }
0x3a: {  	s20 =	sand.u32 $0x3FFFFF80, s20;
	v3 =	vadd.f32 v4, v3;
	v0 =	vmul.f32 $4.999999890e-03, v0  }
0x3b: {  	[tilespmem:s20+$0x9600] =	vst v1;
	v1 =	vmul.f32 $4.999999890e-03, v2  }
0x3c: {  	[tilespmem:s20+$0x9610] =	vst v0;
	v0 =	vmul.f32 $4.999999890e-03, v3  }
0x3d: {  	[tilespmem:s20+$0x9620] =	vst v1  }
0x3e: {  	[tilespmem:s20+$0x9630] =	vst v0  }
0x3f: {  	_ =	swait.ge [sflag:s15], $0x1000  }
0x40: {  	p0 =	seq.s32 s18, $0x3F;
	[sflag:s15] =	ssyncset.done $0x0  }
0x41: {  	s20 =	smul.u32 @!p0 $0x640, s18;
	[sflag:s15] =	ssyncadd.s32 $0xFFFFF000  }
0x42: {  	s31 =	simm.s32 $0x7D40;
	_ =	swait.ge [sflag:s15], $0x900  }
0x43: {  	s22 =	simm.s32 @!p0 $0x80;
	s20 =	sshra.s32 @!p0 s20, $0x2;
	[sflag:s15] =	ssyncset.done $0x0  }
0x44: {  	s23 =	simm.s32 @!p0 $0x6400;
	s21 =	sadd.s32 @!p0 $0x190, s20;
	[sflag:s15] =	ssyncadd.s32 $0xFFFFF700  }
0x45: {  	[tilespmem:s23], [sflag:$0x1] =	stream.indirect.gather @!p0 [hbm4b:s3+s22], $0x20, s21, s22, $0xb8;
	[tilespmem:$0xB600] =	vst v63  }
0x46: {  	s20 =	sadd.s32 @!p0 $0x210, s20;
	s21 =	simm.s32 @!p0 $0x48;
	s22 =	simm.s32 @!p0 $0x7400  }
0x47: {  	[tilespmem:s22], [sflag:$0x1] =	stream.indirect.gather @!p0 [hbm4b:s3+s21], $0x20, s20, s21, $0xb8;
	[tilespmem:$0xB600] =	vst v63  }
0x48: {  	v1 =	vld [tilespmem:s31+$0x20]  }
0x49: {  	v4 =	vld [tilespmem:s31+$0x0]  }
0x4a: {  	v5 =	vld [tilespmem:s31+$0xFFFFFFE0]  }
0x4b: {  	v10 =	vld [tilespmem:s31+$0xFFFFFFC0]  }
0x4c: {  	v14 =	vld [tilespmem:s31+$0xFFFFFFD0];
	_ =	sdelay $0x1  }
0x4d: {  	v7 =	vimm.f32 $0.0e+00;
	v3 =	vld [tilespmem:s31+$0xFFFFFFF0];
	v2 =	vunpack.i.u.bf16.f32 v4  }
0x4e: {  	v0 =	vunpack.i.u.bf16.f32 v1;
	v1 =	vunpack.i.l.bf16.f32 v1;
	v8 =	vunpack.i.u.bf16.f32 v5  }
0x4f: {  	v9 =	vunpack.i.l.bf16.f32 v5;
	v6 =	vunpack.i.l.bf16.f32 v4;
	v5 =	vunpack.i.l.bf16.f32 v10;
	v4 =	vld [tilespmem:s31+$0x10]  }
0x50: {  	v10 =	vunpack.i.u.bf16.f32 v10;
	v11 =	vunpack.i.u.bf16.f32 v14;
	v14 =	vunpack.i.l.bf16.f32 v14  }
0x51: {  	s20 =	simm.s32 $0x0;
	s21 =	simm.s32 $0x7DC0;
	v12 =	vadd.f32 v5, v7;
	v13 =	vadd.f32 v10, v7;
	v5 =	vld [tilespmem:s31+$0x30];
	v10 =	vimm.f32 $0.0e+00  }
.LBB2_5:
0x52: {  	v15 =	vld [tilespmem:s21+$0x20];
	v7 =	vadd.f32 v14, v7;
	v10 =	vadd.f32 v11, v10;
	v11 =	vunpack.i.u.bf16.f32 v3  }
0x53: {  	v3 =	vunpack.i.l.bf16.f32 v3;
	v14 =	vld [tilespmem:s21+$0x0];
	v9 =	vadd.f32 v9, v12;
	v8 =	vadd.f32 v8, v13  }
0x54: {  	v12 =	vld [tilespmem:s21+$0xFFFFFFE0];
	v3 =	vadd.f32 v3, v7;
	v7 =	vadd.f32 v11, v10;
	v10 =	vunpack.i.u.bf16.f32 v4  }
0x55: {  	v4 =	vunpack.i.l.bf16.f32 v4;
	v11 =	vld [tilespmem:s21+$0xFFFFFFC0];
	v6 =	vadd.f32 v6, v9;
	v2 =	vadd.f32 v2, v8  }
0x56: {  	s20 =	sadd.s32 $0x4, s20;
	v16 =	vld [tilespmem:s21+$0xFFFFFFD0];
	v4 =	vadd.f32 v4, v3;
	v8 =	vadd.f32 v10, v7;
	v9 =	vunpack.i.u.bf16.f32 v5  }
0x57: {  	p0 =	slt.u32 s20, $0xC4;
	v13 =	vadd.f32 v1, v6;
	v17 =	vadd.f32 v0, v2;
	v0 =	vunpack.i.l.bf16.f32 v5  }
.Ltmp1:
0x58: {  	v3 =	vld [tilespmem:s21+$0xFFFFFFF0];
	v7 =	vadd.f32 v0, v4;
	v10 =	vadd.f32 v9, v8;
	(pc) =	sbr.rel @p0 .LBB2_5-.Ltmp1, $4  }
0x59: {  	v1 =	vunpack.i.l.bf16.f32 v15;
	v2 =	vunpack.i.u.bf16.f32 v14;
	v0 =	vunpack.i.u.bf16.f32 v15  }
0x5a: {  	v6 =	vunpack.i.l.bf16.f32 v14;
	v8 =	vunpack.i.u.bf16.f32 v12;
	v9 =	vunpack.i.l.bf16.f32 v12;
	v4 =	vld [tilespmem:s21+$0x10]  }
0x5b: {  	v5 =	vunpack.i.u.bf16.f32 v11;
	v12 =	vunpack.i.l.bf16.f32 v11;
	v11 =	vunpack.i.u.bf16.f32 v16  }
0x5c: {  	v12 =	vadd.f32 v12, v13;
	v13 =	vadd.f32 v5, v17;
	v14 =	vunpack.i.l.bf16.f32 v16;
	v5 =	vld [tilespmem:s21+$0x30];
	s21 =	sadd.s32 $0x80, s21  }
0x5d: {  	_ = 	snop  }
0x5e: {  	v7 =	vadd.f32 v14, v7;
	v9 =	vadd.f32 v9, v12  }
0x5f: {  	v10 =	vadd.f32 v11, v10;
	v56 =	vunpack.i.l.bf16.f32 v3;
	v8 =	vadd.f32 v8, v13  }
0x60: {  	v57 =	vunpack.i.u.bf16.f32 v3;
	v7 =	vadd.f32 v56, v7;
	v6 =	vadd.f32 v6, v9  }
0x61: {  	v3 =	vadd.f32 v57, v10;
	v58 =	vunpack.i.l.bf16.f32 v4;
	v2 =	vadd.f32 v2, v8  }
0x62: {  	v59 =	vunpack.i.u.bf16.f32 v4;
	v7 =	vadd.f32 v58, v7;
	v1 =	vadd.f32 v1, v6  }
0x63: {  	s18 =	sadd.s32 $0x1, s18;
	v3 =	vadd.f32 v59, v3;
	v60 =	vunpack.i.l.bf16.f32 v5;
	v0 =	vadd.f32 v0, v2  }
0x64: {  	s19 =	sshll.u32 s19, $0x6;
	p0 =	sne.s32 s18, $0x40;
	v61 =	vunpack.i.u.bf16.f32 v5;
	v2 =	vadd.f32 v60, v7;
	v1 =	vmul.f32 $4.999999890e-03, v1  }
.Ltmp2:
0x65: {  	s19 =	sand.u32 $0x3FFFFFC0, s19;
	v3 =	vadd.f32 v61, v3;
	v0 =	vmul.f32 $4.999999890e-03, v0;
	(pc) =	sbr.rel @p0 .LBB2_2-.Ltmp2, $4  }
0x66: {  	v62 =	vmul.f32 $4.999999890e-03, v2;
	[tilespmem:s19+$0x9600] =	vst v1  }
0x67: {  	v63 =	vmul.f32 $4.999999890e-03, v3;
	[tilespmem:s19+$0x9610] =	vst v0  }
0x68: {  	[tilespmem:s19+$0x9620] =	vst v62  }
0x69: {  	[tilespmem:s19+$0x9630] =	vst v63  }
0x6a: {  	s17 =	sadd.s32 $0x1, s17  }
0x6b: {  	p0 =	sne.s32 s17, s6  }
.Ltmp3:
0x6c: {  	_ = 	snop;
	(pc) =	sbr.rel @p0 .LBB2_1-.Ltmp3, $4  }
0x6d: {  	[hbm4b:s5+s2] =	stream.linear.scatter [tilespmem:s16], [sflag:$0x3], $0x2000, $0x38;
	[tilespmem:$0xB600] =	vst v63  }
0x6e: {  	_ =	swait.ge [sflag:s7], $0x2000  }
0x6f: {  	[sflag:s7] =	ssyncset.done $0x0  }
0x70: {  	[sflag:s7] =	ssyncadd.s32 $0xFFFFE000  }
0x71: {  	_ =	sfence.sel $0x180000  }
0x72: {  	[bflag:$0x0] =	sbarrier.arrive $0xFFFF  }
0x73: {  	p0 =	sne.s32 s0, $0x0;
	_ =	strace $0x9000004A  }
0x74: {  	s0 =	sadd.s32 @!p0 $0x100000, s1;
	[bflag:$0x2] =	sbarrier.arrive $0xFFFF  }
0x75: {  	[sflag:s0] =	ssyncadd.tile.s32 @!p0 $0x1;
	_ =	shalt  }
.Lfunc_end2:
_tile_overlayer_lowered:
.L_overlay_start_2:
0x76: {  	(tag) =	ssettag $0x2  }
0x77: {  	s0 =	rddreg [dreg:$0x0];
	s2 =	stileid.u32  }
0x78: {  	s1 =	rddreg [dreg:$0x1];
	p0 =	sne.s32 s2, $0x0  }
0x79: {  	s3 =	rddreg [dreg:$0x2];
	[bflag:$0x3] =	sbarrier.arrive $0xFFFF;
	s2 =	simm.s32 @!p0 $0x1C03  }
0x7a: {  	[timem:s3], [sflag:s2] =	dma.local @!p0 [hbm:s0], s1  }
0x7b: {  	s0 =	simm.s32 @!p0 $0x3  }
0x7c: {  	_ =	swait.ge @!p0 [sflag:s0], s1  }
0x7d: {  	s1 =	ssub.s32 @!p0 $0x0, s1;
	[sflag:s0] =	ssyncset.done @!p0 $0x0  }
0x7e: {  	[sflag:s0] =	ssyncadd.s32 @!p0 s1  }
0x7f: {  	[bflag:$0x3] =	sbarrier.arrive $0xFFFF  }
0x80: {  	_ =	shalt  }

</sc_bundles>
